<compile_context>
chip_gen: v7x
topology: tpu7x:2x2x1
jax: 0.10.2.dev20260603
libtpu: 0.0.44.dev20260713+nightly
codegen_flags: <defaults>
</compile_context>

<pallas_src>
import functools

import jax
import jax.numpy as jnp
from jax import lax
from jax.experimental import pallas as pl
from jax.experimental.pallas import tpu as pltpu
from jax.experimental.pallas import tpu_sc as plsc

LENGTH = 200
EMBED_DIM = 128
BATCH = 1024
TOTAL = BATCH * LENGTH

NUM_CORES = 2
NUM_SUBCORES = 16
NUM_WORKERS = NUM_CORES * NUM_SUBCORES

LANES = 16
CHUNK = 128
ROWS_PER_WORKER = TOTAL // NUM_WORKERS
CHUNKS_PER_WORKER = ROWS_PER_WORKER // CHUNK

NBUF = 4
MAIN_ITERS = CHUNKS_PER_WORKER // NBUF
TAIL = CHUNKS_PER_WORKER - MAIN_ITERS * NBUF


def _gather_body(idx_hbm, table_hbm, out_hbm, table_v, idx_v,
                 buf0, buf1, buf2, buf3,
                 osem0, osem1, osem2, osem3, ssem0, ssem1):
    wid = lax.axis_index("s") * NUM_CORES + lax.axis_index("c")
    row_base = wid * ROWS_PER_WORKER

    tcopy = pltpu.make_async_copy(table_hbm, table_v, ssem0)
    icopy = pltpu.make_async_copy(
        idx_hbm.at[pl.ds(row_base, ROWS_PER_WORKER)], idx_v, ssem1)
    tcopy.start()
    icopy.start()
    tcopy.wait()
    icopy.wait()

    bufs = (buf0, buf1, buf2, buf3)
    osems = (osem0, osem1, osem2, osem3)
    lane_iota = lax.iota(jnp.int32, LANES)

    def out_desc(g, p):
        return pltpu.make_async_copy(
            bufs[p], out_hbm.at[pl.ds(row_base + g * CHUNK, CHUNK)], osems[p])

    def compute_chunk(g, p):
        buf = bufs[p]

        @plsc.parallel_loop(0, CHUNK, unroll=4)
        def _(r):
            rid = plsc.load_gather(
                idx_v, [jnp.full((LANES,), g * CHUNK + r, jnp.int32)])
            base = rid * EMBED_DIM + lane_iota
            for j in range(EMBED_DIM // LANES):
                vals = plsc.load_gather(table_v, [base + j * LANES])
                buf[r, pl.ds(j * LANES, LANES)] = vals

    def body(g, p, may_wait):
        if may_wait:
            @pl.when(g >= NBUF)
            def _():
                out_desc(g - NBUF, p).wait()
        compute_chunk(g, p)
        out_desc(g, p).start()

    def ring(go, _):
        for k in range(NBUF):
            body(go * NBUF + k, k, may_wait=True)
        return ()

    lax.fori_loop(0, MAIN_ITERS, ring, ())
    for k in range(TAIL):
        body(MAIN_ITERS * NBUF + k, k, may_wait=True)

    for g in range(CHUNKS_PER_WORKER - NBUF, CHUNKS_PER_WORKER):
        out_desc(g, g % NBUF).wait()


@functools.partial(jax.jit, static_argnames=())
def _run(flat_ids, embedding_flat):
    mesh = plsc.VectorSubcoreMesh(core_axis_name="c", subcore_axis_name="s")
    f = pl.kernel(
        _gather_body,
        mesh=mesh,
        compiler_params=pltpu.CompilerParams(needs_layout_passes=False),
        out_type=jax.ShapeDtypeStruct((TOTAL, EMBED_DIM), jnp.float32),
        scratch_types=(
            [pltpu.VMEM((LENGTH * EMBED_DIM,), jnp.float32),
             pltpu.VMEM((ROWS_PER_WORKER,), jnp.int32)]
            + [pltpu.VMEM((CHUNK, EMBED_DIM), jnp.float32)] * NBUF
            + [pltpu.SemaphoreType.DMA] * (NBUF + 2)
        ),
    )
    return f(flat_ids, embedding_flat)


def kernel(prompt_token_ids, embedding, input_ids):
    del input_ids
    flat = prompt_token_ids.reshape(TOTAL)
    return _run(flat, embedding.reshape(LENGTH * EMBED_DIM))

# --- scband reference (transcript-rebuilt; emitter-appended) ---
"""Pipeline reference for scband-prompt-encoder-14937896256170 (READ-ONLY COPY).

The authoritative reference and input builder live on the scoring server;
editing this copy changes nothing except your own understanding.
"""

import jax, jax.numpy as jnp
import numpy as np

LENGTH = 200
EMBED_DIM = 128
BATCH = 1024
ID_OFFSET = 0


def setup_inputs(seed: int = 0) -> dict:
    key = jax.random.key(seed)
    k1, k2 = jax.random.split(key)
    prompt_token_ids = jax.random.randint(k1, (BATCH, LENGTH), 0, LENGTH, dtype=jnp.int32)
    # learned prompt embedding table, init uniform(-0.5, 0.5) as in init_embedding with init_embs=None
    embedding = jax.random.uniform(k2, (LENGTH, EMBED_DIM), minval=-0.5, maxval=0.5, dtype=jnp.float32)
    # non-trainable input_ids buffer = prompt_ids = range(LENGTH)
    input_ids = jnp.arange(LENGTH, dtype=jnp.int32)
    return {"prompt_token_ids": prompt_token_ids, "embedding": embedding, "input_ids": input_ids}


def reference(prompt_token_ids, embedding, input_ids):
    # PromptEncoder.forward with id_offset == 0: map raw token ids to local prompt
    # indices by matching against input_ids, then forward_step = embedding lookup
    # (the canonical concrete forward_step of PromptEncoder subclasses).
    flat = prompt_token_ids.reshape(-1)
    match = (flat[:, None] == input_ids[None, :]).astype(jnp.int32)
    index_list = jnp.argmax(match, axis=1)
    ret_embeds = jnp.take(embedding, index_list, axis=0)
    return ret_embeds

if __name__ == "__main__":
    import jax
    _d = setup_inputs()
    print(jax.jit(kernel)(*tuple(_d.values())))

</pallas_src>

<mosaic_0001>
#map = affine_map<(d0, d1) -> (0)>
#map1 = affine_map<(d0, d1) -> (0, 0)>
module attributes {stable_mosaic.version = 14 : i64} {
  func.func @_gather_body(%arg0: i32, %arg1: i32, %arg2: memref<204800xi32, #tpu.memory_space<hbm>>, %arg3: memref<25600xf32, #tpu.memory_space<hbm>>, %arg4: memref<204800x128xf32, #tpu.memory_space<hbm>>, %arg5: memref<25600xf32, #tpu.memory_space<vmem>>, %arg6: memref<6400xi32, #tpu.memory_space<vmem>>, %arg7: memref<128x128xf32, #tpu.memory_space<vmem>>, %arg8: memref<128x128xf32, #tpu.memory_space<vmem>>, %arg9: memref<128x128xf32, #tpu.memory_space<vmem>>, %arg10: memref<128x128xf32, #tpu.memory_space<vmem>>, %arg11: memref<!tpu.dma_semaphore, #tpu.memory_space<semaphore_mem>>, %arg12: memref<!tpu.dma_semaphore, #tpu.memory_space<semaphore_mem>>, %arg13: memref<!tpu.dma_semaphore, #tpu.memory_space<semaphore_mem>>, %arg14: memref<!tpu.dma_semaphore, #tpu.memory_space<semaphore_mem>>, %arg15: memref<!tpu.dma_semaphore, #tpu.memory_space<semaphore_mem>>, %arg16: memref<!tpu.dma_semaphore, #tpu.memory_space<semaphore_mem>>) attributes {dimension_semantics = [#tpu.dimension_semantics<core_parallel>, #tpu.dimension_semantics<subcore_parallel>], iteration_bounds = array<i64: 2, 16>, scalar_prefetch = 0 : i64, scratch_operands = 12 : i64, tpu.core_type = #tpu.core_type<sc_vector_subcore>, window_params = [{transform_indices = #map}, {transform_indices = #map}, {transform_indices = #map1}]} {
    %mul3A = arith.constant 2 : i32
    %mul3A_0 = arith.muli %arg1, %mul3A : i32
    %add3A = arith.addi %mul3A_0, %arg0 : i32
    %mul3A_1 = arith.constant 6400 : i32
    %mul3A_2 = arith.muli %add3A, %mul3A_1 : i32
    tpu.enqueue_dma source(%arg3 : memref<25600xf32, #tpu.memory_space<hbm>>) target(%arg5 : memref<25600xf32, #tpu.memory_space<vmem>>) target_semaphore(%arg15 : memref<!tpu.dma_semaphore, #tpu.memory_space<semaphore_mem>>)
    %dma_start3A = tpu.memref_slice %arg2[%mul3A_2] : memref<204800xi32, #tpu.memory_space<hbm>> -> memref<6400xi32, #tpu.memory_space<hbm>>
    %dma_start3A_3 = tpu.memref_slice %arg2[%mul3A_2] : memref<204800xi32, #tpu.memory_space<hbm>> -> memref<6400xi32, #tpu.memory_space<hbm>>
    tpu.enqueue_dma source(%dma_start3A_3 : memref<6400xi32, #tpu.memory_space<hbm>>) target(%arg6 : memref<6400xi32, #tpu.memory_space<vmem>>) target_semaphore(%arg16 : memref<!tpu.dma_semaphore, #tpu.memory_space<semaphore_mem>>)
    tpu.wait_dma2 semaphore(%arg15 : memref<!tpu.dma_semaphore, #tpu.memory_space<semaphore_mem>>) src(%arg3 : memref<25600xf32, #tpu.memory_space<hbm>>) dst(%arg5 : memref<25600xf32, #tpu.memory_space<vmem>>)
    %dma_wait3A = tpu.memref_slice %arg2[%mul3A_2] : memref<204800xi32, #tpu.memory_space<hbm>> -> memref<6400xi32, #tpu.memory_space<hbm>>
    %dma_wait3A_4 = tpu.memref_slice %arg2[%mul3A_2] : memref<204800xi32, #tpu.memory_space<hbm>> -> memref<6400xi32, #tpu.memory_space<hbm>>
    tpu.wait_dma2 semaphore(%arg16 : memref<!tpu.dma_semaphore, #tpu.memory_space<semaphore_mem>>) src(%dma_wait3A_4 : memref<6400xi32, #tpu.memory_space<hbm>>) dst(%arg6 : memref<6400xi32, #tpu.memory_space<vmem>>)
    %iota3A = tpu.iota {dimensions = array<i32: 0>} : vector<16xi32>
    %scan3A = arith.constant 0 : i32
    %scan3A_5 = arith.constant 12 : i32
    %scan3A_6 = arith.addi %scan3A, %scan3A_5 : i32
    %scan3A_7 = arith.constant 1 : i32
    scf.for %scan3A_62 = %scan3A to %scan3A_6 step %scan3A_7  : i32 {
      %mul3A_63 = arith.constant 4 : i32
      %mul3A_64 = arith.muli %scan3A_62, %mul3A_63 : i32
      %add3A_65 = arith.constant 0 : i32
      %add3A_66 = arith.addi %mul3A_64, %add3A_65 : i32
      %ge3A = arith.constant 4 : i32
      %ge3A_67 = arith.cmpi sge, %add3A_66, %ge3A : i32
      %convert_element_type3A = arith.extui %ge3A_67 : i1 to i32
      %cond3A = arith.constant 0 : i32
      %cond3A_68 = arith.cmpi ne, %convert_element_type3A, %cond3A : i32
      scf.if %cond3A_68 {
        %sub3A = arith.constant 4 : i32
        %sub3A_136 = arith.subi %add3A_66, %sub3A : i32
        %mul3A_137 = arith.constant 128 : i32
        %mul3A_138 = arith.muli %sub3A_136, %mul3A_137 : i32
        %add3A_139 = arith.addi %mul3A_2, %mul3A_138 : i32
        %dma_wait3A_140 = arith.constant 0 : i32
        %dma_wait3A_141 = tpu.memref_slice %arg4[%add3A_139, %dma_wait3A_140] : memref<204800x128xf32, #tpu.memory_space<hbm>> -> memref<128x128xf32, #tpu.memory_space<hbm>>
        %dma_wait3A_142 = arith.constant 0 : i32
        %dma_wait3A_143 = tpu.memref_slice %arg4[%add3A_139, %dma_wait3A_142] : memref<204800x128xf32, #tpu.memory_space<hbm>> -> memref<128x128xf32, #tpu.memory_space<hbm>>
        tpu.wait_dma2 semaphore(%arg11 : memref<!tpu.dma_semaphore, #tpu.memory_space<semaphore_mem>>) src(%arg7 : memref<128x128xf32, #tpu.memory_space<vmem>>) dst(%dma_wait3A_143 : memref<128x128xf32, #tpu.memory_space<hbm>>)
      } else {
      }
      %parallel_loop3A_69 = arith.constant 0 : i32
      %parallel_loop3A_70 = arith.constant 128 : i32
      %parallel_loop3A_71 = arith.constant 1 : i32
      scf.for %parallel_loop3A_136 = %parallel_loop3A_69 to %parallel_loop3A_70 step %parallel_loop3A_71  : i32 {
        %parallel_loop3A_137 = arith.constant 128 : i32
        %parallel_loop3A_138 = arith.muli %add3A_66, %parallel_loop3A_137 : i32
        %parallel_loop3A_139 = arith.addi %parallel_loop3A_138, %parallel_loop3A_136 : i32
        %parallel_loop3A_140 = vector.broadcast %parallel_loop3A_139 : i32 to vector<16xi32>
        %parallel_loop3A_141 = tpu.vector_load_idx %arg6[%parallel_loop3A_140] : memref<6400xi32, #tpu.memory_space<vmem>>[vector<16xi32>], vector<16xi32>,
        %parallel_loop3A_142 = arith.constant 128 : i32
        %parallel_loop3A_143 = vector.broadcast %parallel_loop3A_142 : i32 to vector<16xi32>
        %parallel_loop3A_144 = arith.muli %parallel_loop3A_141, %parallel_loop3A_143 : vector<16xi32>
        %parallel_loop3A_145 = arith.addi %parallel_loop3A_144, %iota3A : vector<16xi32>
        %parallel_loop3A_146 = arith.constant 0 : i32
        %parallel_loop3A_147 = vector.broadcast %parallel_loop3A_146 : i32 to vector<16xi32>
        %parallel_loop3A_148 = arith.addi %parallel_loop3A_145, %parallel_loop3A_147 : vector<16xi32>
        %parallel_loop3A_149 = tpu.vector_load_idx %arg5[%parallel_loop3A_148] : memref<25600xf32, #tpu.memory_space<vmem>>[vector<16xi32>], vector<16xf32>,
        %parallel_loop3A_150 = arith.index_cast %parallel_loop3A_136 : i32 to index
        %parallel_loop3A_151 = arith.constant 0 : index
        %parallel_loop3A_152 = tpu.vector_load %arg7[%parallel_loop3A_150, %parallel_loop3A_151] {strides = array<i32>} : memref<128x128xf32, #tpu.memory_space<vmem>>, vector<16xf32>,
        tpu.vector_store %arg7[%parallel_loop3A_150, %parallel_loop3A_151], %parallel_loop3A_149 {strides = array<i32>} : memref<128x128xf32, #tpu.memory_space<vmem>>, vector<16xf32>,
        %parallel_loop3A_153 = arith.constant 16 : i32
        %parallel_loop3A_154 = vector.broadcast %parallel_loop3A_153 : i32 to vector<16xi32>
        %parallel_loop3A_155 = arith.addi %parallel_loop3A_145, %parallel_loop3A_154 : vector<16xi32>
        %parallel_loop3A_156 = tpu.vector_load_idx %arg5[%parallel_loop3A_155] : memref<25600xf32, #tpu.memory_space<vmem>>[vector<16xi32>], vector<16xf32>,
        %parallel_loop3A_157 = arith.index_cast %parallel_loop3A_136 : i32 to index
        %parallel_loop3A_158 = arith.constant 16 : index
        %parallel_loop3A_159 = tpu.vector_load %arg7[%parallel_loop3A_157, %parallel_loop3A_158] {strides = array<i32>} : memref<128x128xf32, #tpu.memory_space<vmem>>, vector<16xf32>,
        tpu.vector_store %arg7[%parallel_loop3A_157, %parallel_loop3A_158], %parallel_loop3A_156 {strides = array<i32>} : memref<128x128xf32, #tpu.memory_space<vmem>>, vector<16xf32>,
        %parallel_loop3A_160 = arith.constant 32 : i32
        %parallel_loop3A_161 = vector.broadcast %parallel_loop3A_160 : i32 to vector<16xi32>
        %parallel_loop3A_162 = arith.addi %parallel_loop3A_145, %parallel_loop3A_161 : vector<16xi32>
        %parallel_loop3A_163 = tpu.vector_load_idx %arg5[%parallel_loop3A_162] : memref<25600xf32, #tpu.memory_space<vmem>>[vector<16xi32>], vector<16xf32>,
        %parallel_loop3A_164 = arith.index_cast %parallel_loop3A_136 : i32 to index
        %parallel_loop3A_165 = arith.constant 32 : index
        %parallel_loop3A_166 = tpu.vector_load %arg7[%parallel_loop3A_164, %parallel_loop3A_165] {strides = array<i32>} : memref<128x128xf32, #tpu.memory_space<vmem>>, vector<16xf32>,
        tpu.vector_store %arg7[%parallel_loop3A_164, %parallel_loop3A_165], %parallel_loop3A_163 {strides = array<i32>} : memref<128x128xf32, #tpu.memory_space<vmem>>, vector<16xf32>,
        %parallel_loop3A_167 = arith.constant 48 : i32
        %parallel_loop3A_168 = vector.broadcast %parallel_loop3A_167 : i32 to vector<16xi32>
        %parallel_loop3A_169 = arith.addi %parallel_loop3A_145, %parallel_loop3A_168 : vector<16xi32>
        %parallel_loop3A_170 = tpu.vector_load_idx %arg5[%parallel_loop3A_169] : memref<25600xf32, #tpu.memory_space<vmem>>[vector<16xi32>], vector<16xf32>,
        %parallel_loop3A_171 = arith.index_cast %parallel_loop3A_136 : i32 to index
        %parallel_loop3A_172 = arith.constant 48 : index
        %parallel_loop3A_173 = tpu.vector_load %arg7[%parallel_loop3A_171, %parallel_loop3A_172] {strides = array<i32>} : memref<128x128xf32, #tpu.memory_space<vmem>>, vector<16xf32>,
        tpu.vector_store %arg7[%parallel_loop3A_171, %parallel_loop3A_172], %parallel_loop3A_170 {strides = array<i32>} : memref<128x128xf32, #tpu.memory_space<vmem>>, vector<16xf32>,
        %parallel_loop3A_174 = arith.constant 64 : i32
        %parallel_loop3A_175 = vector.broadcast %parallel_loop3A_174 : i32 to vector<16xi32>
        %parallel_loop3A_176 = arith.addi %parallel_loop3A_145, %parallel_loop3A_175 : vector<16xi32>
        %parallel_loop3A_177 = tpu.vector_load_idx %arg5[%parallel_loop3A_176] : memref<25600xf32, #tpu.memory_space<vmem>>[vector<16xi32>], vector<16xf32>,
        %parallel_loop3A_178 = arith.index_cast %parallel_loop3A_136 : i32 to index
        %parallel_loop3A_179 = arith.constant 64 : index
        %parallel_loop3A_180 = tpu.vector_load %arg7[%parallel_loop3A_178, %parallel_loop3A_179] {strides = array<i32>} : memref<128x128xf32, #tpu.memory_space<vmem>>, vector<16xf32>,
        tpu.vector_store %arg7[%parallel_loop3A_178, %parallel_loop3A_179], %parallel_loop3A_177 {strides = array<i32>} : memref<128x128xf32, #tpu.memory_space<vmem>>, vector<16xf32>,
        %parallel_loop3A_181 = arith.constant 80 : i32
        %parallel_loop3A_182 = vector.broadcast %parallel_loop3A_181 : i32 to vector<16xi32>
        %parallel_loop3A_183 = arith.addi %parallel_loop3A_145, %parallel_loop3A_182 : vector<16xi32>
        %parallel_loop3A_184 = tpu.vector_load_idx %arg5[%parallel_loop3A_183] : memref<25600xf32, #tpu.memory_space<vmem>>[vector<16xi32>], vector<16xf32>,
        %parallel_loop3A_185 = arith.index_cast %parallel_loop3A_136 : i32 to index
        %parallel_loop3A_186 = arith.constant 80 : index
        %parallel_loop3A_187 = tpu.vector_load %arg7[%parallel_loop3A_185, %parallel_loop3A_186] {strides = array<i32>} : memref<128x128xf32, #tpu.memory_space<vmem>>, vector<16xf32>,
        tpu.vector_store %arg7[%parallel_loop3A_185, %parallel_loop3A_186], %parallel_loop3A_184 {strides = array<i32>} : memref<128x128xf32, #tpu.memory_space<vmem>>, vector<16xf32>,
        %parallel_loop3A_188 = arith.constant 96 : i32
        %parallel_loop3A_189 = vector.broadcast %parallel_loop3A_188 : i32 to vector<16xi32>
        %parallel_loop3A_190 = arith.addi %parallel_loop3A_145, %parallel_loop3A_189 : vector<16xi32>
        %parallel_loop3A_191 = tpu.vector_load_idx %arg5[%parallel_loop3A_190] : memref<25600xf32, #tpu.memory_space<vmem>>[vector<16xi32>], vector<16xf32>,
        %parallel_loop3A_192 = arith.index_cast %parallel_loop3A_136 : i32 to index
        %parallel_loop3A_193 = arith.constant 96 : index
        %parallel_loop3A_194 = tpu.vector_load %arg7[%parallel_loop3A_192, %parallel_loop3A_193] {strides = array<i32>} : memref<128x128xf32, #tpu.memory_space<vmem>>, vector<16xf32>,
        tpu.vector_store %arg7[%parallel_loop3A_192, %parallel_loop3A_193], %parallel_loop3A_191 {strides = array<i32>} : memref<128x128xf32, #tpu.memory_space<vmem>>, vector<16xf32>,
        %parallel_loop3A_195 = arith.constant 112 : i32
        %parallel_loop3A_196 = vector.broadcast %parallel_loop3A_195 : i32 to vector<16xi32>
        %parallel_loop3A_197 = arith.addi %parallel_loop3A_145, %parallel_loop3A_196 : vector<16xi32>
        %parallel_loop3A_198 = tpu.vector_load_idx %arg5[%parallel_loop3A_197] : memref<25600xf32, #tpu.memory_space<vmem>>[vector<16xi32>], vector<16xf32>,
        %parallel_loop3A_199 = arith.index_cast %parallel_loop3A_136 : i32 to index
        %parallel_loop3A_200 = arith.constant 112 : index
        %parallel_loop3A_201 = tpu.vector_load %arg7[%parallel_loop3A_199, %parallel_loop3A_200] {strides = array<i32>} : memref<128x128xf32, #tpu.memory_space<vmem>>, vector<16xf32>,
        tpu.vector_store %arg7[%parallel_loop3A_199, %parallel_loop3A_200], %parallel_loop3A_198 {strides = array<i32>} : memref<128x128xf32, #tpu.memory_space<vmem>>, vector<16xf32>,
      } {sc.loop_unroll_factor = 4 : i64, sc.parallel_access}
      %mul3A_72 = arith.constant 128 : i32
      %mul3A_73 = arith.muli %add3A_66, %mul3A_72 : i32
      %add3A_74 = arith.addi %mul3A_2, %mul3A_73 : i32
      %dma_start3A_75 = arith.constant 0 : i32
      %dma_start3A_76 = tpu.memref_slice %arg4[%add3A_74, %dma_start3A_75] : memref<204800x128xf32, #tpu.memory_space<hbm>> -> memref<128x128xf32, #tpu.memory_space<hbm>>
      %dma_start3A_77 = arith.constant 0 : i32
      %dma_start3A_78 = tpu.memref_slice %arg4[%add3A_74, %dma_start3A_77] : memref<204800x128xf32, #tpu.memory_space<hbm>> -> memref<128x128xf32, #tpu.memory_space<hbm>>
      tpu.enqueue_dma source(%arg7 : memref<128x128xf32, #tpu.memory_space<vmem>>) target(%dma_start3A_78 : memref<128x128xf32, #tpu.memory_space<hbm>>) target_semaphore(%arg11 : memref<!tpu.dma_semaphore, #tpu.memory_space<semaphore_mem>>)
      %mul3A_79 = arith.constant 4 : i32
      %mul3A_80 = arith.muli %scan3A_62, %mul3A_79 : i32
      %add3A_81 = arith.constant 1 : i32
      %add3A_82 = arith.addi %mul3A_80, %add3A_81 : i32
      %ge3A_83 = arith.constant 4 : i32
      %ge3A_84 = arith.cmpi sge, %add3A_82, %ge3A_83 : i32
      %convert_element_type3A_85 = arith.extui %ge3A_84 : i1 to i32
      %cond3A_86 = arith.constant 0 : i32
      %cond3A_87 = arith.cmpi ne, %convert_element_type3A_85, %cond3A_86 : i32
      scf.if %cond3A_87 {
        %sub3A = arith.constant 4 : i32
        %sub3A_136 = arith.subi %add3A_82, %sub3A : i32
        %mul3A_137 = arith.constant 128 : i32
        %mul3A_138 = arith.muli %sub3A_136, %mul3A_137 : i32
        %add3A_139 = arith.addi %mul3A_2, %mul3A_138 : i32
        %dma_wait3A_140 = arith.constant 0 : i32
        %dma_wait3A_141 = tpu.memref_slice %arg4[%add3A_139, %dma_wait3A_140] : memref<204800x128xf32, #tpu.memory_space<hbm>> -> memref<128x128xf32, #tpu.memory_space<hbm>>
        %dma_wait3A_142 = arith.constant 0 : i32
        %dma_wait3A_143 = tpu.memref_slice %arg4[%add3A_139, %dma_wait3A_142] : memref<204800x128xf32, #tpu.memory_space<hbm>> -> memref<128x128xf32, #tpu.memory_space<hbm>>
        tpu.wait_dma2 semaphore(%arg12 : memref<!tpu.dma_semaphore, #tpu.memory_space<semaphore_mem>>) src(%arg8 : memref<128x128xf32, #tpu.memory_space<vmem>>) dst(%dma_wait3A_143 : memref<128x128xf32, #tpu.memory_space<hbm>>)
      } else {
      }
      %parallel_loop3A_88 = arith.constant 0 : i32
      %parallel_loop3A_89 = arith.constant 128 : i32
      %parallel_loop3A_90 = arith.constant 1 : i32
      scf.for %parallel_loop3A_136 = %parallel_loop3A_88 to %parallel_loop3A_89 step %parallel_loop3A_90  : i32 {
        %parallel_loop3A_137 = arith.constant 128 : i32
        %parallel_loop3A_138 = arith.muli %add3A_82, %parallel_loop3A_137 : i32
        %parallel_loop3A_139 = arith.addi %parallel_loop3A_138, %parallel_loop3A_136 : i32
        %parallel_loop3A_140 = vector.broadcast %parallel_loop3A_139 : i32 to vector<16xi32>
        %parallel_loop3A_141 = tpu.vector_load_idx %arg6[%parallel_loop3A_140] : memref<6400xi32, #tpu.memory_space<vmem>>[vector<16xi32>], vector<16xi32>,
        %parallel_loop3A_142 = arith.constant 128 : i32
        %parallel_loop3A_143 = vector.broadcast %parallel_loop3A_142 : i32 to vector<16xi32>
        %parallel_loop3A_144 = arith.muli %parallel_loop3A_141, %parallel_loop3A_143 : vector<16xi32>
        %parallel_loop3A_145 = arith.addi %parallel_loop3A_144, %iota3A : vector<16xi32>
        %parallel_loop3A_146 = arith.constant 0 : i32
        %parallel_loop3A_147 = vector.broadcast %parallel_loop3A_146 : i32 to vector<16xi32>
        %parallel_loop3A_148 = arith.addi %parallel_loop3A_145, %parallel_loop3A_147 : vector<16xi32>
        %parallel_loop3A_149 = tpu.vector_load_idx %arg5[%parallel_loop3A_148] : memref<25600xf32, #tpu.memory_space<vmem>>[vector<16xi32>], vector<16xf32>,
        %parallel_loop3A_150 = arith.index_cast %parallel_loop3A_136 : i32 to index
        %parallel_loop3A_151 = arith.constant 0 : index
        %parallel_loop3A_152 = tpu.vector_load %arg8[%parallel_loop3A_150, %parallel_loop3A_151] {strides = array<i32>} : memref<128x128xf32, #tpu.memory_space<vmem>>, vector<16xf32>,
        tpu.vector_store %arg8[%parallel_loop3A_150, %parallel_loop3A_151], %parallel_loop3A_149 {strides = array<i32>} : memref<128x128xf32, #tpu.memory_space<vmem>>, vector<16xf32>,
        %parallel_loop3A_153 = arith.constant 16 : i32
        %parallel_loop3A_154 = vector.broadcast %parallel_loop3A_153 : i32 to vector<16xi32>
        %parallel_loop3A_155 = arith.addi %parallel_loop3A_145, %parallel_loop3A_154 : vector<16xi32>
        %parallel_loop3A_156 = tpu.vector_load_idx %arg5[%parallel_loop3A_155] : memref<25600xf32, #tpu.memory_space<vmem>>[vector<16xi32>], vector<16xf32>,
        %parallel_loop3A_157 = arith.index_cast %parallel_loop3A_136 : i32 to index
        %parallel_loop3A_158 = arith.constant 16 : index
        %parallel_loop3A_159 = tpu.vector_load %arg8[%parallel_loop3A_157, %parallel_loop3A_158] {strides = array<i32>} : memref<128x128xf32, #tpu.memory_space<vmem>>, vector<16xf32>,
        tpu.vector_store %arg8[%parallel_loop3A_157, %parallel_loop3A_158], %parallel_loop3A_156 {strides = array<i32>} : memref<128x128xf32, #tpu.memory_space<vmem>>, vector<16xf32>,
        %parallel_loop3A_160 = arith.constant 32 : i32
        %parallel_loop3A_161 = vector.broadcast %parallel_loop3A_160 : i32 to vector<16xi32>
        %parallel_loop3A_162 = arith.addi %parallel_loop3A_145, %parallel_loop3A_161 : vector<16xi32>
        %parallel_loop3A_163 = tpu.vector_load_idx %arg5[%parallel_loop3A_162] : memref<25600xf32, #tpu.memory_space<vmem>>[vector<16xi32>], vector<16xf32>,
        %parallel_loop3A_164 = arith.index_cast %parallel_loop3A_136 : i32 to index
        %parallel_loop3A_165 = arith.constant 32 : index
        %parallel_loop3A_166 = tpu.vector_load %arg8[%parallel_loop3A_164, %parallel_loop3A_165] {strides = array<i32>} : memref<128x128xf32, #tpu.memory_space<vmem>>, vector<16xf32>,
        tpu.vector_store %arg8[%parallel_loop3A_164, %parallel_loop3A_165], %parallel_loop3A_163 {strides = array<i32>} : memref<128x128xf32, #tpu.memory_space<vmem>>, vector<16xf32>,
        %parallel_loop3A_167 = arith.constant 48 : i32
        %parallel_loop3A_168 = vector.broadcast %parallel_loop3A_167 : i32 to vector<16xi32>
        %parallel_loop3A_169 = arith.addi %parallel_loop3A_145, %parallel_loop3A_168 : vector<16xi32>
        %parallel_loop3A_170 = tpu.vector_load_idx %arg5[%parallel_loop3A_169] : memref<25600xf32, #tpu.memory_space<vmem>>[vector<16xi32>], vector<16xf32>,
        %parallel_loop3A_171 = arith.index_cast %parallel_loop3A_136 : i32 to index
        %parallel_loop3A_172 = arith.constant 48 : index
        %parallel_loop3A_173 = tpu.vector_load %arg8[%parallel_loop3A_171, %parallel_loop3A_172] {strides = array<i32>} : memref<128x128xf32, #tpu.memory_space<vmem>>, vector<16xf32>,
        tpu.vector_store %arg8[%parallel_loop3A_171, %parallel_loop3A_172], %parallel_loop3A_170 {strides = array<i32>} : memref<128x128xf32, #tpu.memory_space<vmem>>, vector<16xf32>,
        %parallel_loop3A_174 = arith.constant 64 : i32
        %parallel_loop3A_175 = vector.broadcast %parallel_loop3A_174 : i32 to vector<16xi32>
        %parallel_loop3A_176 = arith.addi %parallel_loop3A_145, %parallel_loop3A_175 : vector<16xi32>
        %parallel_loop3A_177 = tpu.vector_load_idx %arg5[%parallel_loop3A_176] : memref<25600xf32, #tpu.memory_space<vmem>>[vector<16xi32>], vector<16xf32>,
        %parallel_loop3A_178 = arith.index_cast %parallel_loop3A_136 : i32 to index
        %parallel_loop3A_179 = arith.constant 64 : index
        %parallel_loop3A_180 = tpu.vector_load %arg8[%parallel_loop3A_178, %parallel_loop3A_179] {strides = array<i32>} : memref<128x128xf32, #tpu.memory_space<vmem>>, vector<16xf32>,
        tpu.vector_store %arg8[%parallel_loop3A_178, %parallel_loop3A_179], %parallel_loop3A_177 {strides = array<i32>} : memref<128x128xf32, #tpu.memory_space<vmem>>, vector<16xf32>,
        %parallel_loop3A_181 = arith.constant 80 : i32
        %parallel_loop3A_182 = vector.broadcast %parallel_loop3A_181 : i32 to vector<16xi32>
        %parallel_loop3A_183 = arith.addi %parallel_loop3A_145, %parallel_loop3A_182 : vector<16xi32>
        %parallel_loop3A_184 = tpu.vector_load_idx %arg5[%parallel_loop3A_183] : memref<25600xf32, #tpu.memory_space<vmem>>[vector<16xi32>], vector<16xf32>,
        %parallel_loop3A_185 = arith.index_cast %parallel_loop3A_136 : i32 to index
        %parallel_loop3A_186 = arith.constant 80 : index
        %parallel_loop3A_187 = tpu.vector_load %arg8[%parallel_loop3A_185, %parallel_loop3A_186] {strides = array<i32>} : memref<128x128xf32, #tpu.memory_space<vmem>>, vector<16xf32>,
        tpu.vector_store %arg8[%parallel_loop3A_185, %parallel_loop3A_186], %parallel_loop3A_184 {strides = array<i32>} : memref<128x128xf32, #tpu.memory_space<vmem>>, vector<16xf32>,
        %parallel_loop3A_188 = arith.constant 96 : i32
        %parallel_loop3A_189 = vector.broadcast %parallel_loop3A_188 : i32 to vector<16xi32>
        %parallel_loop3A_190 = arith.addi %parallel_loop3A_145, %parallel_loop3A_189 : vector<16xi32>
        %parallel_loop3A_191 = tpu.vector_load_idx %arg5[%parallel_loop3A_190] : memref<25600xf32, #tpu.memory_space<vmem>>[vector<16xi32>], vector<16xf32>,
        %parallel_loop3A_192 = arith.index_cast %parallel_loop3A_136 : i32 to index
        %parallel_loop3A_193 = arith.constant 96 : index
        %parallel_loop3A_194 = tpu.vector_load %arg8[%parallel_loop3A_192, %parallel_loop3A_193] {strides = array<i32>} : memref<128x128xf32, #tpu.memory_space<vmem>>, vector<16xf32>,
        tpu.vector_store %arg8[%parallel_loop3A_192, %parallel_loop3A_193], %parallel_loop3A_191 {strides = array<i32>} : memref<128x128xf32, #tpu.memory_space<vmem>>, vector<16xf32>,
        %parallel_loop3A_195 = arith.constant 112 : i32
        %parallel_loop3A_196 = vector.broadcast %parallel_loop3A_195 : i32 to vector<16xi32>
        %parallel_loop3A_197 = arith.addi %parallel_loop3A_145, %parallel_loop3A_196 : vector<16xi32>
        %parallel_loop3A_198 = tpu.vector_load_idx %arg5[%parallel_loop3A_197] : memref<25600xf32, #tpu.memory_space<vmem>>[vector<16xi32>], vector<16xf32>,
        %parallel_loop3A_199 = arith.index_cast %parallel_loop3A_136 : i32 to index
        %parallel_loop3A_200 = arith.constant 112 : index
        %parallel_loop3A_201 = tpu.vector_load %arg8[%parallel_loop3A_199, %parallel_loop3A_200] {strides = array<i32>} : memref<128x128xf32, #tpu.memory_space<vmem>>, vector<16xf32>,
        tpu.vector_store %arg8[%parallel_loop3A_199, %parallel_loop3A_200], %parallel_loop3A_198 {strides = array<i32>} : memref<128x128xf32, #tpu.memory_space<vmem>>, vector<16xf32>,
      } {sc.loop_unroll_factor = 4 : i64, sc.parallel_access}
      %mul3A_91 = arith.constant 128 : i32
      %mul3A_92 = arith.muli %add3A_82, %mul3A_91 : i32
      %add3A_93 = arith.addi %mul3A_2, %mul3A_92 : i32
      %dma_start3A_94 = arith.constant 0 : i32
      %dma_start3A_95 = tpu.memref_slice %arg4[%add3A_93, %dma_start3A_94] : memref<204800x128xf32, #tpu.memory_space<hbm>> -> memref<128x128xf32, #tpu.memory_space<hbm>>
      %dma_start3A_96 = arith.constant 0 : i32
      %dma_start3A_97 = tpu.memref_slice %arg4[%add3A_93, %dma_start3A_96] : memref<204800x128xf32, #tpu.memory_space<hbm>> -> memref<128x128xf32, #tpu.memory_space<hbm>>
      tpu.enqueue_dma source(%arg8 : memref<128x128xf32, #tpu.memory_space<vmem>>) target(%dma_start3A_97 : memref<128x128xf32, #tpu.memory_space<hbm>>) target_semaphore(%arg12 : memref<!tpu.dma_semaphore, #tpu.memory_space<semaphore_mem>>)
      %mul3A_98 = arith.constant 4 : i32
      %mul3A_99 = arith.muli %scan3A_62, %mul3A_98 : i32
      %add3A_100 = arith.constant 2 : i32
      %add3A_101 = arith.addi %mul3A_99, %add3A_100 : i32
      %ge3A_102 = arith.constant 4 : i32
      %ge3A_103 = arith.cmpi sge, %add3A_101, %ge3A_102 : i32
      %convert_element_type3A_104 = arith.extui %ge3A_103 : i1 to i32
      %cond3A_105 = arith.constant 0 : i32
      %cond3A_106 = arith.cmpi ne, %convert_element_type3A_104, %cond3A_105 : i32
      scf.if %cond3A_106 {
        %sub3A = arith.constant 4 : i32
        %sub3A_136 = arith.subi %add3A_101, %sub3A : i32
        %mul3A_137 = arith.constant 128 : i32
        %mul3A_138 = arith.muli %sub3A_136, %mul3A_137 : i32
        %add3A_139 = arith.addi %mul3A_2, %mul3A_138 : i32
        %dma_wait3A_140 = arith.constant 0 : i32
        %dma_wait3A_141 = tpu.memref_slice %arg4[%add3A_139, %dma_wait3A_140] : memref<204800x128xf32, #tpu.memory_space<hbm>> -> memref<128x128xf32, #tpu.memory_space<hbm>>
        %dma_wait3A_142 = arith.constant 0 : i32
        %dma_wait3A_143 = tpu.memref_slice %arg4[%add3A_139, %dma_wait3A_142] : memref<204800x128xf32, #tpu.memory_space<hbm>> -> memref<128x128xf32, #tpu.memory_space<hbm>>
        tpu.wait_dma2 semaphore(%arg13 : memref<!tpu.dma_semaphore, #tpu.memory_space<semaphore_mem>>) src(%arg9 : memref<128x128xf32, #tpu.memory_space<vmem>>) dst(%dma_wait3A_143 : memref<128x128xf32, #tpu.memory_space<hbm>>)
      } else {
      }
      %parallel_loop3A_107 = arith.constant 0 : i32
      %parallel_loop3A_108 = arith.constant 128 : i32
      %parallel_loop3A_109 = arith.constant 1 : i32
      scf.for %parallel_loop3A_136 = %parallel_loop3A_107 to %parallel_loop3A_108 step %parallel_loop3A_109  : i32 {
        %parallel_loop3A_137 = arith.constant 128 : i32
        %parallel_loop3A_138 = arith.muli %add3A_101, %parallel_loop3A_137 : i32
        %parallel_loop3A_139 = arith.addi %parallel_loop3A_138, %parallel_loop3A_136 : i32
        %parallel_loop3A_140 = vector.broadcast %parallel_loop3A_139 : i32 to vector<16xi32>
        %parallel_loop3A_141 = tpu.vector_load_idx %arg6[%parallel_loop3A_140] : memref<6400xi32, #tpu.memory_space<vmem>>[vector<16xi32>], vector<16xi32>,
        %parallel_loop3A_142 = arith.constant 128 : i32
        %parallel_loop3A_143 = vector.broadcast %parallel_loop3A_142 : i32 to vector<16xi32>
        %parallel_loop3A_144 = arith.muli %parallel_loop3A_141, %parallel_loop3A_143 : vector<16xi32>
        %parallel_loop3A_145 = arith.addi %parallel_loop3A_144, %iota3A : vector<16xi32>
        %parallel_loop3A_146 = arith.constant 0 : i32
        %parallel_loop3A_147 = vector.broadcast %parallel_loop3A_146 : i32 to vector<16xi32>
        %parallel_loop3A_148 = arith.addi %parallel_loop3A_145, %parallel_loop3A_147 : vector<16xi32>
        %parallel_loop3A_149 = tpu.vector_load_idx %arg5[%parallel_loop3A_148] : memref<25600xf32, #tpu.memory_space<vmem>>[vector<16xi32>], vector<16xf32>,
        %parallel_loop3A_150 = arith.index_cast %parallel_loop3A_136 : i32 to index
        %parallel_loop3A_151 = arith.constant 0 : index
        %parallel_loop3A_152 = tpu.vector_load %arg9[%parallel_loop3A_150, %parallel_loop3A_151] {strides = array<i32>} : memref<128x128xf32, #tpu.memory_space<vmem>>, vector<16xf32>,
        tpu.vector_store %arg9[%parallel_loop3A_150, %parallel_loop3A_151], %parallel_loop3A_149 {strides = array<i32>} : memref<128x128xf32, #tpu.memory_space<vmem>>, vector<16xf32>,
        %parallel_loop3A_153 = arith.constant 16 : i32
        %parallel_loop3A_154 = vector.broadcast %parallel_loop3A_153 : i32 to vector<16xi32>
        %parallel_loop3A_155 = arith.addi %parallel_loop3A_145, %parallel_loop3A_154 : vector<16xi32>
        %parallel_loop3A_156 = tpu.vector_load_idx %arg5[%parallel_loop3A_155] : memref<25600xf32, #tpu.memory_space<vmem>>[vector<16xi32>], vector<16xf32>,
        %parallel_loop3A_157 = arith.index_cast %parallel_loop3A_136 : i32 to index
        %parallel_loop3A_158 = arith.constant 16 : index
        %parallel_loop3A_159 = tpu.vector_load %arg9[%parallel_loop3A_157, %parallel_loop3A_158] {strides = array<i32>} : memref<128x128xf32, #tpu.memory_space<vmem>>, vector<16xf32>,
        tpu.vector_store %arg9[%parallel_loop3A_157, %parallel_loop3A_158], %parallel_loop3A_156 {strides = array<i32>} : memref<128x128xf32, #tpu.memory_space<vmem>>, vector<16xf32>,
        %parallel_loop3A_160 = arith.constant 32 : i32
        %parallel_loop3A_161 = vector.broadcast %parallel_loop3A_160 : i32 to vector<16xi32>
        %parallel_loop3A_162 = arith.addi %parallel_loop3A_145, %parallel_loop3A_161 : vector<16xi32>
        %parallel_loop3A_163 = tpu.vector_load_idx %arg5[%parallel_loop3A_162] : memref<25600xf32, #tpu.memory_space<vmem>>[vector<16xi32>], vector<16xf32>,
        %parallel_loop3A_164 = arith.index_cast %parallel_loop3A_136 : i32 to index
        %parallel_loop3A_165 = arith.constant 32 : index
        %parallel_loop3A_166 = tpu.vector_load %arg9[%parallel_loop3A_164, %parallel_loop3A_165] {strides = array<i32>} : memref<128x128xf32, #tpu.memory_space<vmem>>, vector<16xf32>,
        tpu.vector_store %arg9[%parallel_loop3A_164, %parallel_loop3A_165], %parallel_loop3A_163 {strides = array<i32>} : memref<128x128xf32, #tpu.memory_space<vmem>>, vector<16xf32>,
        %parallel_loop3A_167 = arith.constant 48 : i32
        %parallel_loop3A_168 = vector.broadcast %parallel_loop3A_167 : i32 to vector<16xi32>
        %parallel_loop3A_169 = arith.addi %parallel_loop3A_145, %parallel_loop3A_168 : vector<16xi32>
        %parallel_loop3A_170 = tpu.vector_load_idx %arg5[%parallel_loop3A_169] : memref<25600xf32, #tpu.memory_space<vmem>>[vector<16xi32>], vector<16xf32>,
        %parallel_loop3A_171 = arith.index_cast %parallel_loop3A_136 : i32 to index
        %parallel_loop3A_172 = arith.constant 48 : index
        %parallel_loop3A_173 = tpu.vector_load %arg9[%parallel_loop3A_171, %parallel_loop3A_172] {strides = array<i32>} : memref<128x128xf32, #tpu.memory_space<vmem>>, vector<16xf32>,
        tpu.vector_store %arg9[%parallel_loop3A_171, %parallel_loop3A_172], %parallel_loop3A_170 {strides = array<i32>} : memref<128x128xf32, #tpu.memory_space<vmem>>, vector<16xf32>,
        %parallel_loop3A_174 = arith.constant 64 : i32
        %parallel_loop3A_175 = vector.broadcast %parallel_loop3A_174 : i32 to vector<16xi32>
        %parallel_loop3A_176 = arith.addi %parallel_loop3A_145, %parallel_loop3A_175 : vector<16xi32>
        %parallel_loop3A_177 = tpu.vector_load_idx %arg5[%parallel_loop3A_176] : memref<25600xf32, #tpu.memory_space<vmem>>[vector<16xi32>], vector<16xf32>,
        %parallel_loop3A_178 = arith.index_cast %parallel_loop3A_136 : i32 to index
        %parallel_loop3A_179 = arith.constant 64 : index
        %parallel_loop3A_180 = tpu.vector_load %arg9[%parallel_loop3A_178, %parallel_loop3A_179] {strides = array<i32>} : memref<128x128xf32, #tpu.memory_space<vmem>>, vector<16xf32>,
        tpu.vector_store %arg9[%parallel_loop3A_178, %parallel_loop3A_179], %parallel_loop3A_177 {strides = array<i32>} : memref<128x128xf32, #tpu.memory_space<vmem>>, vector<16xf32>,
        %parallel_loop3A_181 = arith.constant 80 : i32
        %parallel_loop3A_182 = vector.broadcast %parallel_loop3A_181 : i32 to vector<16xi32>
        %parallel_loop3A_183 = arith.addi %parallel_loop3A_145, %parallel_loop3A_182 : vector<16xi32>
        %parallel_loop3A_184 = tpu.vector_load_idx %arg5[%parallel_loop3A_183] : memref<25600xf32, #tpu.memory_space<vmem>>[vector<16xi32>], vector<16xf32>,
        %parallel_loop3A_185 = arith.index_cast %parallel_loop3A_136 : i32 to index
        %parallel_loop3A_186 = arith.constant 80 : index
        %parallel_loop3A_187 = tpu.vector_load %arg9[%parallel_loop3A_185, %parallel_loop3A_186] {strides = array<i32>} : memref<128x128xf32, #tpu.memory_space<vmem>>, vector<16xf32>,
        tpu.vector_store %arg9[%parallel_loop3A_185, %parallel_loop3A_186], %parallel_loop3A_184 {strides = array<i32>} : memref<128x128xf32, #tpu.memory_space<vmem>>, vector<16xf32>,
        %parallel_loop3A_188 = arith.constant 96 : i32
        %parallel_loop3A_189 = vector.broadcast %parallel_loop3A_188 : i32 to vector<16xi32>
        %parallel_loop3A_190 = arith.addi %parallel_loop3A_145, %parallel_loop3A_189 : vector<16xi32>
        %parallel_loop3A_191 = tpu.vector_load_idx %arg5[%parallel_loop3A_190] : memref<25600xf32, #tpu.memory_space<vmem>>[vector<16xi32>], vector<16xf32>,
        %parallel_loop3A_192 = arith.index_cast %parallel_loop3A_136 : i32 to index
        %parallel_loop3A_193 = arith.constant 96 : index
        %parallel_loop3A_194 = tpu.vector_load %arg9[%parallel_loop3A_192, %parallel_loop3A_193] {strides = array<i32>} : memref<128x128xf32, #tpu.memory_space<vmem>>, vector<16xf32>,
        tpu.vector_store %arg9[%parallel_loop3A_192, %parallel_loop3A_193], %parallel_loop3A_191 {strides = array<i32>} : memref<128x128xf32, #tpu.memory_space<vmem>>, vector<16xf32>,
        %parallel_loop3A_195 = arith.constant 112 : i32
        %parallel_loop3A_196 = vector.broadcast %parallel_loop3A_195 : i32 to vector<16xi32>
        %parallel_loop3A_197 = arith.addi %parallel_loop3A_145, %parallel_loop3A_196 : vector<16xi32>
        %parallel_loop3A_198 = tpu.vector_load_idx %arg5[%parallel_loop3A_197] : memref<25600xf32, #tpu.memory_space<vmem>>[vector<16xi32>], vector<16xf32>,
        %parallel_loop3A_199 = arith.index_cast %parallel_loop3A_136 : i32 to index
        %parallel_loop3A_200 = arith.constant 112 : index
        %parallel_loop3A_201 = tpu.vector_load %arg9[%parallel_loop3A_199, %parallel_loop3A_200] {strides = array<i32>} : memref<128x128xf32, #tpu.memory_space<vmem>>, vector<16xf32>,
        tpu.vector_store %arg9[%parallel_loop3A_199, %parallel_loop3A_200], %parallel_loop3A_198 {strides = array<i32>} : memref<128x128xf32, #tpu.memory_space<vmem>>, vector<16xf32>,
      } {sc.loop_unroll_factor = 4 : i64, sc.parallel_access}
      %mul3A_110 = arith.constant 128 : i32
      %mul3A_111 = arith.muli %add3A_101, %mul3A_110 : i32
      %add3A_112 = arith.addi %mul3A_2, %mul3A_111 : i32
      %dma_start3A_113 = arith.constant 0 : i32
      %dma_start3A_114 = tpu.memref_slice %arg4[%add3A_112, %dma_start3A_113] : memref<204800x128xf32, #tpu.memory_space<hbm>> -> memref<128x128xf32, #tpu.memory_space<hbm>>
      %dma_start3A_115 = arith.constant 0 : i32
      %dma_start3A_116 = tpu.memref_slice %arg4[%add3A_112, %dma_start3A_115] : memref<204800x128xf32, #tpu.memory_space<hbm>> -> memref<128x128xf32, #tpu.memory_space<hbm>>
      tpu.enqueue_dma source(%arg9 : memref<128x128xf32, #tpu.memory_space<vmem>>) target(%dma_start3A_116 : memref<128x128xf32, #tpu.memory_space<hbm>>) target_semaphore(%arg13 : memref<!tpu.dma_semaphore, #tpu.memory_space<semaphore_mem>>)
      %mul3A_117 = arith.constant 4 : i32
      %mul3A_118 = arith.muli %scan3A_62, %mul3A_117 : i32
      %add3A_119 = arith.constant 3 : i32
      %add3A_120 = arith.addi %mul3A_118, %add3A_119 : i32
      %ge3A_121 = arith.constant 4 : i32
      %ge3A_122 = arith.cmpi sge, %add3A_120, %ge3A_121 : i32
      %convert_element_type3A_123 = arith.extui %ge3A_122 : i1 to i32
      %cond3A_124 = arith.constant 0 : i32
      %cond3A_125 = arith.cmpi ne, %convert_element_type3A_123, %cond3A_124 : i32
      scf.if %cond3A_125 {
        %sub3A = arith.constant 4 : i32
        %sub3A_136 = arith.subi %add3A_120, %sub3A : i32
        %mul3A_137 = arith.constant 128 : i32
        %mul3A_138 = arith.muli %sub3A_136, %mul3A_137 : i32
        %add3A_139 = arith.addi %mul3A_2, %mul3A_138 : i32
        %dma_wait3A_140 = arith.constant 0 : i32
        %dma_wait3A_141 = tpu.memref_slice %arg4[%add3A_139, %dma_wait3A_140] : memref<204800x128xf32, #tpu.memory_space<hbm>> -> memref<128x128xf32, #tpu.memory_space<hbm>>
        %dma_wait3A_142 = arith.constant 0 : i32
        %dma_wait3A_143 = tpu.memref_slice %arg4[%add3A_139, %dma_wait3A_142] : memref<204800x128xf32, #tpu.memory_space<hbm>> -> memref<128x128xf32, #tpu.memory_space<hbm>>
        tpu.wait_dma2 semaphore(%arg14 : memref<!tpu.dma_semaphore, #tpu.memory_space<semaphore_mem>>) src(%arg10 : memref<128x128xf32, #tpu.memory_space<vmem>>) dst(%dma_wait3A_143 : memref<128x128xf32, #tpu.memory_space<hbm>>)
      } else {
      }
      %parallel_loop3A_126 = arith.constant 0 : i32
      %parallel_loop3A_127 = arith.constant 128 : i32
      %parallel_loop3A_128 = arith.constant 1 : i32
      scf.for %parallel_loop3A_136 = %parallel_loop3A_126 to %parallel_loop3A_127 step %parallel_loop3A_128  : i32 {
        %parallel_loop3A_137 = arith.constant 128 : i32
        %parallel_loop3A_138 = arith.muli %add3A_120, %parallel_loop3A_137 : i32
        %parallel_loop3A_139 = arith.addi %parallel_loop3A_138, %parallel_loop3A_136 : i32
        %parallel_loop3A_140 = vector.broadcast %parallel_loop3A_139 : i32 to vector<16xi32>
        %parallel_loop3A_141 = tpu.vector_load_idx %arg6[%parallel_loop3A_140] : memref<6400xi32, #tpu.memory_space<vmem>>[vector<16xi32>], vector<16xi32>,
        %parallel_loop3A_142 = arith.constant 128 : i32
        %parallel_loop3A_143 = vector.broadcast %parallel_loop3A_142 : i32 to vector<16xi32>
        %parallel_loop3A_144 = arith.muli %parallel_loop3A_141, %parallel_loop3A_143 : vector<16xi32>
        %parallel_loop3A_145 = arith.addi %parallel_loop3A_144, %iota3A : vector<16xi32>
        %parallel_loop3A_146 = arith.constant 0 : i32
        %parallel_loop3A_147 = vector.broadcast %parallel_loop3A_146 : i32 to vector<16xi32>
        %parallel_loop3A_148 = arith.addi %parallel_loop3A_145, %parallel_loop3A_147 : vector<16xi32>
        %parallel_loop3A_149 = tpu.vector_load_idx %arg5[%parallel_loop3A_148] : memref<25600xf32, #tpu.memory_space<vmem>>[vector<16xi32>], vector<16xf32>,
        %parallel_loop3A_150 = arith.index_cast %parallel_loop3A_136 : i32 to index
        %parallel_loop3A_151 = arith.constant 0 : index
        %parallel_loop3A_152 = tpu.vector_load %arg10[%parallel_loop3A_150, %parallel_loop3A_151] {strides = array<i32>} : memref<128x128xf32, #tpu.memory_space<vmem>>, vector<16xf32>,
        tpu.vector_store %arg10[%parallel_loop3A_150, %parallel_loop3A_151], %parallel_loop3A_149 {strides = array<i32>} : memref<128x128xf32, #tpu.memory_space<vmem>>, vector<16xf32>,
        %parallel_loop3A_153 = arith.constant 16 : i32
        %parallel_loop3A_154 = vector.broadcast %parallel_loop3A_153 : i32 to vector<16xi32>
        %parallel_loop3A_155 = arith.addi %parallel_loop3A_145, %parallel_loop3A_154 : vector<16xi32>
        %parallel_loop3A_156 = tpu.vector_load_idx %arg5[%parallel_loop3A_155] : memref<25600xf32, #tpu.memory_space<vmem>>[vector<16xi32>], vector<16xf32>,
        %parallel_loop3A_157 = arith.index_cast %parallel_loop3A_136 : i32 to index
        %parallel_loop3A_158 = arith.constant 16 : index
        %parallel_loop3A_159 = tpu.vector_load %arg10[%parallel_loop3A_157, %parallel_loop3A_158] {strides = array<i32>} : memref<128x128xf32, #tpu.memory_space<vmem>>, vector<16xf32>,
        tpu.vector_store %arg10[%parallel_loop3A_157, %parallel_loop3A_158], %parallel_loop3A_156 {strides = array<i32>} : memref<128x128xf32, #tpu.memory_space<vmem>>, vector<16xf32>,
        %parallel_loop3A_160 = arith.constant 32 : i32
        %parallel_loop3A_161 = vector.broadcast %parallel_loop3A_160 : i32 to vector<16xi32>
        %parallel_loop3A_162 = arith.addi %parallel_loop3A_145, %parallel_loop3A_161 : vector<16xi32>
        %parallel_loop3A_163 = tpu.vector_load_idx %arg5[%parallel_loop3A_162] : memref<25600xf32, #tpu.memory_space<vmem>>[vector<16xi32>], vector<16xf32>,
        %parallel_loop3A_164 = arith.index_cast %parallel_loop3A_136 : i32 to index
        %parallel_loop3A_165 = arith.constant 32 : index
        %parallel_loop3A_166 = tpu.vector_load %arg10[%parallel_loop3A_164, %parallel_loop3A_165] {strides = array<i32>} : memref<128x128xf32, #tpu.memory_space<vmem>>, vector<16xf32>,
        tpu.vector_store %arg10[%parallel_loop3A_164, %parallel_loop3A_165], %parallel_loop3A_163 {strides = array<i32>} : memref<128x128xf32, #tpu.memory_space<vmem>>, vector<16xf32>,
        %parallel_loop3A_167 = arith.constant 48 : i32
        %parallel_loop3A_168 = vector.broadcast %parallel_loop3A_167 : i32 to vector<16xi32>
        %parallel_loop3A_169 = arith.addi %parallel_loop3A_145, %parallel_loop3A_168 : vector<16xi32>
        %parallel_loop3A_170 = tpu.vector_load_idx %arg5[%parallel_loop3A_169] : memref<25600xf32, #tpu.memory_space<vmem>>[vector<16xi32>], vector<16xf32>,
        %parallel_loop3A_171 = arith.index_cast %parallel_loop3A_136 : i32 to index
        %parallel_loop3A_172 = arith.constant 48 : index
        %parallel_loop3A_173 = tpu.vector_load %arg10[%parallel_loop3A_171, %parallel_loop3A_172] {strides = array<i32>} : memref<128x128xf32, #tpu.memory_space<vmem>>, vector<16xf32>,
        tpu.vector_store %arg10[%parallel_loop3A_171, %parallel_loop3A_172], %parallel_loop3A_170 {strides = array<i32>} : memref<128x128xf32, #tpu.memory_space<vmem>>, vector<16xf32>,
        %parallel_loop3A_174 = arith.constant 64 : i32
        %parallel_loop3A_175 = vector.broadcast %parallel_loop3A_174 : i32 to vector<16xi32>
        %parallel_loop3A_176 = arith.addi %parallel_loop3A_145, %parallel_loop3A_175 : vector<16xi32>
        %parallel_loop3A_177 = tpu.vector_load_idx %arg5[%parallel_loop3A_176] : memref<25600xf32, #tpu.memory_space<vmem>>[vector<16xi32>], vector<16xf32>,
        %parallel_loop3A_178 = arith.index_cast %parallel_loop3A_136 : i32 to index
        %parallel_loop3A_179 = arith.constant 64 : index
        %parallel_loop3A_180 = tpu.vector_load %arg10[%parallel_loop3A_178, %parallel_loop3A_179] {strides = array<i32>} : memref<128x128xf32, #tpu.memory_space<vmem>>, vector<16xf32>,
        tpu.vector_store %arg10[%parallel_loop3A_178, %parallel_loop3A_179], %parallel_loop3A_177 {strides = array<i32>} : memref<128x128xf32, #tpu.memory_space<vmem>>, vector<16xf32>,
        %parallel_loop3A_181 = arith.constant 80 : i32
        %parallel_loop3A_182 = vector.broadcast %parallel_loop3A_181 : i32 to vector<16xi32>
        %parallel_loop3A_183 = arith.addi %parallel_loop3A_145, %parallel_loop3A_182 : vector<16xi32>
        %parallel_loop3A_184 = tpu.vector_load_idx %arg5[%parallel_loop3A_183] : memref<25600xf32, #tpu.memory_space<vmem>>[vector<16xi32>], vector<16xf32>,
        %parallel_loop3A_185 = arith.index_cast %parallel_loop3A_136 : i32 to index
        %parallel_loop3A_186 = arith.constant 80 : index
        %parallel_loop3A_187 = tpu.vector_load %arg10[%parallel_loop3A_185, %parallel_loop3A_186] {strides = array<i32>} : memref<128x128xf32, #tpu.memory_space<vmem>>, vector<16xf32>,
        tpu.vector_store %arg10[%parallel_loop3A_185, %parallel_loop3A_186], %parallel_loop3A_184 {strides = array<i32>} : memref<128x128xf32, #tpu.memory_space<vmem>>, vector<16xf32>,
        %parallel_loop3A_188 = arith.constant 96 : i32
        %parallel_loop3A_189 = vector.broadcast %parallel_loop3A_188 : i32 to vector<16xi32>
        %parallel_loop3A_190 = arith.addi %parallel_loop3A_145, %parallel_loop3A_189 : vector<16xi32>
        %parallel_loop3A_191 = tpu.vector_load_idx %arg5[%parallel_loop3A_190] : memref<25600xf32, #tpu.memory_space<vmem>>[vector<16xi32>], vector<16xf32>,
        %parallel_loop3A_192 = arith.index_cast %parallel_loop3A_136 : i32 to index
        %parallel_loop3A_193 = arith.constant 96 : index
        %parallel_loop3A_194 = tpu.vector_load %arg10[%parallel_loop3A_192, %parallel_loop3A_193] {strides = array<i32>} : memref<128x128xf32, #tpu.memory_space<vmem>>, vector<16xf32>,
        tpu.vector_store %arg10[%parallel_loop3A_192, %parallel_loop3A_193], %parallel_loop3A_191 {strides = array<i32>} : memref<128x128xf32, #tpu.memory_space<vmem>>, vector<16xf32>,
        %parallel_loop3A_195 = arith.constant 112 : i32
        %parallel_loop3A_196 = vector.broadcast %parallel_loop3A_195 : i32 to vector<16xi32>
        %parallel_loop3A_197 = arith.addi %parallel_loop3A_145, %parallel_loop3A_196 : vector<16xi32>
        %parallel_loop3A_198 = tpu.vector_load_idx %arg5[%parallel_loop3A_197] : memref<25600xf32, #tpu.memory_space<vmem>>[vector<16xi32>], vector<16xf32>,
        %parallel_loop3A_199 = arith.index_cast %parallel_loop3A_136 : i32 to index
        %parallel_loop3A_200 = arith.constant 112 : index
        %parallel_loop3A_201 = tpu.vector_load %arg10[%parallel_loop3A_199, %parallel_loop3A_200] {strides = array<i32>} : memref<128x128xf32, #tpu.memory_space<vmem>>, vector<16xf32>,
        tpu.vector_store %arg10[%parallel_loop3A_199, %parallel_loop3A_200], %parallel_loop3A_198 {strides = array<i32>} : memref<128x128xf32, #tpu.memory_space<vmem>>, vector<16xf32>,
      } {sc.loop_unroll_factor = 4 : i64, sc.parallel_access}
      %mul3A_129 = arith.constant 128 : i32
      %mul3A_130 = arith.muli %add3A_120, %mul3A_129 : i32
      %add3A_131 = arith.addi %mul3A_2, %mul3A_130 : i32
      %dma_start3A_132 = arith.constant 0 : i32
      %dma_start3A_133 = tpu.memref_slice %arg4[%add3A_131, %dma_start3A_132] : memref<204800x128xf32, #tpu.memory_space<hbm>> -> memref<128x128xf32, #tpu.memory_space<hbm>>
      %dma_start3A_134 = arith.constant 0 : i32
      %dma_start3A_135 = tpu.memref_slice %arg4[%add3A_131, %dma_start3A_134] : memref<204800x128xf32, #tpu.memory_space<hbm>> -> memref<128x128xf32, #tpu.memory_space<hbm>>
      tpu.enqueue_dma source(%arg10 : memref<128x128xf32, #tpu.memory_space<vmem>>) target(%dma_start3A_135 : memref<128x128xf32, #tpu.memory_space<hbm>>) target_semaphore(%arg14 : memref<!tpu.dma_semaphore, #tpu.memory_space<semaphore_mem>>)
    }
    %scan3A_8 = arith.constant 12 : i32
    %add3A_9 = arith.constant 5632 : i32
    %add3A_10 = arith.addi %mul3A_2, %add3A_9 : i32
    %dma_wait3A_11 = arith.constant 0 : i32
    %dma_wait3A_12 = tpu.memref_slice %arg4[%add3A_10, %dma_wait3A_11] : memref<204800x128xf32, #tpu.memory_space<hbm>> -> memref<128x128xf32, #tpu.memory_space<hbm>>
    %dma_wait3A_13 = arith.constant 0 : i32
    %dma_wait3A_14 = tpu.memref_slice %arg4[%add3A_10, %dma_wait3A_13] : memref<204800x128xf32, #tpu.memory_space<hbm>> -> memref<128x128xf32, #tpu.memory_space<hbm>>
    tpu.wait_dma2 semaphore(%arg11 : memref<!tpu.dma_semaphore, #tpu.memory_space<semaphore_mem>>) src(%arg7 : memref<128x128xf32, #tpu.memory_space<vmem>>) dst(%dma_wait3A_14 : memref<128x128xf32, #tpu.memory_space<hbm>>)
    %parallel_loop3A = arith.constant 0 : i32
    %parallel_loop3A_15 = arith.constant 128 : i32
    %parallel_loop3A_16 = arith.constant 1 : i32
    scf.for %parallel_loop3A_62 = %parallel_loop3A to %parallel_loop3A_15 step %parallel_loop3A_16  : i32 {
      %parallel_loop3A_63 = arith.constant 6144 : i32
      %parallel_loop3A_64 = arith.addi %parallel_loop3A_63, %parallel_loop3A_62 : i32
      %parallel_loop3A_65 = vector.broadcast %parallel_loop3A_64 : i32 to vector<16xi32>
      %parallel_loop3A_66 = tpu.vector_load_idx %arg6[%parallel_loop3A_65] : memref<6400xi32, #tpu.memory_space<vmem>>[vector<16xi32>], vector<16xi32>,
      %parallel_loop3A_67 = arith.constant 128 : i32
      %parallel_loop3A_68 = vector.broadcast %parallel_loop3A_67 : i32 to vector<16xi32>
      %parallel_loop3A_69 = arith.muli %parallel_loop3A_66, %parallel_loop3A_68 : vector<16xi32>
      %parallel_loop3A_70 = arith.addi %parallel_loop3A_69, %iota3A : vector<16xi32>
      %parallel_loop3A_71 = arith.constant 0 : i32
      %parallel_loop3A_72 = vector.broadcast %parallel_loop3A_71 : i32 to vector<16xi32>
      %parallel_loop3A_73 = arith.addi %parallel_loop3A_70, %parallel_loop3A_72 : vector<16xi32>
      %parallel_loop3A_74 = tpu.vector_load_idx %arg5[%parallel_loop3A_73] : memref<25600xf32, #tpu.memory_space<vmem>>[vector<16xi32>], vector<16xf32>,
      %parallel_loop3A_75 = arith.index_cast %parallel_loop3A_62 : i32 to index
      %parallel_loop3A_76 = arith.constant 0 : index
      %parallel_loop3A_77 = tpu.vector_load %arg7[%parallel_loop3A_75, %parallel_loop3A_76] {strides = array<i32>} : memref<128x128xf32, #tpu.memory_space<vmem>>, vector<16xf32>,
      tpu.vector_store %arg7[%parallel_loop3A_75, %parallel_loop3A_76], %parallel_loop3A_74 {strides = array<i32>} : memref<128x128xf32, #tpu.memory_space<vmem>>, vector<16xf32>,
      %parallel_loop3A_78 = arith.constant 16 : i32
      %parallel_loop3A_79 = vector.broadcast %parallel_loop3A_78 : i32 to vector<16xi32>
      %parallel_loop3A_80 = arith.addi %parallel_loop3A_70, %parallel_loop3A_79 : vector<16xi32>
      %parallel_loop3A_81 = tpu.vector_load_idx %arg5[%parallel_loop3A_80] : memref<25600xf32, #tpu.memory_space<vmem>>[vector<16xi32>], vector<16xf32>,
      %parallel_loop3A_82 = arith.index_cast %parallel_loop3A_62 : i32 to index
      %parallel_loop3A_83 = arith.constant 16 : index
      %parallel_loop3A_84 = tpu.vector_load %arg7[%parallel_loop3A_82, %parallel_loop3A_83] {strides = array<i32>} : memref<128x128xf32, #tpu.memory_space<vmem>>, vector<16xf32>,
      tpu.vector_store %arg7[%parallel_loop3A_82, %parallel_loop3A_83], %parallel_loop3A_81 {strides = array<i32>} : memref<128x128xf32, #tpu.memory_space<vmem>>, vector<16xf32>,
      %parallel_loop3A_85 = arith.constant 32 : i32
      %parallel_loop3A_86 = vector.broadcast %parallel_loop3A_85 : i32 to vector<16xi32>
      %parallel_loop3A_87 = arith.addi %parallel_loop3A_70, %parallel_loop3A_86 : vector<16xi32>
      %parallel_loop3A_88 = tpu.vector_load_idx %arg5[%parallel_loop3A_87] : memref<25600xf32, #tpu.memory_space<vmem>>[vector<16xi32>], vector<16xf32>,
      %parallel_loop3A_89 = arith.index_cast %parallel_loop3A_62 : i32 to index
      %parallel_loop3A_90 = arith.constant 32 : index
      %parallel_loop3A_91 = tpu.vector_load %arg7[%parallel_loop3A_89, %parallel_loop3A_90] {strides = array<i32>} : memref<128x128xf32, #tpu.memory_space<vmem>>, vector<16xf32>,
      tpu.vector_store %arg7[%parallel_loop3A_89, %parallel_loop3A_90], %parallel_loop3A_88 {strides = array<i32>} : memref<128x128xf32, #tpu.memory_space<vmem>>, vector<16xf32>,
      %parallel_loop3A_92 = arith.constant 48 : i32
      %parallel_loop3A_93 = vector.broadcast %parallel_loop3A_92 : i32 to vector<16xi32>
      %parallel_loop3A_94 = arith.addi %parallel_loop3A_70, %parallel_loop3A_93 : vector<16xi32>
      %parallel_loop3A_95 = tpu.vector_load_idx %arg5[%parallel_loop3A_94] : memref<25600xf32, #tpu.memory_space<vmem>>[vector<16xi32>], vector<16xf32>,
      %parallel_loop3A_96 = arith.index_cast %parallel_loop3A_62 : i32 to index
      %parallel_loop3A_97 = arith.constant 48 : index
      %parallel_loop3A_98 = tpu.vector_load %arg7[%parallel_loop3A_96, %parallel_loop3A_97] {strides = array<i32>} : memref<128x128xf32, #tpu.memory_space<vmem>>, vector<16xf32>,
      tpu.vector_store %arg7[%parallel_loop3A_96, %parallel_loop3A_97], %parallel_loop3A_95 {strides = array<i32>} : memref<128x128xf32, #tpu.memory_space<vmem>>, vector<16xf32>,
      %parallel_loop3A_99 = arith.constant 64 : i32
      %parallel_loop3A_100 = vector.broadcast %parallel_loop3A_99 : i32 to vector<16xi32>
      %parallel_loop3A_101 = arith.addi %parallel_loop3A_70, %parallel_loop3A_100 : vector<16xi32>
      %parallel_loop3A_102 = tpu.vector_load_idx %arg5[%parallel_loop3A_101] : memref<25600xf32, #tpu.memory_space<vmem>>[vector<16xi32>], vector<16xf32>,
      %parallel_loop3A_103 = arith.index_cast %parallel_loop3A_62 : i32 to index
      %parallel_loop3A_104 = arith.constant 64 : index
      %parallel_loop3A_105 = tpu.vector_load %arg7[%parallel_loop3A_103, %parallel_loop3A_104] {strides = array<i32>} : memref<128x128xf32, #tpu.memory_space<vmem>>, vector<16xf32>,
      tpu.vector_store %arg7[%parallel_loop3A_103, %parallel_loop3A_104], %parallel_loop3A_102 {strides = array<i32>} : memref<128x128xf32, #tpu.memory_space<vmem>>, vector<16xf32>,
      %parallel_loop3A_106 = arith.constant 80 : i32
      %parallel_loop3A_107 = vector.broadcast %parallel_loop3A_106 : i32 to vector<16xi32>
      %parallel_loop3A_108 = arith.addi %parallel_loop3A_70, %parallel_loop3A_107 : vector<16xi32>
      %parallel_loop3A_109 = tpu.vector_load_idx %arg5[%parallel_loop3A_108] : memref<25600xf32, #tpu.memory_space<vmem>>[vector<16xi32>], vector<16xf32>,
      %parallel_loop3A_110 = arith.index_cast %parallel_loop3A_62 : i32 to index
      %parallel_loop3A_111 = arith.constant 80 : index
      %parallel_loop3A_112 = tpu.vector_load %arg7[%parallel_loop3A_110, %parallel_loop3A_111] {strides = array<i32>} : memref<128x128xf32, #tpu.memory_space<vmem>>, vector<16xf32>,
      tpu.vector_store %arg7[%parallel_loop3A_110, %parallel_loop3A_111], %parallel_loop3A_109 {strides = array<i32>} : memref<128x128xf32, #tpu.memory_space<vmem>>, vector<16xf32>,
      %parallel_loop3A_113 = arith.constant 96 : i32
      %parallel_loop3A_114 = vector.broadcast %parallel_loop3A_113 : i32 to vector<16xi32>
      %parallel_loop3A_115 = arith.addi %parallel_loop3A_70, %parallel_loop3A_114 : vector<16xi32>
      %parallel_loop3A_116 = tpu.vector_load_idx %arg5[%parallel_loop3A_115] : memref<25600xf32, #tpu.memory_space<vmem>>[vector<16xi32>], vector<16xf32>,
      %parallel_loop3A_117 = arith.index_cast %parallel_loop3A_62 : i32 to index
      %parallel_loop3A_118 = arith.constant 96 : index
      %parallel_loop3A_119 = tpu.vector_load %arg7[%parallel_loop3A_117, %parallel_loop3A_118] {strides = array<i32>} : memref<128x128xf32, #tpu.memory_space<vmem>>, vector<16xf32>,
      tpu.vector_store %arg7[%parallel_loop3A_117, %parallel_loop3A_118], %parallel_loop3A_116 {strides = array<i32>} : memref<128x128xf32, #tpu.memory_space<vmem>>, vector<16xf32>,
      %parallel_loop3A_120 = arith.constant 112 : i32
      %parallel_loop3A_121 = vector.broadcast %parallel_loop3A_120 : i32 to vector<16xi32>
      %parallel_loop3A_122 = arith.addi %parallel_loop3A_70, %parallel_loop3A_121 : vector<16xi32>
      %parallel_loop3A_123 = tpu.vector_load_idx %arg5[%parallel_loop3A_122] : memref<25600xf32, #tpu.memory_space<vmem>>[vector<16xi32>], vector<16xf32>,
      %parallel_loop3A_124 = arith.index_cast %parallel_loop3A_62 : i32 to index
      %parallel_loop3A_125 = arith.constant 112 : index
      %parallel_loop3A_126 = tpu.vector_load %arg7[%parallel_loop3A_124, %parallel_loop3A_125] {strides = array<i32>} : memref<128x128xf32, #tpu.memory_space<vmem>>, vector<16xf32>,
      tpu.vector_store %arg7[%parallel_loop3A_124, %parallel_loop3A_125], %parallel_loop3A_123 {strides = array<i32>} : memref<128x128xf32, #tpu.memory_space<vmem>>, vector<16xf32>,
    } {sc.loop_unroll_factor = 4 : i64, sc.parallel_access}
    %add3A_17 = arith.constant 6144 : i32
    %add3A_18 = arith.addi %mul3A_2, %add3A_17 : i32
    %dma_start3A_19 = arith.constant 0 : i32
    %dma_start3A_20 = tpu.memref_slice %arg4[%add3A_18, %dma_start3A_19] : memref<204800x128xf32, #tpu.memory_space<hbm>> -> memref<128x128xf32, #tpu.memory_space<hbm>>
    %dma_start3A_21 = arith.constant 0 : i32
    %dma_start3A_22 = tpu.memref_slice %arg4[%add3A_18, %dma_start3A_21] : memref<204800x128xf32, #tpu.memory_space<hbm>> -> memref<128x128xf32, #tpu.memory_space<hbm>>
    tpu.enqueue_dma source(%arg7 : memref<128x128xf32, #tpu.memory_space<vmem>>) target(%dma_start3A_22 : memref<128x128xf32, #tpu.memory_space<hbm>>) target_semaphore(%arg11 : memref<!tpu.dma_semaphore, #tpu.memory_space<semaphore_mem>>)
    %add3A_23 = arith.constant 5760 : i32
    %add3A_24 = arith.addi %mul3A_2, %add3A_23 : i32
    %dma_wait3A_25 = arith.constant 0 : i32
    %dma_wait3A_26 = tpu.memref_slice %arg4[%add3A_24, %dma_wait3A_25] : memref<204800x128xf32, #tpu.memory_space<hbm>> -> memref<128x128xf32, #tpu.memory_space<hbm>>
    %dma_wait3A_27 = arith.constant 0 : i32
    %dma_wait3A_28 = tpu.memref_slice %arg4[%add3A_24, %dma_wait3A_27] : memref<204800x128xf32, #tpu.memory_space<hbm>> -> memref<128x128xf32, #tpu.memory_space<hbm>>
    tpu.wait_dma2 semaphore(%arg12 : memref<!tpu.dma_semaphore, #tpu.memory_space<semaphore_mem>>) src(%arg8 : memref<128x128xf32, #tpu.memory_space<vmem>>) dst(%dma_wait3A_28 : memref<128x128xf32, #tpu.memory_space<hbm>>)
    %parallel_loop3A_29 = arith.constant 0 : i32
    %parallel_loop3A_30 = arith.constant 128 : i32
    %parallel_loop3A_31 = arith.constant 1 : i32
    scf.for %parallel_loop3A_62 = %parallel_loop3A_29 to %parallel_loop3A_30 step %parallel_loop3A_31  : i32 {
      %parallel_loop3A_63 = arith.constant 6272 : i32
      %parallel_loop3A_64 = arith.addi %parallel_loop3A_63, %parallel_loop3A_62 : i32
      %parallel_loop3A_65 = vector.broadcast %parallel_loop3A_64 : i32 to vector<16xi32>
      %parallel_loop3A_66 = tpu.vector_load_idx %arg6[%parallel_loop3A_65] : memref<6400xi32, #tpu.memory_space<vmem>>[vector<16xi32>], vector<16xi32>,
      %parallel_loop3A_67 = arith.constant 128 : i32
      %parallel_loop3A_68 = vector.broadcast %parallel_loop3A_67 : i32 to vector<16xi32>
      %parallel_loop3A_69 = arith.muli %parallel_loop3A_66, %parallel_loop3A_68 : vector<16xi32>
      %parallel_loop3A_70 = arith.addi %parallel_loop3A_69, %iota3A : vector<16xi32>
      %parallel_loop3A_71 = arith.constant 0 : i32
      %parallel_loop3A_72 = vector.broadcast %parallel_loop3A_71 : i32 to vector<16xi32>
      %parallel_loop3A_73 = arith.addi %parallel_loop3A_70, %parallel_loop3A_72 : vector<16xi32>
      %parallel_loop3A_74 = tpu.vector_load_idx %arg5[%parallel_loop3A_73] : memref<25600xf32, #tpu.memory_space<vmem>>[vector<16xi32>], vector<16xf32>,
      %parallel_loop3A_75 = arith.index_cast %parallel_loop3A_62 : i32 to index
      %parallel_loop3A_76 = arith.constant 0 : index
      %parallel_loop3A_77 = tpu.vector_load %arg8[%parallel_loop3A_75, %parallel_loop3A_76] {strides = array<i32>} : memref<128x128xf32, #tpu.memory_space<vmem>>, vector<16xf32>,
      tpu.vector_store %arg8[%parallel_loop3A_75, %parallel_loop3A_76], %parallel_loop3A_74 {strides = array<i32>} : memref<128x128xf32, #tpu.memory_space<vmem>>, vector<16xf32>,
      %parallel_loop3A_78 = arith.constant 16 : i32
      %parallel_loop3A_79 = vector.broadcast %parallel_loop3A_78 : i32 to vector<16xi32>
      %parallel_loop3A_80 = arith.addi %parallel_loop3A_70, %parallel_loop3A_79 : vector<16xi32>
      %parallel_loop3A_81 = tpu.vector_load_idx %arg5[%parallel_loop3A_80] : memref<25600xf32, #tpu.memory_space<vmem>>[vector<16xi32>], vector<16xf32>,
      %parallel_loop3A_82 = arith.index_cast %parallel_loop3A_62 : i32 to index
      %parallel_loop3A_83 = arith.constant 16 : index
      %parallel_loop3A_84 = tpu.vector_load %arg8[%parallel_loop3A_82, %parallel_loop3A_83] {strides = array<i32>} : memref<128x128xf32, #tpu.memory_space<vmem>>, vector<16xf32>,
      tpu.vector_store %arg8[%parallel_loop3A_82, %parallel_loop3A_83], %parallel_loop3A_81 {strides = array<i32>} : memref<128x128xf32, #tpu.memory_space<vmem>>, vector<16xf32>,
      %parallel_loop3A_85 = arith.constant 32 : i32
      %parallel_loop3A_86 = vector.broadcast %parallel_loop3A_85 : i32 to vector<16xi32>
      %parallel_loop3A_87 = arith.addi %parallel_loop3A_70, %parallel_loop3A_86 : vector<16xi32>
      %parallel_loop3A_88 = tpu.vector_load_idx %arg5[%parallel_loop3A_87] : memref<25600xf32, #tpu.memory_space<vmem>>[vector<16xi32>], vector<16xf32>,
      %parallel_loop3A_89 = arith.index_cast %parallel_loop3A_62 : i32 to index
      %parallel_loop3A_90 = arith.constant 32 : index
      %parallel_loop3A_91 = tpu.vector_load %arg8[%parallel_loop3A_89, %parallel_loop3A_90] {strides = array<i32>} : memref<128x128xf32, #tpu.memory_space<vmem>>, vector<16xf32>,
      tpu.vector_store %arg8[%parallel_loop3A_89, %parallel_loop3A_90], %parallel_loop3A_88 {strides = array<i32>} : memref<128x128xf32, #tpu.memory_space<vmem>>, vector<16xf32>,
      %parallel_loop3A_92 = arith.constant 48 : i32
      %parallel_loop3A_93 = vector.broadcast %parallel_loop3A_92 : i32 to vector<16xi32>
      %parallel_loop3A_94 = arith.addi %parallel_loop3A_70, %parallel_loop3A_93 : vector<16xi32>
      %parallel_loop3A_95 = tpu.vector_load_idx %arg5[%parallel_loop3A_94] : memref<25600xf32, #tpu.memory_space<vmem>>[vector<16xi32>], vector<16xf32>,
      %parallel_loop3A_96 = arith.index_cast %parallel_loop3A_62 : i32 to index
      %parallel_loop3A_97 = arith.constant 48 : index
      %parallel_loop3A_98 = tpu.vector_load %arg8[%parallel_loop3A_96, %parallel_loop3A_97] {strides = array<i32>} : memref<128x128xf32, #tpu.memory_space<vmem>>, vector<16xf32>,
      tpu.vector_store %arg8[%parallel_loop3A_96, %parallel_loop3A_97], %parallel_loop3A_95 {strides = array<i32>} : memref<128x128xf32, #tpu.memory_space<vmem>>, vector<16xf32>,
      %parallel_loop3A_99 = arith.constant 64 : i32
      %parallel_loop3A_100 = vector.broadcast %parallel_loop3A_99 : i32 to vector<16xi32>
      %parallel_loop3A_101 = arith.addi %parallel_loop3A_70, %parallel_loop3A_100 : vector<16xi32>
      %parallel_loop3A_102 = tpu.vector_load_idx %arg5[%parallel_loop3A_101] : memref<25600xf32, #tpu.memory_space<vmem>>[vector<16xi32>], vector<16xf32>,
      %parallel_loop3A_103 = arith.index_cast %parallel_loop3A_62 : i32 to index
      %parallel_loop3A_104 = arith.constant 64 : index
      %parallel_loop3A_105 = tpu.vector_load %arg8[%parallel_loop3A_103, %parallel_loop3A_104] {strides = array<i32>} : memref<128x128xf32, #tpu.memory_space<vmem>>, vector<16xf32>,
      tpu.vector_store %arg8[%parallel_loop3A_103, %parallel_loop3A_104], %parallel_loop3A_102 {strides = array<i32>} : memref<128x128xf32, #tpu.memory_space<vmem>>, vector<16xf32>,
      %parallel_loop3A_106 = arith.constant 80 : i32
      %parallel_loop3A_107 = vector.broadcast %parallel_loop3A_106 : i32 to vector<16xi32>
      %parallel_loop3A_108 = arith.addi %parallel_loop3A_70, %parallel_loop3A_107 : vector<16xi32>
      %parallel_loop3A_109 = tpu.vector_load_idx %arg5[%parallel_loop3A_108] : memref<25600xf32, #tpu.memory_space<vmem>>[vector<16xi32>], vector<16xf32>,
      %parallel_loop3A_110 = arith.index_cast %parallel_loop3A_62 : i32 to index
      %parallel_loop3A_111 = arith.constant 80 : index
      %parallel_loop3A_112 = tpu.vector_load %arg8[%parallel_loop3A_110, %parallel_loop3A_111] {strides = array<i32>} : memref<128x128xf32, #tpu.memory_space<vmem>>, vector<16xf32>,
      tpu.vector_store %arg8[%parallel_loop3A_110, %parallel_loop3A_111], %parallel_loop3A_109 {strides = array<i32>} : memref<128x128xf32, #tpu.memory_space<vmem>>, vector<16xf32>,
      %parallel_loop3A_113 = arith.constant 96 : i32
      %parallel_loop3A_114 = vector.broadcast %parallel_loop3A_113 : i32 to vector<16xi32>
      %parallel_loop3A_115 = arith.addi %parallel_loop3A_70, %parallel_loop3A_114 : vector<16xi32>
      %parallel_loop3A_116 = tpu.vector_load_idx %arg5[%parallel_loop3A_115] : memref<25600xf32, #tpu.memory_space<vmem>>[vector<16xi32>], vector<16xf32>,
      %parallel_loop3A_117 = arith.index_cast %parallel_loop3A_62 : i32 to index
      %parallel_loop3A_118 = arith.constant 96 : index
      %parallel_loop3A_119 = tpu.vector_load %arg8[%parallel_loop3A_117, %parallel_loop3A_118] {strides = array<i32>} : memref<128x128xf32, #tpu.memory_space<vmem>>, vector<16xf32>,
      tpu.vector_store %arg8[%parallel_loop3A_117, %parallel_loop3A_118], %parallel_loop3A_116 {strides = array<i32>} : memref<128x128xf32, #tpu.memory_space<vmem>>, vector<16xf32>,
      %parallel_loop3A_120 = arith.constant 112 : i32
      %parallel_loop3A_121 = vector.broadcast %parallel_loop3A_120 : i32 to vector<16xi32>
      %parallel_loop3A_122 = arith.addi %parallel_loop3A_70, %parallel_loop3A_121 : vector<16xi32>
      %parallel_loop3A_123 = tpu.vector_load_idx %arg5[%parallel_loop3A_122] : memref<25600xf32, #tpu.memory_space<vmem>>[vector<16xi32>], vector<16xf32>,
      %parallel_loop3A_124 = arith.index_cast %parallel_loop3A_62 : i32 to index
      %parallel_loop3A_125 = arith.constant 112 : index
      %parallel_loop3A_126 = tpu.vector_load %arg8[%parallel_loop3A_124, %parallel_loop3A_125] {strides = array<i32>} : memref<128x128xf32, #tpu.memory_space<vmem>>, vector<16xf32>,
      tpu.vector_store %arg8[%parallel_loop3A_124, %parallel_loop3A_125], %parallel_loop3A_123 {strides = array<i32>} : memref<128x128xf32, #tpu.memory_space<vmem>>, vector<16xf32>,
    } {sc.loop_unroll_factor = 4 : i64, sc.parallel_access}
    %add3A_32 = arith.constant 6272 : i32
    %add3A_33 = arith.addi %mul3A_2, %add3A_32 : i32
    %dma_start3A_34 = arith.constant 0 : i32
    %dma_start3A_35 = tpu.memref_slice %arg4[%add3A_33, %dma_start3A_34] : memref<204800x128xf32, #tpu.memory_space<hbm>> -> memref<128x128xf32, #tpu.memory_space<hbm>>
    %dma_start3A_36 = arith.constant 0 : i32
    %dma_start3A_37 = tpu.memref_slice %arg4[%add3A_33, %dma_start3A_36] : memref<204800x128xf32, #tpu.memory_space<hbm>> -> memref<128x128xf32, #tpu.memory_space<hbm>>
    tpu.enqueue_dma source(%arg8 : memref<128x128xf32, #tpu.memory_space<vmem>>) target(%dma_start3A_37 : memref<128x128xf32, #tpu.memory_space<hbm>>) target_semaphore(%arg12 : memref<!tpu.dma_semaphore, #tpu.memory_space<semaphore_mem>>)
    %add3A_38 = arith.constant 5888 : i32
    %add3A_39 = arith.addi %mul3A_2, %add3A_38 : i32
    %dma_wait3A_40 = arith.constant 0 : i32
    %dma_wait3A_41 = tpu.memref_slice %arg4[%add3A_39, %dma_wait3A_40] : memref<204800x128xf32, #tpu.memory_space<hbm>> -> memref<128x128xf32, #tpu.memory_space<hbm>>
    %dma_wait3A_42 = arith.constant 0 : i32
    %dma_wait3A_43 = tpu.memref_slice %arg4[%add3A_39, %dma_wait3A_42] : memref<204800x128xf32, #tpu.memory_space<hbm>> -> memref<128x128xf32, #tpu.memory_space<hbm>>
    tpu.wait_dma2 semaphore(%arg13 : memref<!tpu.dma_semaphore, #tpu.memory_space<semaphore_mem>>) src(%arg9 : memref<128x128xf32, #tpu.memory_space<vmem>>) dst(%dma_wait3A_43 : memref<128x128xf32, #tpu.memory_space<hbm>>)
    %add3A_44 = arith.constant 6016 : i32
    %add3A_45 = arith.addi %mul3A_2, %add3A_44 : i32
    %dma_wait3A_46 = arith.constant 0 : i32
    %dma_wait3A_47 = tpu.memref_slice %arg4[%add3A_45, %dma_wait3A_46] : memref<204800x128xf32, #tpu.memory_space<hbm>> -> memref<128x128xf32, #tpu.memory_space<hbm>>
    %dma_wait3A_48 = arith.constant 0 : i32
    %dma_wait3A_49 = tpu.memref_slice %arg4[%add3A_45, %dma_wait3A_48] : memref<204800x128xf32, #tpu.memory_space<hbm>> -> memref<128x128xf32, #tpu.memory_space<hbm>>
    tpu.wait_dma2 semaphore(%arg14 : memref<!tpu.dma_semaphore, #tpu.memory_space<semaphore_mem>>) src(%arg10 : memref<128x128xf32, #tpu.memory_space<vmem>>) dst(%dma_wait3A_49 : memref<128x128xf32, #tpu.memory_space<hbm>>)
    %add3A_50 = arith.constant 6144 : i32
    %add3A_51 = arith.addi %mul3A_2, %add3A_50 : i32
    %dma_wait3A_52 = arith.constant 0 : i32
    %dma_wait3A_53 = tpu.memref_slice %arg4[%add3A_51, %dma_wait3A_52] : memref<204800x128xf32, #tpu.memory_space<hbm>> -> memref<128x128xf32, #tpu.memory_space<hbm>>
    %dma_wait3A_54 = arith.constant 0 : i32
    %dma_wait3A_55 = tpu.memref_slice %arg4[%add3A_51, %dma_wait3A_54] : memref<204800x128xf32, #tpu.memory_space<hbm>> -> memref<128x128xf32, #tpu.memory_space<hbm>>
    tpu.wait_dma2 semaphore(%arg11 : memref<!tpu.dma_semaphore, #tpu.memory_space<semaphore_mem>>) src(%arg7 : memref<128x128xf32, #tpu.memory_space<vmem>>) dst(%dma_wait3A_55 : memref<128x128xf32, #tpu.memory_space<hbm>>)
    %add3A_56 = arith.constant 6272 : i32
    %add3A_57 = arith.addi %mul3A_2, %add3A_56 : i32
    %dma_wait3A_58 = arith.constant 0 : i32
    %dma_wait3A_59 = tpu.memref_slice %arg4[%add3A_57, %dma_wait3A_58] : memref<204800x128xf32, #tpu.memory_space<hbm>> -> memref<128x128xf32, #tpu.memory_space<hbm>>
    %dma_wait3A_60 = arith.constant 0 : i32
    %dma_wait3A_61 = tpu.memref_slice %arg4[%add3A_57, %dma_wait3A_60] : memref<204800x128xf32, #tpu.memory_space<hbm>> -> memref<128x128xf32, #tpu.memory_space<hbm>>
    tpu.wait_dma2 semaphore(%arg12 : memref<!tpu.dma_semaphore, #tpu.memory_space<semaphore_mem>>) src(%arg8 : memref<128x128xf32, #tpu.memory_space<vmem>>) dst(%dma_wait3A_61 : memref<128x128xf32, #tpu.memory_space<hbm>>)
    return
  }
}

</mosaic_0001>

<sc_bundles>
// kernel: _run.3.cloned.1.call-start
scs
__scs_entry_jumppad:
0x0: {  	(pc) =	sbr.rel $0x88, $3  }
0x1: {  	(tag) =	ssettag $0x0;
	lr =	simm.s32 $0x1  }
0x2: {  	[smem:$0x3F9F] =	sst lr;
	_ =	strace $0xD0000000  }
0x3: {  	_ = 	snop  }
0x4: {  	_ = 	snop  }
0x5: {  	_ = 	snop  }
0x6: {  	_ = 	snop  }
0x7: {  	_ = 	snop  }
__scs_overlays_trampoline_lowered:
0x8: {  	[smem:$0x3FAE] =	sst s0  }
0x9: {  	[smem:$0x3FAF] =	sst s1  }
0xa: {  	[smem:$0x3FB0] =	sst s2  }
0xb: {  	[smem:$0x3FB1] =	sst s3  }
0xc: {  	[smem:$0x3FB2] =	sst s4  }
0xd: {  	[smem:$0x3FB3] =	sst s5  }
0xe: {  	[smem:$0x3FB4] =	sst s6  }
0xf: {  	[smem:$0x3FB5] =	sst s7  }
0x10: {  	[smem:$0x3FB6] =	sst s8  }
0x11: {  	[smem:$0x3FB7] =	sst s9;
	s0 =	simm.s32 @!p0 $0x0  }
0x12: {  	s1 =	sld [smem:$0x3F9D];
	s0 =	simm.s32 @p0 $0x1  }
0x13: {  	[smem:$0x3FB8] =	sst s0;
	s0 =	simm.s32 @!p1 $0x0  }
0x14: {  	s2 =	sld [smem:$0x3F9C];
	s0 =	simm.s32 @p1 $0x1  }
0x15: {  	[smem:$0x3FB9] =	sst s0;
	s0 =	simm.s32 @!p2 $0x0  }
0x16: {  	s3 =	sld [smem:$0x3FDB];
	s0 =	simm.s32 @p2 $0x1  }
0x17: {  	s4 =	simm.s32 $0x1BF5;
	[smem:$0x3FBB] =	sst s0  }
0x18: {  	s0 =	sld [smem:$0x3F9E];
	_ =	swait.ge [sflag:s4], $0x0  }
0x19: {  	s7 =	sld [smem:$0x3F9F]  }
0x1a: {  	s8 =	sadd.s32 $0xFFFFE003, lr  }
0x1b: {  	s9 =	sadd.s32 $0xFFFFFEF7, lr;
	s5 =	simm.s32 $0xFFFFFFFF;
	p2 =	slt.u32 s8, $0xFFFFF086  }
0x1c: {  	p1 =	slt.u32 s9, $0xF7A;
	s5 =	simm.s32 @!p2 $0x0  }
0x1d: {  	s5 =	simm.s32 @p1 $0x1;
	p0 =	seq.s32 s7, s2  }
0x1e: {  	s7 =	smul.u32 @!p0 $0xF7A, s2;
	p2 =	seq.s32 @!p0 s5, $0x0  }
0x1f: {  	s9 =	smul.u32 $0xF7A, s1;
	s8 =	simm.s32 @!p0 $0x1BF5;
	p2 =	por !p2, p0  }
0x20: {  	[sflag:s8] =	ssyncset.s32 @!p0 $0xFFFFF086;
	s6 =	sadd.s32 @!p0 s3, s7;
	s7 =	simm.s32 @!p0 $0x108  }
0x21: {  	s3 =	sadd.s32 s3, s9;
	s6 =	sadd.s32 @!p0 $0x88, s6;
	s7 =	simm.s32 @p2 $0x1082  }
0x22: {  	[simem:s7], [sflag:s8] =	dma.local @!p0 [hbm:s6], $0xF7A  }
0x23: {  	s9 =	sor.u32 $0xD0000000, s2;
	s6 =	simm.s32 $0x108;
	_ =	swait.ge @!p0 [sflag:s8], $0x0  }
0x24: {  	s3 =	sadd.s32 $0x88, s3;
	s6 =	simm.s32 @!p1 $0x1082;
	[sflag:s4] =	ssyncset.s32 $0xFFFFF086  }
0x25: {  	[simem:s6], [sflag:s4] =	dma.local [hbm:s3], $0xF7A  }
0x26: {  	[smem:$0x3F9F] =	sst s1;
	(tag) =	ssettag s2;
	_ =	strace s9  }
0x27: {  	s1 =	sld [smem:$0x3FAF]  }
0x28: {  	s2 =	sld [smem:$0x3FB0]  }
0x29: {  	s4 =	sld [smem:$0x3FB2]  }
0x2a: {  	p0 =	seq.s32 s5, $0x0;
	s5 =	sld [smem:$0x3FB3]  }
0x2b: {  	s6 =	sld [smem:$0x3FB4]  }
0x2c: {  	s7 =	sld [smem:$0x3FB5]  }
0x2d: {  	s3 =	simm.s32 $0x108;
	s8 =	sld [smem:$0x3FB6]  }
0x2e: {  	s3 =	simm.s32 @!p0 $0x1082;
	s9 =	sld [smem:$0x3FB7]  }
0x2f: {  	lr =	sadd.s32 s0, s3;
	s0 =	sld [smem:$0x3FAE]  }
0x30: {  	s3 =	sld [smem:$0x3FB1]  }
0x31: {  	[smem:$0x3FBA] =	sst s10  }
0x32: {  	s10 =	sld [smem:$0x3FB8];
	_ =	sdelay $0x3  }
0x33: {  	p0 =	seq.s32 s10, $0x1;
	s10 =	sld [smem:$0x3FBA];
	_ =	sdelay $0x3  }
0x34: {  	[smem:$0x3FBA] =	sst s10  }
0x35: {  	s10 =	sld [smem:$0x3FB9];
	_ =	sdelay $0x3  }
0x36: {  	p1 =	seq.s32 s10, $0x1;
	s10 =	sld [smem:$0x3FBA];
	_ =	sdelay $0x3  }
0x37: {  	[smem:$0x3FBA] =	sst s10  }
0x38: {  	s10 =	sld [smem:$0x3FBB]  }
0x39: {  	_ = 	snop;
	(pc) =	sbr.ind lr, $3  }
0x3a: {  	_ = 	snop  }
0x3b: {  	_ = 	snop  }
0x3c: {  	p2 =	seq.s32 s10, $0x1;
	s10 =	sld [smem:$0x3FBA]  }
0x3d: {  	_ =	shalt  }
0x3e: {  	_ =	shalt  }
0x3f: {  	_ =	shalt  }
0x40: {  	_ =	shalt  }
0x41: {  	_ =	shalt  }
0x42: {  	_ =	shalt  }
0x43: {  	_ =	shalt  }
0x44: {  	_ =	shalt  }
0x45: {  	_ =	shalt  }
0x46: {  	_ =	shalt  }
0x47: {  	_ =	shalt  }
0x48: {  	_ =	shalt  }
0x49: {  	_ =	shalt  }
0x4a: {  	_ =	shalt  }
0x4b: {  	_ =	shalt  }
0x4c: {  	_ =	shalt  }
0x4d: {  	_ =	shalt  }
0x4e: {  	_ =	shalt  }
0x4f: {  	_ =	shalt  }
0x50: {  	_ =	shalt  }
0x51: {  	_ =	shalt  }
0x52: {  	_ =	shalt  }
0x53: {  	_ =	shalt  }
0x54: {  	_ =	shalt  }
0x55: {  	_ =	shalt  }
0x56: {  	_ =	shalt  }
0x57: {  	_ =	shalt  }
0x58: {  	_ =	shalt  }
0x59: {  	_ =	shalt  }
0x5a: {  	_ =	shalt  }
0x5b: {  	_ =	shalt  }
0x5c: {  	_ =	shalt  }
0x5d: {  	_ =	shalt  }
0x5e: {  	_ =	shalt  }
0x5f: {  	_ =	shalt  }
0x60: {  	_ =	shalt  }
0x61: {  	_ =	shalt  }
0x62: {  	_ =	shalt  }
0x63: {  	_ =	shalt  }
0x64: {  	_ =	shalt  }
0x65: {  	_ =	shalt  }
0x66: {  	_ =	shalt  }
0x67: {  	_ =	shalt  }
0x68: {  	_ =	shalt  }
0x69: {  	_ =	shalt  }
0x6a: {  	_ =	shalt  }
0x6b: {  	_ =	shalt  }
0x6c: {  	_ =	shalt  }
0x6d: {  	_ =	shalt  }
0x6e: {  	_ =	shalt  }
0x6f: {  	_ =	shalt  }
0x70: {  	_ =	shalt  }
0x71: {  	_ =	shalt  }
0x72: {  	_ =	shalt  }
0x73: {  	_ =	shalt  }
0x74: {  	_ =	shalt  }
0x75: {  	_ =	shalt  }
0x76: {  	_ =	shalt  }
0x77: {  	_ =	shalt  }
0x78: {  	_ =	shalt  }
0x79: {  	_ =	shalt  }
0x7a: {  	_ =	shalt  }
0x7b: {  	_ =	shalt  }
0x7c: {  	_ =	shalt  }
0x7d: {  	_ =	shalt  }
0x7e: {  	_ =	shalt  }
0x7f: {  	_ =	shalt  }
0x80: {  	_ =	shalt  }
0x81: {  	_ =	shalt  }
0x82: {  	_ =	shalt  }
0x83: {  	_ =	shalt  }
0x84: {  	_ =	shalt  }
0x85: {  	_ =	shalt  }
0x86: {  	_ =	shalt  }
0x87: {  	_ =	shalt  }
.Lfunc_end0:
.L_simem_size_0:
called_computation_lowered:
.L_overlay_start_0:
0x88: {  	s2 =	sld [smem:$0x3FD9]  }
0x89: {  	s3 =	sld [smem:$0x3FFE];
	_ =	sdelay $0x1  }
0x8a: {  	s1 =	srdreg.scid  }
0x8b: {  	s0 =	sand.u32 $0x1, s1  }
0x8c: {  	s18 =	sshll.u32 s0, $0xA;
	s2 =	sadd.s32 s3, s2  }
0x8d: {  	s2 =	sadd.s32 s2, s18  }
0x8e: {  	[smem:$0x3FC6] =	sst s2  }
0x8f: {  	_ = 	snop  }
0x90: {  	s2 =	sld [smem:$0x3FC9]  }
0x91: {  	s19 =	sld [smem:$0x3FC8]  }
0x92: {  	s4 =	sld [smem:$0x3FD0];
	(tm) =	ssettm $0x1  }
0x93: {  	s5 =	sld [smem:$0x3FFB];
	_ =	sdelay $0x3  }
0x94: {  	_ =	strace s5  }
0x95: {  	s5 =	sld [smem:$0x3FFC];
	_ =	sdelay $0x3  }
0x96: {  	_ =	strace s5  }
0x97: {  	s5 =	sld [smem:$0x3FFD];
	_ =	sdelay $0x3  }
0x98: {  	_ =	strace s5  }
0x99: {  	_ =	strace $0x8FFFFFFF  }
0x9a: {  	s20 =	sld [smem:$0x3FDB];
	_ =	sdelay $0x1  }
0x9b: {  	s6 =	simm.s32 $_scs_section_size  }
0x9c: {  	s7 =	simm.s32 $_size__tile_overlayer_lowered;
	s8 =	simm.s32 $_tile_overlayer_lowered  }
0x9d: {  	s23 =	simm.s32 $0x1BFF;
	s22 =	sshll.u32 s8, $0x1;
	s5 =	sadd.s32 s6, s20  }
0x9e: {  	s9 =	simm.s32 $0x0;
	s21 =	sshll.u32 s7, $0x1;
	s7 =	sadd.s32 s22, s5  }
0x9f: {  	[timem:s9], [sflag:s23] =	dma.local [hbm:s7], s21  }
0xa0: {  	_ =	swait.ge [sflag:s23], s21  }
0xa1: {  	s6 =	ssub.s32 $0x0, s21;
	[sflag:s23] =	ssyncset.done $0x0  }
0xa2: {  	[sflag:s23] =	ssyncadd.s32 s6;
	_ =	sdelay $0x1  }
0xa3: {  	s24 =	simm.s32 $0x1B8B  }
0xa4: {  	_ =	swait.ge [sflag:s24], $0x1  }
0xa5: {  	[sflag:s24] =	ssyncset.done $0x0  }
0xa6: {  	s25 =	simm.s32 $0x1B8E;
	[sflag:s24] =	ssyncadd.s32 $0xFFFFFFFF  }
0xa7: {  	s26 =	simm.s32 $execute0_lowered;
	[smem:$0x3FD2] =	sst s25  }
0xa8: {  	s6 =	sshll.u32 s26, $0x1;
	_ =	strace $0x80000046;
	[dreg:$0x1] =	wrdreg $0xFFFFFFFF  }
0xa9: {  	s28 =	simm.s32 $_size_execute0_lowered;
	s5 =	sadd.s32 s5, s6;
	[dreg:$0x0] =	wrdreg $0x0  }
0xaa: {  	s6 =	sshll.u32 s28, $0x1;
	[dreg:$0x2] =	wrdreg s5  }
0xab: {  	[dreg:$0x3] =	wrdreg s6  }
0xac: {  	[dreg:$0x4] =	wrdreg $0xC0  }
0xad: {  	_ =	task [dreg:s9], $0x5FFFF  }
0xae: {  	[dreg:$0x1] =	wrdreg $0xFFFFFFFF  }
0xaf: {  	[dreg:$0x0] =	wrdreg $0x60  }
0xb0: {  	[dreg:$0x2] =	wrdreg s2  }
0xb1: {  	[dreg:$0x3] =	wrdreg s19  }
0xb2: {  	[dreg:$0x4] =	wrdreg s4  }
0xb3: {  	[dreg:$0x5] =	wrdreg $0x9  }
0xb4: {  	_ =	task.clear_ibuf [dreg:s9], $0x6FFFF;
	_ =	strace $0x90000046  }
0xb5: {  	s29 =	simm.s32 $0x9;
	_ =	strace $0x80000048  }
0xb6: {  	_ =	swait.ge [sflag:s29], $0x1  }
0xb7: {  	[sflag:s29] =	ssyncadd.s32 $0xFFFFFFFF  }
0xb8: {  	_ =	strace $0x90000048  }
0xb9: {  	_ =	sfence  }
0xba: {  	s30 =	sld [smem:$0x0];
	_ =	sdelay $0x2  }
0xbb: {  	s31 =	sshll.u32 s1, $0xD;
	s1 =	sshrl.u32 s1, $0x2  }
0xbc: {  	s3 =	sand.u32 $0x4000, s31;
	s1 =	sadd.s32 s1, s30  }
0xbd: {  	s0 =	sor.u32 s3, s0;
	s1 =	sshll.u32 s1, $0x11  }
0xbe: {  	s0 =	sor.u32 s1, s0  }
0xbf: {  	s0 =	sadd.s32 $0x8F2B, s0  }
0xc0: {  	[sflag:s0] =	ssyncadd.remote.s32 $0x1  }
0xc1: {  	_ =	sfence.sel $0xFFFF  }
0xc2: {  	[dreg:$0x0] =	wrdreg $0xFFFFFFFF;
	(pc) =	sbr.abs _section_cstart, $3  }
0xc3: {  	[dreg:$0x1] =	wrdreg $0xFFFFFFFF  }
0xc4: {  	_ =	task.clear_ibuf [dreg:s9], $0x2FFFF;
	_ =	strace $0x9FFFFFFF  }
0xc5: {  	(tm) =	ssettm $0x7FFFFFFF  }
tec
execute0_lowered:
.L_overlay_start_1:
0x0: {  	(tag) =	ssettag $0x1  }
0x1: {  	s6 =	rddreg [dreg:$0x0]  }
0x2: {  	s1 =	srdreg.scid;
	s0 =	stileid.u32  }
0x3: {  	s3 =	rddreg [dreg:$0x2];
	s4 =	simm.s32 $0x0;
	s11 =	simm.s32 $0x5  }
0x4: {  	s12 =	simm.s32 $0x6;
	s13 =	simm.s32 $0x7D00;
	s14 =	simm.s32 $0xBD00  }
0x5: {  	s15 =	simm.s32 $0xFD00;
	s16 =	simm.s32 $0x13D00;
	s17 =	simm.s32 $0x1  }
0x6: {  	s18 =	simm.s32 $0x2;
	s7 =	sand.u32 $0x1, s1;
	s30 =	sshll.u32 s0, $0x1  }
0x7: {  	s19 =	simm.s32 $0x3;
	s20 =	simm.s32 $0x4;
	s8 =	sor.u32 s7, s30  }
0x8: {  	s21 =	simm.s32 $0x0;
	s7 =	ssub.s32 $0x2, s7;
	s5 =	smul.u32 $0xC8000, s8  }
0x9: {  	v0 =	vlaneseq.u32;
	[smem:$0x7FF] =	sst s4;
	s8 =	smul.u32 $0x320, s8;
	s9 =	sshrl.u32 s7, $0x1  }
0xa: {  	v1 =	vor.u32 $0x10, v0;
	_ =	strace $0x80000047;
	s9 =	ssub.s32 s7, s9;
	s10 =	sshrl.u32 s5, $0x3  }
0xb: {  	v2 =	vor.u32 $0x20, v0;
	v3 =	vor.u32 $0x30, v0;
	v4 =	vor.u32 $0x40, v0;
	s6 =	sadd.s32 s6, s8;
	s9 =	smax.u32 s9, $0x1;
	s31 =	sadd.s32 s3, s10  }
0xc: {  	v5 =	vor.u32 $0x50, v0;
	v6 =	vor.u32 $0x60, v0;
	v7 =	vor.u32 $0x70, v0;
	s10 =	simm.s32 $0x6400;
	s7 =	sadd.s32 $0x18000, s31;
	s8 =	sadd.s32 $0x18800, s31  }
.LBB2_1:
0xd: {  	s0 =	rddreg [dreg:$0x1]  }
0xe: {  	[tilespmem:s4], [sflag:$0x5] =	stream.linear.gather [hbm4b:s0+s4], $0x6400, $0x38;
	[tilespmem:$0x17D00] =	vst v63  }
0xf: {  	_ = 	snop  }
0x10: {  	[tilespmem:s10], [sflag:$0x6] =	stream.linear.gather [hbm4b:s6+s4], $0x1900, $0x38;
	[tilespmem:$0x17D00] =	vst v63  }
0x11: {  	_ =	swait.ge [sflag:s11], $0x6400  }
0x12: {  	[sflag:s11] =	ssyncset.done $0x0  }
0x13: {  	[sflag:s11] =	ssyncadd.s32 $0xFFFF9C00  }
0x14: {  	_ =	swait.ge [sflag:s12], $0x1900  }
0x15: {  	[sflag:s12] =	ssyncset.done $0x0  }
0x16: {  	s22 =	simm.s32 $0x0;
	s23 =	simm.s32 $0x0;
	[sflag:s12] =	ssyncadd.s32 $0xFFFFE700  }
.LBB2_2:
0x17: {  	s24 =	sadd.s32 $0xFFFFFFFC, s22  }
0x18: {  	s25 =	sadd.s32 $0x6, s24  }
0x19: {  	s26 =	sadd.s32 $0x5, s24;
	v8 =	vmov s25  }
0x1a: {  	v9 =	vmov s26;
	v8 =	vand.u32 $0xFFFFFFFE, v8  }
0x1b: {  	s0 =	sadd.s32 $0x4, s24;
	v9 =	vand.u32 $0xFFFFFFFD, v9;
	v8 =	vbroadcast v8, $0x0  }
0x1c: {  	p0 =	seq.s32 s23, $0x0;
	v10 =	vmov s0;
	v9 =	vbroadcast v9, $0x0  }
0x1d: {  	s25 =	simm.s32 @!p0 $0x1;
	v10 =	vand.u32 $0xFFFFFFFC, v10  }
0x1e: {  	_ =	swait.ge @!p0 [sflag:s25], $0x4000;
	v10 =	vbroadcast v10, $0x0  }
0x1f: {  	[sflag:s25] =	ssyncset.done @!p0 $0x0  }
0x20: {  	[sflag:s25] =	ssyncadd.s32 @!p0 $0xFFFFC000  }
0x21: {  	v8 =	vld.idx.msk [tilespmem:v8+s10+$0x0], $0xffff  }
0x22: {  	v9 =	vld.idx.msk [tilespmem:v9+s10+$0x0], $0xffff;
	_ =	sdelay $0x1  }
0x23: {  	v10 =	vld.idx.msk [tilespmem:v10+s10+$0x0], $0xffff;
	_ =	sdelay $0x1  }
0x24: {  	v12 =	vshll.u32 v8, $0x7  }
0x25: {  	v13 =	vshll.u32 v9, $0x7;
	v8 =	vor.u32 v0, v12  }
0x26: {  	s24 =	sadd.s32 $0x7, s24;
	v9 =	vor.u32 v0, v13  }
0x27: {  	v11 =	vmov s24;
	v14 =	vshll.u32 v10, $0x7  }
0x28: {  	v10 =	vor.u32 v0, v14;
	_ =	sdelay $0x1  }
0x29: {  	v8 =	vld.idx.msk [tilespmem:v8+s4+$0x0], $0xffff  }
0x2a: {  	v15 =	vor.u32 v1, v12;
	v9 =	vld.idx.msk [tilespmem:v9+s4+$0x0], $0xffff  }
0x2b: {  	v11 =	vld.idx.msk [tilespmem:v11+s10+$0x0], $0xffff;
	v16 =	vor.u32 v1, v13  }
0x2c: {  	v10 =	vld.idx.msk [tilespmem:v10+s4+$0x0], $0xffff  }
0x2d: {  	s26 =	simm.s32 $0x7E00;
	v17 =	vor.u32 v1, v14  }
0x2e: {  	[tilespmem:s26+$0x0] =	vst v8  }
0x2f: {  	s1 =	sadd.s32 $0x0, s22;
	[tilespmem:s26+$0xFFFFFF80] =	vst v9;
	v8 =	vld.idx.msk [tilespmem:v15+s4+$0x0], $0xffff  }
0x30: {  	s2 =	sadd.s32 $0x5, s1;
	v9 =	vld.idx.msk [tilespmem:v16+s4+$0x0], $0xffff;
	v15 =	vor.u32 v2, v12  }
0x31: {  	s28 =	sadd.s32 $0x6, s1;
	[tilespmem:s26+$0xFFFFFF00] =	vst v10;
	v10 =	vor.u32 v2, v13;
	v16 =	vshll.u32 v11, $0x7;
	v11 =	vmov s2  }
0x32: {  	v19 =	vmov s28;
	v17 =	vld.idx.msk [tilespmem:v17+s4+$0x0], $0xffff;
	v18 =	vor.u32 v0, v16;
	v11 =	vand.u32 $0xFFFFFFFD, v11  }
0x33: {  	v19 =	vand.u32 $0xFFFFFFFE, v19;
	v20 =	vor.u32 v2, v14;
	v11 =	vbroadcast v11, $0x0  }
0x34: {  	s30 =	sadd.s32 $0x4, s1;
	[tilespmem:s26+$0x10] =	vst v8;
	v8 =	vbroadcast v19, $0x0  }
0x35: {  	[tilespmem:s26+$0xFFFFFF90] =	vst v9;
	v9 =	vmov s30;
	v15 =	vld.idx.msk [tilespmem:v15+s4+$0x0], $0xffff  }
0x36: {  	v19 =	vor.u32 v3, v12;
	v10 =	vld.idx.msk [tilespmem:v10+s4+$0x0], $0xffff;
	v9 =	vand.u32 $0xFFFFFFFC, v9  }
0x37: {  	v21 =	vor.u32 v3, v13;
	[tilespmem:s26+$0xFFFFFF10] =	vst v17;
	v18 =	vld.idx.msk [tilespmem:v18+s4+$0x0], $0xffff;
	v9 =	vbroadcast v9, $0x0  }
0x38: {  	v17 =	vld.idx.msk [tilespmem:v20+s4+$0x0], $0xffff  }
0x39: {  	v11 =	vld.idx.msk [tilespmem:v11+s10+$0x0], $0xffff  }
0x3a: {  	[tilespmem:s26+$0x20] =	vst v15;
	v8 =	vld.idx.msk [tilespmem:v8+s10+$0x0], $0xffff  }
0x3b: {  	v20 =	vor.u32 v1, v16;
	[tilespmem:s26+$0xFFFFFFA0] =	vst v10;
	v19 =	vld.idx.msk [tilespmem:v19+s4+$0x0], $0xffff  }
0x3c: {  	s24 =	sadd.s32 $0x7, s1;
	v22 =	vor.u32 v4, v12;
	v21 =	vld.idx.msk [tilespmem:v21+s4+$0x0], $0xffff  }
0x3d: {  	v23 =	vmov s24;
	v9 =	vld.idx.msk [tilespmem:v9+s10+$0x0], $0xffff  }
0x3e: {  	[tilespmem:s26+$0x80] =	vst v18;
	v18 =	vor.u32 v4, v13  }
0x3f: {  	v15 =	vor.u32 v3, v14;
	[tilespmem:s26+$0xFFFFFF20] =	vst v17;
	v11 =	vshll.u32 v11, $0x7  }
0x40: {  	v20 =	vld.idx.msk [tilespmem:v20+s4+$0x0], $0xffff;
	v17 =	vor.u32 v0, v11;
	v10 =	vshll.u32 v8, $0x7;
	[tilespmem:s26+$0x30] =	vst v19  }
0x41: {  	v19 =	vor.u32 v0, v10;
	v22 =	vld.idx.msk [tilespmem:v22+s4+$0x0], $0xffff  }
0x42: {  	v24 =	vor.u32 v2, v16;
	[tilespmem:s26+$0xFFFFFFB0] =	vst v21;
	v8 =	vshll.u32 v9, $0x7;
	v9 =	vld.idx.msk [tilespmem:v23+s10+$0x0], $0xffff  }
0x43: {  	v18 =	vld.idx.msk [tilespmem:v18+s4+$0x0], $0xffff;
	v23 =	vor.u32 v0, v8  }
0x44: {  	v25 =	vor.u32 v5, v13;
	v15 =	vld.idx.msk [tilespmem:v15+s4+$0x0], $0xffff  }
0x45: {  	v21 =	vor.u32 v5, v12;
	v17 =	vld.idx.msk [tilespmem:v17+s4+$0x0], $0xffff  }
0x46: {  	[tilespmem:s26+$0x90] =	vst v20;
	v20 =	vor.u32 v1, v11;
	v19 =	vld.idx.msk [tilespmem:v19+s4+$0x0], $0xffff  }
0x47: {  	v24 =	vld.idx.msk [tilespmem:v24+s4+$0x0], $0xffff;
	[tilespmem:s26+$0x40] =	vst v22;
	v22 =	vor.u32 v1, v10  }
0x48: {  	v26 =	vor.u32 v3, v16;
	v9 =	vshll.u32 v9, $0x7;
	[tilespmem:s26+$0xFFFFFFC0] =	vst v18;
	v18 =	vld.idx.msk [tilespmem:v23+s4+$0x0], $0xffff  }
0x49: {  	s25 =	simm.s32 $0x8000;
	v23 =	vor.u32 v0, v9;
	v25 =	vld.idx.msk [tilespmem:v25+s4+$0x0], $0xffff  }
0x4a: {  	v27 =	vor.u32 v1, v8;
	v21 =	vld.idx.msk [tilespmem:v21+s4+$0x0], $0xffff;
	[tilespmem:s25+$0xFFFFFF80] =	vst v17  }
0x4b: {  	v17 =	vld.idx.msk [tilespmem:v20+s4+$0x0], $0xffff;
	[tilespmem:s25+$0x0] =	vst v19;
	v19 =	vor.u32 v6, v13  }
0x4c: {  	[tilespmem:s26+$0xA0] =	vst v24;
	v20 =	vld.idx.msk [tilespmem:v22+s4+$0x0], $0xffff;
	v22 =	vor.u32 v2, v11  }
0x4d: {  	s31 =	sadd.s32 $0x4, s22;
	v24 =	vld.idx.msk [tilespmem:v26+s4+$0x0], $0xffff;
	v26 =	vor.u32 v6, v12;
	[tilespmem:s25+$0xFFFFFF00] =	vst v18  }
0x4e: {  	s28 =	sadd.s32 $0x4, s31;
	v18 =	vor.u32 v2, v10;
	v23 =	vld.idx.msk [tilespmem:v23+s4+$0x0], $0xffff;
	[tilespmem:s26+$0xFFFFFFD0] =	vst v25  }
0x4f: {  	v28 =	vor.u32 v1, v9;
	[tilespmem:s26+$0x50] =	vst v21;
	v21 =	vmov s28;
	v25 =	vld.idx.msk [tilespmem:v27+s4+$0x0], $0xffff  }
0x50: {  	v27 =	vor.u32 v2, v8;
	[tilespmem:s25+$0xFFFFFF90] =	vst v17;
	v21 =	vand.u32 $0xFFFFFFFC, v21;
	v19 =	vld.idx.msk [tilespmem:v19+s4+$0x0], $0xffff  }
0x51: {  	v17 =	vor.u32 v4, v14;
	v21 =	vbroadcast v21, $0x0;
	v22 =	vld.idx.msk [tilespmem:v22+s4+$0x0], $0xffff  }
0x52: {  	s28 =	sadd.s32 $0x5, s31;
	[tilespmem:s25+$0x10] =	vst v20;
	v20 =	vld.idx.msk [tilespmem:v26+s4+$0x0], $0xffff  }
0x53: {  	s29 =	sadd.s32 $0x6, s31;
	v13 =	vor.u32 v7, v13;
	v26 =	vmov s28;
	v18 =	vld.idx.msk [tilespmem:v18+s4+$0x0], $0xffff;
	[tilespmem:s25+$0x80] =	vst v23  }
0x54: {  	v29 =	vor.u32 v3, v11;
	v23 =	vmov s29;
	v26 =	vand.u32 $0xFFFFFFFD, v26;
	[tilespmem:s25+$0xFFFFFF10] =	vst v25;
	v25 =	vld.idx.msk [tilespmem:v28+s4+$0x0], $0xffff  }
0x55: {  	[tilespmem:s26+$0xFFFFFF30] =	vst v15;
	v15 =	vand.u32 $0xFFFFFFFE, v23;
	v23 =	vbroadcast v26, $0x0;
	v26 =	vld.idx.msk [tilespmem:v27+s4+$0x0], $0xffff;
	v27 =	vor.u32 v3, v10  }
0x56: {  	v17 =	vld.idx.msk [tilespmem:v17+s4+$0x0], $0xffff;
	v15 =	vbroadcast v15, $0x0  }
0x57: {  	[tilespmem:s26+$0xFFFFFFE0] =	vst v19;
	v21 =	vld.idx.msk [tilespmem:v21+s10+$0x0], $0xffff  }
0x58: {  	v28 =	vor.u32 v3, v8;
	[tilespmem:s25+$0xFFFFFFA0] =	vst v22;
	v19 =	vld.idx.msk [tilespmem:v13+s4+$0x0], $0xffff  }
0x59: {  	v22 =	vor.u32 v4, v16;
	v13 =	vld.idx.msk [tilespmem:v29+s4+$0x0], $0xffff;
	[tilespmem:s25+$0x20] =	vst v18  }
0x5a: {  	s24 =	sadd.s32 $0x7, s31;
	[tilespmem:s26+$0xB0] =	vst v24;
	v18 =	vor.u32 v5, v14;
	v27 =	vld.idx.msk [tilespmem:v27+s4+$0x0], $0xffff  }
0x5b: {  	[tilespmem:s26+$0xFFFFFF40] =	vst v17;
	v17 =	vmov s24;
	v23 =	vld.idx.msk [tilespmem:v23+s10+$0x0], $0xffff  }
0x5c: {  	v29 =	vor.u32 v2, v9;
	[tilespmem:s25+$0xFFFFFF20] =	vst v26;
	v24 =	vld.idx.msk [tilespmem:v15+s10+$0x0], $0xffff  }
0x5d: {  	v30 =	vor.u32 v4, v10;
	v28 =	vld.idx.msk [tilespmem:v28+s4+$0x0], $0xffff  }
0x5e: {  	[tilespmem:s26+$0x60] =	vst v20;
	v26 =	vor.u32 v4, v11;
	v22 =	vld.idx.msk [tilespmem:v22+s4+$0x0], $0xffff  }
0x5f: {  	[tilespmem:s25+$0x90] =	vst v25;
	v25 =	vor.u32 v7, v12;
	v18 =	vld.idx.msk [tilespmem:v18+s4+$0x0], $0xffff  }
0x60: {  	v20 =	vor.u32 v5, v16;
	[tilespmem:s26+$0xFFFFFFF0] =	vst v19;
	v17 =	vld.idx.msk [tilespmem:v17+s10+$0x0], $0xffff  }
0x61: {  	v31 =	vor.u32 v6, v14;
	[tilespmem:s25+$0x30] =	vst v27;
	v27 =	vld.idx.msk [tilespmem:v29+s4+$0x0], $0xffff;
	v15 =	vshll.u32 v23, $0x7  }
0x62: {  	[tilespmem:s25+$0xFFFFFFB0] =	vst v13;
	v23 =	vld.idx.msk [tilespmem:v30+s4+$0x0], $0xffff;
	v29 =	vor.u32 v0, v15;
	v13 =	vshll.u32 v24, $0x7  }
0x63: {  	v24 =	vld.idx.msk [tilespmem:v26+s4+$0x0], $0xffff;
	v19 =	vor.u32 v0, v13;
	[tilespmem:s26+$0xC0] =	vst v22  }
0x64: {  	v12 =	vshll.u32 v21, $0x7;
	v21 =	vor.u32 v5, v10;
	[tilespmem:s26+$0xFFFFFF50] =	vst v18;
	v18 =	vld.idx.msk [tilespmem:v25+s4+$0x0], $0xffff  }
0x65: {  	v26 =	vor.u32 v5, v11;
	v20 =	vld.idx.msk [tilespmem:v20+s4+$0x0], $0xffff  }
0x66: {  	[tilespmem:s25+$0xFFFFFF30] =	vst v28;
	v25 =	vor.u32 v0, v12;
	v22 =	vld.idx.msk [tilespmem:v31+s4+$0x0], $0xffff  }
0x67: {  	v28 =	vor.u32 v7, v14;
	[tilespmem:s25+$0xA0] =	vst v27;
	v29 =	vld.idx.msk [tilespmem:v29+s4+$0x0], $0xffff  }
0x68: {  	[tilespmem:s25+$0x40] =	vst v23;
	v23 =	vor.u32 v6, v16;
	v19 =	vld.idx.msk [tilespmem:v19+s4+$0x0], $0xffff  }
0x69: {  	v27 =	vor.u32 v1, v15;
	[tilespmem:s25+$0xFFFFFFC0] =	vst v24;
	v21 =	vld.idx.msk [tilespmem:v21+s4+$0x0], $0xffff  }
0x6a: {  	v62 =	vor.u32 v1, v13;
	v63 =	vld.idx.msk [tilespmem:v26+s4+$0x0], $0xffff;
	[tilespmem:s26+$0x70] =	vst v18  }
0x6b: {  	v14 =	vshll.u32 v17, $0x7;
	v25 =	vld.idx.msk [tilespmem:v25+s4+$0x0], $0xffff;
	v18 =	vor.u32 v3, v9;
	[tilespmem:s26+$0xFFFFFF60] =	vst v22  }
0x6c: {  	s28 =	simm.s32 $0x8200;
	[tilespmem:s26+$0xD0] =	vst v20;
	v22 =	vor.u32 v0, v14;
	v28 =	vld.idx.msk [tilespmem:v28+s4+$0x0], $0xffff  }
0x6d: {  	v32 =	vor.u32 v1, v12;
	[tilespmem:s28+$0xFFFFFF80] =	vst v29;
	v24 =	vld.idx.msk [tilespmem:v23+s4+$0x0], $0xffff  }
0x6e: {  	v20 =	vld.idx.msk [tilespmem:v27+s4+$0x0], $0xffff;
	[tilespmem:s28+$0x0] =	vst v19;
	v27 =	vor.u32 v6, v11  }
0x6f: {  	v26 =	vor.u32 v7, v16;
	[tilespmem:s25+$0x50] =	vst v21;
	v19 =	vld.idx.msk [tilespmem:v62+s4+$0x0], $0xffff  }
0x70: {  	[tilespmem:s28+$0xFFFFFF00] =	vst v25;
	v18 =	vld.idx.msk [tilespmem:v18+s4+$0x0], $0xffff;
	v25 =	vor.u32 v2, v15  }
0x71: {  	[tilespmem:s25+$0xFFFFFFD0] =	vst v63;
	v23 =	vld.idx.msk [tilespmem:v22+s4+$0x0], $0xffff;
	v22 =	vor.u32 v6, v10  }
0x72: {  	s29 =	simm.s32 $0x8;
	s24 =	sshll.u32 s23, $0x2;
	v17 =	vor.u32 v1, v14;
	v16 =	vor.u32 v2, v13;
	v21 =	vld.idx.msk [tilespmem:v32+s4+$0x0], $0xffff;
	[tilespmem:s26+$0xFFFFFF70] =	vst v28  }
.LBB2_3:
0x73: {  	s30 =	sadd.s32 s29, s22;
	s29 =	sadd.s32 $0x4, s29;
	v28 =	vor.u32 v4, v8;
	v27 =	vld.idx.msk [tilespmem:v27+s4+$0x0], $0xffff;
	[tilespmem:s26+$0xE0] =	vst v24  }
0x74: {  	v24 =	vor.u32 v2, v12;
	s31 =	sadd.s32 $0x4, s30;
	s1 =	sadd.s32 $0x5, s30;
	s0 =	sadd.s32 $0x6, s30;
	[tilespmem:s28+$0xFFFFFF90] =	vst v20;
	v20 =	vor.u32 v7, v11;
	v26 =	vld.idx.msk [tilespmem:v26+s4+$0x0], $0xffff;
	v11 =	vmov v15  }
0x75: {  	p1 =	slt.u32 s29, $0x7C;
	v15 =	vmov s31;
	v29 =	vmov s1;
	v30 =	vmov s0;
	s0 =	sadd.s32 $0x7, s30;
	v25 =	vld.idx.msk [tilespmem:v25+s4+$0x0], $0xffff  }
0x76: {  	v15 =	vand.u32 $0xFFFFFFFC, v15;
	v29 =	vand.u32 $0xFFFFFFFD, v29;
	v30 =	vand.u32 $0xFFFFFFFE, v30;
	[tilespmem:s28+$0x10] =	vst v19;
	v19 =	vld.idx.msk [tilespmem:v22+s4+$0x0], $0xffff  }
0x77: {  	v22 =	vor.u32 v3, v11;
	v15 =	vbroadcast v15, $0x0;
	v16 =	vld.idx.msk [tilespmem:v16+s4+$0x0], $0xffff;
	[tilespmem:s28+$0x80] =	vst v23  }
0x78: {  	v23 =	vbroadcast v29, $0x0;
	[tilespmem:s28+$0xFFFFFF10] =	vst v21;
	v17 =	vld.idx.msk [tilespmem:v17+s4+$0x0], $0xffff  }
0x79: {  	v29 =	vor.u32 v3, v13;
	v21 =	vbroadcast v30, $0x0;
	v24 =	vld.idx.msk [tilespmem:v24+s4+$0x0], $0xffff;
	[tilespmem:s25+$0xFFFFFFE0] =	vst v27  }
0x7a: {  	v27 =	vld.idx.msk [tilespmem:v28+s4+$0x0], $0xffff;
	[tilespmem:s26+$0xF0] =	vst v26;
	s26 =	smov.u32 s25;
	s25 =	smov.u32 s28  }
0x7b: {  	[tilespmem:s28+$0xFFFFFFA0] =	vst v25;
	v20 =	vld.idx.msk [tilespmem:v20+s4+$0x0], $0xffff  }
0x7c: {  	v22 =	vld.idx.msk [tilespmem:v22+s4+$0x0], $0xffff;
	[tilespmem:s26+$0xB0] =	vst v18;
	v18 =	vor.u32 v4, v9  }
0x7d: {  	v15 =	vld.idx.msk [tilespmem:v15+s10+$0x0], $0xffff;
	[tilespmem:s28+$0x20] =	vst v16;
	v16 =	vor.u32 v5, v8  }
0x7e: {  	v25 =	vor.u32 v3, v12;
	v26 =	vld.idx.msk [tilespmem:v29+s4+$0x0], $0xffff;
	[tilespmem:s26+$0x60] =	vst v19  }
0x7f: {  	v19 =	vld.idx.msk [tilespmem:v23+s10+$0x0], $0xffff;
	[tilespmem:s28+$0xFFFFFF20] =	vst v24;
	v23 =	vor.u32 v2, v14  }
0x80: {  	v24 =	vor.u32 v4, v13;
	v21 =	vld.idx.msk [tilespmem:v21+s10+$0x0], $0xffff;
	[tilespmem:s26+$0xFFFFFF40] =	vst v27  }
0x81: {  	v27 =	vmov s0;
	[tilespmem:s26+$0xFFFFFFF0] =	vst v20;
	v18 =	vld.idx.msk [tilespmem:v18+s4+$0x0], $0xffff  }
0x82: {  	v20 =	vor.u32 v4, v11;
	[tilespmem:s28+$0xFFFFFFB0] =	vst v22;
	v16 =	vld.idx.msk [tilespmem:v16+s4+$0x0], $0xffff  }
0x83: {  	v28 =	vor.u32 v7, v10;
	v22 =	vshll.u32 v15, $0x7;
	v25 =	vld.idx.msk [tilespmem:v25+s4+$0x0], $0xffff;
	[tilespmem:s28+$0x90] =	vst v17;
	v17 =	vor.u32 v6, v8  }
0x84: {  	v10 =	vmov v13;
	v29 =	vor.u32 v0, v22;
	[tilespmem:s28+$0x30] =	vst v26;
	v23 =	vld.idx.msk [tilespmem:v23+s4+$0x0], $0xffff;
	v26 =	vor.u32 v5, v9  }
0x85: {  	v15 =	vshll.u32 v19, $0x7;
	v19 =	vld.idx.msk [tilespmem:v24+s4+$0x0], $0xffff  }
0x86: {  	v24 =	vor.u32 v0, v15;
	v13 =	vshll.u32 v21, $0x7;
	v21 =	vld.idx.msk [tilespmem:v27+s10+$0x0], $0xffff  }
0x87: {  	v27 =	vor.u32 v0, v13;
	v20 =	vld.idx.msk [tilespmem:v20+s4+$0x0], $0xffff;
	[tilespmem:s26+$0xC0] =	vst v18  }
0x88: {  	v18 =	vor.u32 v5, v10;
	[tilespmem:s26+$0xFFFFFF50] =	vst v16;
	v16 =	vld.idx.msk [tilespmem:v28+s4+$0x0], $0xffff  }
0x89: {  	[tilespmem:s28+$0xFFFFFF30] =	vst v25;
	v25 =	vld.idx.msk [tilespmem:v17+s4+$0x0], $0xffff  }
0x8a: {  	v30 =	vor.u32 v7, v8;
	v8 =	vmovc v12;
	v12 =	vmov v22;
	v28 =	vor.u32 v5, v11;
	v26 =	vld.idx.msk [tilespmem:v26+s4+$0x0], $0xffff  }
0x8b: {  	v31 =	vor.u32 v1, v12;
	v22 =	vld.idx.msk [tilespmem:v24+s4+$0x0], $0xffff;
	[tilespmem:s28+$0x40] =	vst v19;
	v19 =	vor.u32 v6, v9  }
0x8c: {  	v21 =	vshll.u32 v21, $0x7;
	v27 =	vld.idx.msk [tilespmem:v27+s4+$0x0], $0xffff;
	[tilespmem:s28+$0xA0] =	vst v23  }
0x8d: {  	v23 =	vor.u32 v1, v15;
	v17 =	vor.u32 v1, v21;
	[tilespmem:s28+$0xFFFFFFC0] =	vst v20;
	v18 =	vld.idx.msk [tilespmem:v18+s4+$0x0], $0xffff  }
0x8e: {  	v32 =	vor.u32 v1, v13;
	s28 =	sadd.s32 $0x200, s28;
	v29 =	vld.idx.msk [tilespmem:v29+s4+$0x0], $0xffff;
	[tilespmem:s26+$0x70] =	vst v16  }
0x8f: {  	v16 =	vor.u32 v3, v14;
	v28 =	vld.idx.msk [tilespmem:v28+s4+$0x0], $0xffff;
	[tilespmem:s26+$0xFFFFFF60] =	vst v25  }
0x90: {  	v33 =	vor.u32 v0, v21;
	v30 =	vld.idx.msk [tilespmem:v30+s4+$0x0], $0xffff;
	[tilespmem:s26+$0xD0] =	vst v26  }
0x91: {  	[tilespmem:s28+$0xFFFFFF80] =	vst v22;
	v24 =	vld.idx.msk [tilespmem:v19+s4+$0x0], $0xffff  }
.Ltmp0:
0x92: {  	v26 =	vor.u32 v7, v9;
	v9 =	vmov v14;
	v20 =	vld.idx.msk [tilespmem:v23+s4+$0x0], $0xffff;
	[tilespmem:s28+$0x0] =	vst v27;
	v27 =	vor.u32 v6, v11;
	(pc) =	sbr.rel @p1 .LBB2_3-.Ltmp0, $4  }
0x93: {  	v14 =	vmov v21;
	v19 =	vld.idx.msk [tilespmem:v32+s4+$0x0], $0xffff;
	[tilespmem:s25+$0x50] =	vst v18  }
0x94: {  	v25 =	vor.u32 v2, v15;
	[tilespmem:s28+$0xFFFFFF00] =	vst v29;
	v18 =	vld.idx.msk [tilespmem:v16+s4+$0x0], $0xffff  }
0x95: {  	v22 =	vor.u32 v6, v10;
	v16 =	vor.u32 v2, v13;
	v23 =	vld.idx.msk [tilespmem:v33+s4+$0x0], $0xffff;
	[tilespmem:s25+$0xFFFFFFD0] =	vst v28  }
0x96: {  	v21 =	vld.idx.msk [tilespmem:v31+s4+$0x0], $0xffff;
	[tilespmem:s26+$0xFFFFFF70] =	vst v30  }
0x97: {  	_ =	sdelay $0x2  }
0x98: {  	[tilespmem:s26+$0xE0] =	vst v24  }
0x99: {  	v24 =	vld.idx.msk [tilespmem:v26+s4+$0x0], $0xffff;
	[tilespmem:s28+$0x80] =	vst v23  }
0x9a: {  	[tilespmem:s28+$0xFFFFFF90] =	vst v20;
	v23 =	vor.u32 v2, v12;
	v17 =	vld.idx.msk [tilespmem:v17+s4+$0x0], $0xffff  }
0x9b: {  	v27 =	vld.idx.msk [tilespmem:v27+s4+$0x0], $0xffff;
	[tilespmem:s28+$0x10] =	vst v19;
	v19 =	vor.u32 v2, v14  }
0x9c: {  	v20 =	vld.idx.msk [tilespmem:v25+s4+$0x0], $0xffff;
	v25 =	vor.u32 v4, v8;
	[tilespmem:s25+$0xB0] =	vst v18  }
0x9d: {  	v11 =	vor.u32 v7, v11;
	v16 =	vld.idx.msk [tilespmem:v16+s4+$0x0], $0xffff;
	[tilespmem:s28+$0xFFFFFF10] =	vst v21  }
0x9e: {  	v21 =	vld.idx.msk [tilespmem:v22+s4+$0x0], $0xffff;
	v22 =	vor.u32 v3, v15;
	[tilespmem:s26+$0xF0] =	vst v24  }
0x9f: {  	v24 =	vor.u32 v3, v13;
	v23 =	vld.idx.msk [tilespmem:v23+s4+$0x0], $0xffff;
	[tilespmem:s28+$0x90] =	vst v17  }
0xa0: {  	[tilespmem:s25+$0xFFFFFFE0] =	vst v27;
	v17 =	vor.u32 v3, v12;
	v19 =	vld.idx.msk [tilespmem:v19+s4+$0x0], $0xffff  }
0xa1: {  	v18 =	vor.u32 v3, v14;
	[tilespmem:s28+$0xFFFFFFA0] =	vst v20;
	v20 =	vld.idx.msk [tilespmem:v25+s4+$0x0], $0xffff  }
0xa2: {  	v11 =	vld.idx.msk [tilespmem:v11+s4+$0x0], $0xffff;
	v25 =	vor.u32 v4, v9;
	[tilespmem:s28+$0x20] =	vst v16  }
0xa3: {  	v16 =	vld.idx.msk [tilespmem:v22+s4+$0x0], $0xffff;
	v22 =	vor.u32 v5, v8;
	[tilespmem:s25+$0x60] =	vst v21  }
0xa4: {  	v21 =	vld.idx.msk [tilespmem:v24+s4+$0x0], $0xffff;
	[tilespmem:s28+$0xFFFFFF20] =	vst v23;
	v23 =	vor.u32 v4, v15  }
0xa5: {  	v24 =	vor.u32 v4, v13;
	v17 =	vld.idx.msk [tilespmem:v17+s4+$0x0], $0xffff;
	[tilespmem:s28+$0xA0] =	vst v19  }
0xa6: {  	[tilespmem:s25+$0xFFFFFF40] =	vst v20;
	v19 =	vor.u32 v4, v12;
	v18 =	vld.idx.msk [tilespmem:v18+s4+$0x0], $0xffff  }
0xa7: {  	[tilespmem:s25+$0xFFFFFFF0] =	vst v11;
	v11 =	vld.idx.msk [tilespmem:v25+s4+$0x0], $0xffff;
	v20 =	vor.u32 v4, v14  }
0xa8: {  	v10 =	vor.u32 v7, v10;
	[tilespmem:s28+$0xFFFFFFB0] =	vst v16;
	v16 =	vld.idx.msk [tilespmem:v22+s4+$0x0], $0xffff  }
0xa9: {  	[tilespmem:s28+$0x30] =	vst v21;
	v21 =	vor.u32 v5, v9;
	v22 =	vld.idx.msk [tilespmem:v23+s4+$0x0], $0xffff  }
0xaa: {  	v23 =	vld.idx.msk [tilespmem:v24+s4+$0x0], $0xffff;
	[tilespmem:s28+$0xFFFFFF30] =	vst v17;
	v17 =	vor.u32 v5, v15  }
0xab: {  	v24 =	vor.u32 v5, v13;
	v19 =	vld.idx.msk [tilespmem:v19+s4+$0x0], $0xffff;
	[tilespmem:s28+$0xB0] =	vst v18  }
0xac: {  	[tilespmem:s25+$0xC0] =	vst v11;
	v11 =	vor.u32 v5, v12;
	v18 =	vld.idx.msk [tilespmem:v20+s4+$0x0], $0xffff  }
0xad: {  	v10 =	vld.idx.msk [tilespmem:v10+s4+$0x0], $0xffff;
	[tilespmem:s25+$0xFFFFFF50] =	vst v16;
	v16 =	vor.u32 v5, v14  }
0xae: {  	v21 =	vld.idx.msk [tilespmem:v21+s4+$0x0], $0xffff;
	v20 =	vor.u32 v6, v8;
	[tilespmem:s28+$0xFFFFFFC0] =	vst v22  }
0xaf: {  	[tilespmem:s28+$0x40] =	vst v23;
	v22 =	vor.u32 v6, v9;
	v17 =	vld.idx.msk [tilespmem:v17+s4+$0x0], $0xffff  }
0xb0: {  	v23 =	vld.idx.msk [tilespmem:v24+s4+$0x0], $0xffff;
	v24 =	vor.u32 v6, v15;
	[tilespmem:s28+$0xFFFFFF40] =	vst v19  }
0xb1: {  	v19 =	vor.u32 v6, v13;
	v11 =	vld.idx.msk [tilespmem:v11+s4+$0x0], $0xffff;
	[tilespmem:s28+$0xC0] =	vst v18  }
0xb2: {  	[tilespmem:s25+$0x70] =	vst v10;
	v10 =	vor.u32 v6, v12;
	v16 =	vld.idx.msk [tilespmem:v16+s4+$0x0], $0xffff  }
0xb3: {  	[tilespmem:s25+$0xD0] =	vst v21;
	v18 =	vld.idx.msk [tilespmem:v20+s4+$0x0], $0xffff;
	v20 =	vor.u32 v6, v14  }
0xb4: {  	v8 =	vor.u32 v7, v8;
	v21 =	vld.idx.msk [tilespmem:v22+s4+$0x0], $0xffff;
	[tilespmem:s28+$0xFFFFFFD0] =	vst v17  }
0xb5: {  	v9 =	vor.u32 v7, v9;
	[tilespmem:s28+$0x50] =	vst v23;
	v17 =	vld.idx.msk [tilespmem:v24+s4+$0x0], $0xffff  }
0xb6: {  	v15 =	vor.u32 v7, v15;
	v19 =	vld.idx.msk [tilespmem:v19+s4+$0x0], $0xffff;
	[tilespmem:s28+$0xFFFFFF50] =	vst v11  }
0xb7: {  	v11 =	vor.u32 v7, v13;
	v10 =	vld.idx.msk [tilespmem:v10+s4+$0x0], $0xffff;
	[tilespmem:s28+$0xD0] =	vst v16  }
0xb8: {  	v12 =	vor.u32 v7, v12;
	[tilespmem:s25+$0xFFFFFF60] =	vst v18;
	v13 =	vld.idx.msk [tilespmem:v20+s4+$0x0], $0xffff  }
0xb9: {  	v14 =	vor.u32 v7, v14;
	v8 =	vld.idx.msk [tilespmem:v8+s4+$0x0], $0xffff;
	[tilespmem:s25+$0xE0] =	vst v21  }
0xba: {  	v9 =	vld.idx.msk [tilespmem:v9+s4+$0x0], $0xffff;
	[tilespmem:s28+$0xFFFFFFE0] =	vst v17  }
0xbb: {  	[tilespmem:s28+$0x60] =	vst v19;
	v15 =	vld.idx.msk [tilespmem:v15+s4+$0x0], $0xffff  }
0xbc: {  	v11 =	vld.idx.msk [tilespmem:v11+s4+$0x0], $0xffff;
	[tilespmem:s28+$0xFFFFFF60] =	vst v10  }
0xbd: {  	v10 =	vld.idx.msk [tilespmem:v12+s4+$0x0], $0xffff;
	[tilespmem:s28+$0xE0] =	vst v13  }
0xbe: {  	[tilespmem:s25+$0xFFFFFF70] =	vst v8;
	v8 =	vld.idx.msk [tilespmem:v14+s4+$0x0], $0xffff  }
0xbf: {  	s0 =	sadd.s32 $0xFFFFFFFC, s22;
	[tilespmem:s25+$0xF0] =	vst v9  }
0xc0: {  	s1 =	sshll.u32 s23, $0x10;
	s31 =	sadd.s32 $0x86, s0;
	[tilespmem:s28+$0xFFFFFFF0] =	vst v15  }
0xc1: {  	s1 =	sadd.s32 s5, s1;
	s2 =	sadd.s32 $0x85, s0;
	v9 =	vmov s31;
	[tilespmem:s28+$0x70] =	vst v11  }
0xc2: {  	s1 =	sshrl.u32 s1, $0x3;
	v9 =	vand.u32 $0xFFFFFFFE, v9;
	[tilespmem:s28+$0xFFFFFF70] =	vst v10;
	v10 =	vmov s2  }
0xc3: {  	s1 =	sadd.s32 s3, s1;
	s26 =	sadd.s32 $0x84, s0;
	v9 =	vbroadcast v9, $0x0;
	[tilespmem:s28+$0xF0] =	vst v8;
	v8 =	vand.u32 $0xFFFFFFFD, v10  }
0xc4: {  	v10 =	vmov s26;
	[hbm4b:s1+s4] =	stream.linear.scatter [tilespmem:s13], [sflag:$0x1], $0x4000, $0x38;
	v8 =	vbroadcast v8, $0x0;
	[tilespmem:$0x17D00] =	vst v63  }
0xc5: {  	s1 =	simm.s32 @!p0 $0x2;
	v10 =	vand.u32 $0xFFFFFFFC, v10  }
0xc6: {  	_ =	swait.ge @!p0 [sflag:s1], $0x4000;
	v10 =	vbroadcast v10, $0x0  }
0xc7: {  	[sflag:s1] =	ssyncset.done @!p0 $0x0  }
0xc8: {  	[sflag:s1] =	ssyncadd.s32 @!p0 $0xFFFFC000  }
0xc9: {  	v9 =	vld.idx.msk [tilespmem:v9+s10+$0x0], $0xffff  }
0xca: {  	v8 =	vld.idx.msk [tilespmem:v8+s10+$0x0], $0xffff;
	_ =	sdelay $0x1  }
0xcb: {  	v10 =	vld.idx.msk [tilespmem:v10+s10+$0x0], $0xffff;
	_ =	sdelay $0x1  }
0xcc: {  	v12 =	vshll.u32 v9, $0x7  }
0xcd: {  	v13 =	vshll.u32 v8, $0x7;
	v8 =	vor.u32 v0, v12  }
0xce: {  	s0 =	sadd.s32 $0x87, s0;
	v9 =	vor.u32 v0, v13  }
0xcf: {  	v11 =	vmov s0;
	v14 =	vshll.u32 v10, $0x7  }
0xd0: {  	v10 =	vor.u32 v0, v14;
	_ =	sdelay $0x1  }
0xd1: {  	v8 =	vld.idx.msk [tilespmem:v8+s4+$0x0], $0xffff  }
0xd2: {  	v15 =	vor.u32 v1, v12;
	v9 =	vld.idx.msk [tilespmem:v9+s4+$0x0], $0xffff  }
0xd3: {  	v11 =	vld.idx.msk [tilespmem:v11+s10+$0x0], $0xffff;
	v16 =	vor.u32 v1, v13  }
0xd4: {  	v10 =	vld.idx.msk [tilespmem:v10+s4+$0x0], $0xffff  }
0xd5: {  	s26 =	simm.s32 $0xBE00;
	v17 =	vor.u32 v1, v14  }
0xd6: {  	[tilespmem:s26+$0x0] =	vst v8  }
0xd7: {  	s0 =	sadd.s32 $0x0, s22;
	[tilespmem:s26+$0xFFFFFF80] =	vst v9;
	v8 =	vld.idx.msk [tilespmem:v15+s4+$0x0], $0xffff  }
0xd8: {  	s31 =	sadd.s32 $0x85, s0;
	v15 =	vor.u32 v2, v12;
	v9 =	vld.idx.msk [tilespmem:v16+s4+$0x0], $0xffff  }
0xd9: {  	s2 =	sadd.s32 $0x86, s0;
	v16 =	vshll.u32 v11, $0x7;
	[tilespmem:s26+$0xFFFFFF00] =	vst v10;
	v10 =	vor.u32 v2, v13;
	v11 =	vmov s31  }
0xda: {  	v19 =	vmov s2;
	v18 =	vor.u32 v0, v16;
	v17 =	vld.idx.msk [tilespmem:v17+s4+$0x0], $0xffff;
	v11 =	vand.u32 $0xFFFFFFFD, v11  }
0xdb: {  	v19 =	vand.u32 $0xFFFFFFFE, v19;
	v20 =	vor.u32 v2, v14;
	v11 =	vbroadcast v11, $0x0  }
0xdc: {  	s31 =	sadd.s32 $0x84, s0;
	[tilespmem:s26+$0x10] =	vst v8;
	v8 =	vbroadcast v19, $0x0  }
0xdd: {  	[tilespmem:s26+$0xFFFFFF90] =	vst v9;
	v9 =	vmov s31;
	v15 =	vld.idx.msk [tilespmem:v15+s4+$0x0], $0xffff  }
0xde: {  	v19 =	vor.u32 v3, v12;
	v10 =	vld.idx.msk [tilespmem:v10+s4+$0x0], $0xffff;
	v9 =	vand.u32 $0xFFFFFFFC, v9  }
0xdf: {  	v21 =	vor.u32 v3, v13;
	v18 =	vld.idx.msk [tilespmem:v18+s4+$0x0], $0xffff;
	[tilespmem:s26+$0xFFFFFF10] =	vst v17;
	v9 =	vbroadcast v9, $0x0  }
0xe0: {  	v17 =	vld.idx.msk [tilespmem:v20+s4+$0x0], $0xffff  }
0xe1: {  	v11 =	vld.idx.msk [tilespmem:v11+s10+$0x0], $0xffff  }
0xe2: {  	v20 =	vor.u32 v1, v16;
	[tilespmem:s26+$0x20] =	vst v15;
	v8 =	vld.idx.msk [tilespmem:v8+s10+$0x0], $0xffff  }
0xe3: {  	v15 =	vor.u32 v3, v14;
	[tilespmem:s26+$0xFFFFFFA0] =	vst v10;
	v19 =	vld.idx.msk [tilespmem:v19+s4+$0x0], $0xffff  }
0xe4: {  	v22 =	vor.u32 v4, v12;
	s0 =	sadd.s32 $0x87, s0;
	v21 =	vld.idx.msk [tilespmem:v21+s4+$0x0], $0xffff  }
0xe5: {  	v23 =	vmov s0;
	v9 =	vld.idx.msk [tilespmem:v9+s10+$0x0], $0xffff  }
0xe6: {  	[tilespmem:s26+$0x80] =	vst v18;
	v18 =	vor.u32 v4, v13;
	v11 =	vshll.u32 v11, $0x7  }
0xe7: {  	v20 =	vld.idx.msk [tilespmem:v20+s4+$0x0], $0xffff;
	[tilespmem:s26+$0xFFFFFF20] =	vst v17;
	v17 =	vor.u32 v0, v11;
	v10 =	vshll.u32 v8, $0x7  }
0xe8: {  	v15 =	vld.idx.msk [tilespmem:v15+s4+$0x0], $0xffff;
	[tilespmem:s26+$0x30] =	vst v19;
	v19 =	vor.u32 v0, v10  }
0xe9: {  	v24 =	vor.u32 v2, v16;
	v22 =	vld.idx.msk [tilespmem:v22+s4+$0x0], $0xffff  }
0xea: {  	[tilespmem:s26+$0xFFFFFFB0] =	vst v21;
	v21 =	vor.u32 v5, v12;
	v8 =	vshll.u32 v9, $0x7;
	v9 =	vld.idx.msk [tilespmem:v23+s10+$0x0], $0xffff  }
0xeb: {  	v18 =	vld.idx.msk [tilespmem:v18+s4+$0x0], $0xffff;
	v23 =	vor.u32 v0, v8  }
0xec: {  	v25 =	vor.u32 v5, v13;
	v17 =	vld.idx.msk [tilespmem:v17+s4+$0x0], $0xffff  }
0xed: {  	[tilespmem:s26+$0x90] =	vst v20;
	v20 =	vor.u32 v1, v11;
	v19 =	vld.idx.msk [tilespmem:v19+s4+$0x0], $0xffff  }
0xee: {  	v24 =	vld.idx.msk [tilespmem:v24+s4+$0x0], $0xffff;
	[tilespmem:s26+$0x40] =	vst v22;
	v22 =	vor.u32 v1, v10  }
0xef: {  	v26 =	vor.u32 v3, v16;
	v9 =	vshll.u32 v9, $0x7;
	v21 =	vld.idx.msk [tilespmem:v21+s4+$0x0], $0xffff  }
0xf0: {  	s25 =	simm.s32 $0xC000;
	[tilespmem:s26+$0xFFFFFFC0] =	vst v18;
	v18 =	vld.idx.msk [tilespmem:v23+s4+$0x0], $0xffff;
	v23 =	vor.u32 v0, v9  }
0xf1: {  	v27 =	vor.u32 v1, v8;
	v25 =	vld.idx.msk [tilespmem:v25+s4+$0x0], $0xffff;
	[tilespmem:s25+$0xFFFFFF80] =	vst v17  }
0xf2: {  	v17 =	vld.idx.msk [tilespmem:v20+s4+$0x0], $0xffff;
	[tilespmem:s25+$0x0] =	vst v19;
	v19 =	vor.u32 v6, v13  }
0xf3: {  	[tilespmem:s26+$0xA0] =	vst v24;
	v20 =	vld.idx.msk [tilespmem:v22+s4+$0x0], $0xffff;
	v22 =	vor.u32 v2, v11  }
0xf4: {  	s0 =	sadd.s32 $0x4, s22;
	v24 =	vld.idx.msk [tilespmem:v26+s4+$0x0], $0xffff;
	v26 =	vor.u32 v6, v12;
	[tilespmem:s26+$0x50] =	vst v21  }
0xf5: {  	s2 =	sadd.s32 $0x84, s0;
	[tilespmem:s25+$0xFFFFFF00] =	vst v18;
	v18 =	vor.u32 v2, v10;
	v23 =	vld.idx.msk [tilespmem:v23+s4+$0x0], $0xffff  }
0xf6: {  	v28 =	vor.u32 v1, v9;
	v21 =	vmov s2;
	[tilespmem:s26+$0xFFFFFFD0] =	vst v25;
	v25 =	vld.idx.msk [tilespmem:v27+s4+$0x0], $0xffff  }
0xf7: {  	v21 =	vand.u32 $0xFFFFFFFC, v21;
	v27 =	vor.u32 v2, v8;
	[tilespmem:s25+$0xFFFFFF90] =	vst v17;
	v19 =	vld.idx.msk [tilespmem:v19+s4+$0x0], $0xffff  }
0xf8: {  	v17 =	vor.u32 v4, v14;
	v21 =	vbroadcast v21, $0x0;
	v22 =	vld.idx.msk [tilespmem:v22+s4+$0x0], $0xffff  }
0xf9: {  	s31 =	sadd.s32 $0x85, s0;
	[tilespmem:s25+$0x10] =	vst v20;
	v20 =	vld.idx.msk [tilespmem:v26+s4+$0x0], $0xffff  }
0xfa: {  	s28 =	sadd.s32 $0x86, s0;
	v13 =	vor.u32 v7, v13;
	v26 =	vmov s31;
	v18 =	vld.idx.msk [tilespmem:v18+s4+$0x0], $0xffff;
	[tilespmem:s25+$0x80] =	vst v23  }
0xfb: {  	v29 =	vor.u32 v3, v11;
	v26 =	vand.u32 $0xFFFFFFFD, v26;
	v23 =	vmov s28;
	[tilespmem:s25+$0xFFFFFF10] =	vst v25;
	v25 =	vld.idx.msk [tilespmem:v28+s4+$0x0], $0xffff  }
0xfc: {  	[tilespmem:s26+$0xFFFFFF30] =	vst v15;
	v15 =	vand.u32 $0xFFFFFFFE, v23;
	v23 =	vbroadcast v26, $0x0;
	v26 =	vld.idx.msk [tilespmem:v27+s4+$0x0], $0xffff;
	v27 =	vor.u32 v3, v10  }
0xfd: {  	v17 =	vld.idx.msk [tilespmem:v17+s4+$0x0], $0xffff;
	v15 =	vbroadcast v15, $0x0  }
0xfe: {  	[tilespmem:s26+$0xFFFFFFE0] =	vst v19;
	v21 =	vld.idx.msk [tilespmem:v21+s10+$0x0], $0xffff  }
0xff: {  	[tilespmem:s25+$0xFFFFFFA0] =	vst v22;
	v19 =	vld.idx.msk [tilespmem:v13+s4+$0x0], $0xffff;
	v22 =	vor.u32 v4, v16  }
0x100: {  	v28 =	vor.u32 v3, v8;
	v13 =	vld.idx.msk [tilespmem:v29+s4+$0x0], $0xffff;
	[tilespmem:s25+$0x20] =	vst v18  }
0x101: {  	s0 =	sadd.s32 $0x87, s0;
	v18 =	vor.u32 v5, v14;
	v27 =	vld.idx.msk [tilespmem:v27+s4+$0x0], $0xffff  }
0x102: {  	[tilespmem:s26+$0xFFFFFF40] =	vst v17;
	v17 =	vmov s0;
	v23 =	vld.idx.msk [tilespmem:v23+s10+$0x0], $0xffff  }
0x103: {  	[tilespmem:s26+$0xB0] =	vst v24;
	v29 =	vor.u32 v2, v9;
	v24 =	vld.idx.msk [tilespmem:v15+s10+$0x0], $0xffff  }
0x104: {  	v30 =	vor.u32 v4, v10;
	[tilespmem:s25+$0xFFFFFF20] =	vst v26;
	v22 =	vld.idx.msk [tilespmem:v22+s4+$0x0], $0xffff  }
0x105: {  	[tilespmem:s26+$0x60] =	vst v20;
	v26 =	vor.u32 v4, v11;
	v28 =	vld.idx.msk [tilespmem:v28+s4+$0x0], $0xffff  }
0x106: {  	v20 =	vor.u32 v5, v16;
	[tilespmem:s25+$0x90] =	vst v25;
	v18 =	vld.idx.msk [tilespmem:v18+s4+$0x0], $0xffff  }
0x107: {  	v25 =	vor.u32 v7, v12;
	[tilespmem:s26+$0xFFFFFFF0] =	vst v19;
	v17 =	vld.idx.msk [tilespmem:v17+s10+$0x0], $0xffff  }
0x108: {  	v31 =	vor.u32 v6, v14;
	[tilespmem:s25+$0x30] =	vst v27;
	v27 =	vld.idx.msk [tilespmem:v29+s4+$0x0], $0xffff;
	v15 =	vshll.u32 v23, $0x7  }
0x109: {  	[tilespmem:s25+$0xFFFFFFB0] =	vst v13;
	v23 =	vld.idx.msk [tilespmem:v30+s4+$0x0], $0xffff;
	v29 =	vor.u32 v0, v15;
	v13 =	vshll.u32 v24, $0x7  }
0x10a: {  	v24 =	vld.idx.msk [tilespmem:v26+s4+$0x0], $0xffff;
	[tilespmem:s26+$0xC0] =	vst v22;
	v19 =	vor.u32 v0, v13  }
0x10b: {  	v12 =	vshll.u32 v21, $0x7;
	v21 =	vor.u32 v5, v10;
	v20 =	vld.idx.msk [tilespmem:v20+s4+$0x0], $0xffff  }
0x10c: {  	v26 =	vor.u32 v5, v11;
	[tilespmem:s26+$0xFFFFFF50] =	vst v18;
	v18 =	vld.idx.msk [tilespmem:v25+s4+$0x0], $0xffff  }
0x10d: {  	[tilespmem:s25+$0xFFFFFF30] =	vst v28;
	v25 =	vor.u32 v0, v12;
	v22 =	vld.idx.msk [tilespmem:v31+s4+$0x0], $0xffff  }
0x10e: {  	v28 =	vor.u32 v7, v14;
	[tilespmem:s25+$0xA0] =	vst v27;
	v29 =	vld.idx.msk [tilespmem:v29+s4+$0x0], $0xffff  }
0x10f: {  	[tilespmem:s25+$0x40] =	vst v23;
	v23 =	vor.u32 v6, v16;
	v19 =	vld.idx.msk [tilespmem:v19+s4+$0x0], $0xffff  }
0x110: {  	v27 =	vor.u32 v1, v15;
	[tilespmem:s25+$0xFFFFFFC0] =	vst v24;
	v21 =	vld.idx.msk [tilespmem:v21+s4+$0x0], $0xffff  }
0x111: {  	v62 =	vor.u32 v1, v13;
	v63 =	vld.idx.msk [tilespmem:v26+s4+$0x0], $0xffff;
	[tilespmem:s26+$0x70] =	vst v18  }
0x112: {  	v14 =	vshll.u32 v17, $0x7;
	v25 =	vld.idx.msk [tilespmem:v25+s4+$0x0], $0xffff;
	v18 =	vor.u32 v3, v9;
	[tilespmem:s26+$0xFFFFFF60] =	vst v22  }
0x113: {  	s28 =	simm.s32 $0xC200;
	[tilespmem:s26+$0xD0] =	vst v20;
	v22 =	vor.u32 v0, v14;
	v28 =	vld.idx.msk [tilespmem:v28+s4+$0x0], $0xffff  }
0x114: {  	v32 =	vor.u32 v1, v12;
	[tilespmem:s28+$0xFFFFFF80] =	vst v29;
	v24 =	vld.idx.msk [tilespmem:v23+s4+$0x0], $0xffff  }
0x115: {  	v20 =	vld.idx.msk [tilespmem:v27+s4+$0x0], $0xffff;
	[tilespmem:s28+$0x0] =	vst v19;
	v27 =	vor.u32 v6, v11  }
0x116: {  	v26 =	vor.u32 v7, v16;
	[tilespmem:s25+$0x50] =	vst v21;
	v19 =	vld.idx.msk [tilespmem:v62+s4+$0x0], $0xffff  }
0x117: {  	[tilespmem:s28+$0xFFFFFF00] =	vst v25;
	v18 =	vld.idx.msk [tilespmem:v18+s4+$0x0], $0xffff;
	v25 =	vor.u32 v2, v15  }
0x118: {  	[tilespmem:s25+$0xFFFFFFD0] =	vst v63;
	v23 =	vld.idx.msk [tilespmem:v22+s4+$0x0], $0xffff;
	v22 =	vor.u32 v6, v10  }
0x119: {  	s29 =	sor.u32 $0x1, s24;
	s30 =	simm.s32 $0x8;
	v17 =	vor.u32 v1, v14;
	v16 =	vor.u32 v2, v13;
	v21 =	vld.idx.msk [tilespmem:v32+s4+$0x0], $0xffff;
	[tilespmem:s26+$0xFFFFFF70] =	vst v28  }
.LBB2_5:
0x11a: {  	s0 =	sadd.s32 s30, s22;
	s30 =	sadd.s32 $0x4, s30;
	v28 =	vor.u32 v4, v8;
	v27 =	vld.idx.msk [tilespmem:v27+s4+$0x0], $0xffff;
	[tilespmem:s26+$0xE0] =	vst v24  }
0x11b: {  	v24 =	vor.u32 v2, v12;
	s1 =	sadd.s32 $0x84, s0;
	s31 =	sadd.s32 $0x85, s0;
	s2 =	sadd.s32 $0x86, s0;
	[tilespmem:s28+$0xFFFFFF90] =	vst v20;
	v20 =	vor.u32 v7, v11;
	v26 =	vld.idx.msk [tilespmem:v26+s4+$0x0], $0xffff;
	v11 =	vmov v15  }
0x11c: {  	s0 =	sadd.s32 $0x87, s0;
	p1 =	slt.u32 s30, $0x7C;
	v15 =	vmov s1;
	v29 =	vmov s31;
	v30 =	vmov s2;
	v25 =	vld.idx.msk [tilespmem:v25+s4+$0x0], $0xffff  }
0x11d: {  	v15 =	vand.u32 $0xFFFFFFFC, v15;
	v29 =	vand.u32 $0xFFFFFFFD, v29;
	v30 =	vand.u32 $0xFFFFFFFE, v30;
	[tilespmem:s28+$0x10] =	vst v19;
	v19 =	vld.idx.msk [tilespmem:v22+s4+$0x0], $0xffff  }
0x11e: {  	v22 =	vor.u32 v3, v11;
	v15 =	vbroadcast v15, $0x0;
	v16 =	vld.idx.msk [tilespmem:v16+s4+$0x0], $0xffff;
	[tilespmem:s28+$0x80] =	vst v23  }
0x11f: {  	v23 =	vbroadcast v29, $0x0;
	[tilespmem:s28+$0xFFFFFF10] =	vst v21;
	v17 =	vld.idx.msk [tilespmem:v17+s4+$0x0], $0xffff  }
0x120: {  	v29 =	vor.u32 v3, v13;
	v21 =	vbroadcast v30, $0x0;
	v24 =	vld.idx.msk [tilespmem:v24+s4+$0x0], $0xffff;
	[tilespmem:s25+$0xFFFFFFE0] =	vst v27  }
0x121: {  	v27 =	vld.idx.msk [tilespmem:v28+s4+$0x0], $0xffff;
	[tilespmem:s26+$0xF0] =	vst v26;
	s26 =	smov.u32 s25;
	s25 =	smov.u32 s28  }
0x122: {  	[tilespmem:s28+$0xFFFFFFA0] =	vst v25;
	v20 =	vld.idx.msk [tilespmem:v20+s4+$0x0], $0xffff  }
0x123: {  	v22 =	vld.idx.msk [tilespmem:v22+s4+$0x0], $0xffff;
	[tilespmem:s26+$0xB0] =	vst v18;
	v18 =	vor.u32 v4, v9  }
0x124: {  	v15 =	vld.idx.msk [tilespmem:v15+s10+$0x0], $0xffff;
	[tilespmem:s28+$0x20] =	vst v16;
	v16 =	vor.u32 v5, v8  }
0x125: {  	v25 =	vor.u32 v3, v12;
	v26 =	vld.idx.msk [tilespmem:v29+s4+$0x0], $0xffff;
	[tilespmem:s26+$0x60] =	vst v19  }
0x126: {  	v19 =	vld.idx.msk [tilespmem:v23+s10+$0x0], $0xffff;
	[tilespmem:s28+$0xFFFFFF20] =	vst v24;
	v23 =	vor.u32 v2, v14  }
0x127: {  	v24 =	vor.u32 v4, v13;
	v21 =	vld.idx.msk [tilespmem:v21+s10+$0x0], $0xffff;
	[tilespmem:s26+$0xFFFFFF40] =	vst v27  }
0x128: {  	v27 =	vmov s0;
	[tilespmem:s26+$0xFFFFFFF0] =	vst v20;
	v18 =	vld.idx.msk [tilespmem:v18+s4+$0x0], $0xffff  }
0x129: {  	v20 =	vor.u32 v4, v11;
	[tilespmem:s28+$0xFFFFFFB0] =	vst v22;
	v16 =	vld.idx.msk [tilespmem:v16+s4+$0x0], $0xffff  }
0x12a: {  	v28 =	vor.u32 v7, v10;
	v22 =	vshll.u32 v15, $0x7;
	v25 =	vld.idx.msk [tilespmem:v25+s4+$0x0], $0xffff;
	[tilespmem:s28+$0x90] =	vst v17;
	v17 =	vor.u32 v6, v8  }
0x12b: {  	v10 =	vmov v13;
	v29 =	vor.u32 v0, v22;
	[tilespmem:s28+$0x30] =	vst v26;
	v23 =	vld.idx.msk [tilespmem:v23+s4+$0x0], $0xffff;
	v26 =	vor.u32 v5, v9  }
0x12c: {  	v15 =	vshll.u32 v19, $0x7;
	v19 =	vld.idx.msk [tilespmem:v24+s4+$0x0], $0xffff  }
0x12d: {  	v24 =	vor.u32 v0, v15;
	v13 =	vshll.u32 v21, $0x7;
	v21 =	vld.idx.msk [tilespmem:v27+s10+$0x0], $0xffff  }
0x12e: {  	v27 =	vor.u32 v0, v13;
	v20 =	vld.idx.msk [tilespmem:v20+s4+$0x0], $0xffff;
	[tilespmem:s26+$0xC0] =	vst v18  }
0x12f: {  	v18 =	vor.u32 v5, v10;
	[tilespmem:s26+$0xFFFFFF50] =	vst v16;
	v16 =	vld.idx.msk [tilespmem:v28+s4+$0x0], $0xffff  }
0x130: {  	[tilespmem:s28+$0xFFFFFF30] =	vst v25;
	v25 =	vld.idx.msk [tilespmem:v17+s4+$0x0], $0xffff  }
0x131: {  	v30 =	vor.u32 v7, v8;
	v8 =	vmovc v12;
	v12 =	vmov v22;
	v28 =	vor.u32 v5, v11;
	v26 =	vld.idx.msk [tilespmem:v26+s4+$0x0], $0xffff  }
0x132: {  	v31 =	vor.u32 v1, v12;
	v22 =	vld.idx.msk [tilespmem:v24+s4+$0x0], $0xffff;
	[tilespmem:s28+$0x40] =	vst v19;
	v19 =	vor.u32 v6, v9  }
0x133: {  	v21 =	vshll.u32 v21, $0x7;
	v27 =	vld.idx.msk [tilespmem:v27+s4+$0x0], $0xffff;
	[tilespmem:s28+$0xA0] =	vst v23  }
0x134: {  	v23 =	vor.u32 v1, v15;
	v17 =	vor.u32 v1, v21;
	[tilespmem:s28+$0xFFFFFFC0] =	vst v20;
	v18 =	vld.idx.msk [tilespmem:v18+s4+$0x0], $0xffff  }
0x135: {  	v32 =	vor.u32 v1, v13;
	s28 =	sadd.s32 $0x200, s28;
	v29 =	vld.idx.msk [tilespmem:v29+s4+$0x0], $0xffff;
	[tilespmem:s26+$0x70] =	vst v16  }
0x136: {  	v16 =	vor.u32 v3, v14;
	v28 =	vld.idx.msk [tilespmem:v28+s4+$0x0], $0xffff;
	[tilespmem:s26+$0xFFFFFF60] =	vst v25  }
0x137: {  	v33 =	vor.u32 v0, v21;
	v30 =	vld.idx.msk [tilespmem:v30+s4+$0x0], $0xffff;
	[tilespmem:s26+$0xD0] =	vst v26  }
0x138: {  	[tilespmem:s28+$0xFFFFFF80] =	vst v22;
	v24 =	vld.idx.msk [tilespmem:v19+s4+$0x0], $0xffff  }
.Ltmp1:
0x139: {  	v26 =	vor.u32 v7, v9;
	v9 =	vmov v14;
	v20 =	vld.idx.msk [tilespmem:v23+s4+$0x0], $0xffff;
	[tilespmem:s28+$0x0] =	vst v27;
	v27 =	vor.u32 v6, v11;
	(pc) =	sbr.rel @p1 .LBB2_5-.Ltmp1, $4  }
0x13a: {  	v14 =	vmov v21;
	v19 =	vld.idx.msk [tilespmem:v32+s4+$0x0], $0xffff;
	[tilespmem:s25+$0x50] =	vst v18  }
0x13b: {  	v25 =	vor.u32 v2, v15;
	[tilespmem:s28+$0xFFFFFF00] =	vst v29;
	v18 =	vld.idx.msk [tilespmem:v16+s4+$0x0], $0xffff  }
0x13c: {  	v22 =	vor.u32 v6, v10;
	v16 =	vor.u32 v2, v13;
	v23 =	vld.idx.msk [tilespmem:v33+s4+$0x0], $0xffff;
	[tilespmem:s25+$0xFFFFFFD0] =	vst v28  }
0x13d: {  	v21 =	vld.idx.msk [tilespmem:v31+s4+$0x0], $0xffff;
	[tilespmem:s26+$0xFFFFFF70] =	vst v30  }
0x13e: {  	_ =	sdelay $0x2  }
0x13f: {  	[tilespmem:s26+$0xE0] =	vst v24  }
0x140: {  	v24 =	vld.idx.msk [tilespmem:v26+s4+$0x0], $0xffff;
	[tilespmem:s28+$0x80] =	vst v23  }
0x141: {  	[tilespmem:s28+$0xFFFFFF90] =	vst v20;
	v23 =	vor.u32 v2, v12;
	v17 =	vld.idx.msk [tilespmem:v17+s4+$0x0], $0xffff  }
0x142: {  	v27 =	vld.idx.msk [tilespmem:v27+s4+$0x0], $0xffff;
	[tilespmem:s28+$0x10] =	vst v19;
	v19 =	vor.u32 v2, v14  }
0x143: {  	v20 =	vld.idx.msk [tilespmem:v25+s4+$0x0], $0xffff;
	v25 =	vor.u32 v4, v8;
	[tilespmem:s25+$0xB0] =	vst v18  }
0x144: {  	v11 =	vor.u32 v7, v11;
	v16 =	vld.idx.msk [tilespmem:v16+s4+$0x0], $0xffff;
	[tilespmem:s28+$0xFFFFFF10] =	vst v21  }
0x145: {  	v21 =	vld.idx.msk [tilespmem:v22+s4+$0x0], $0xffff;
	v22 =	vor.u32 v3, v15;
	[tilespmem:s26+$0xF0] =	vst v24  }
0x146: {  	v24 =	vor.u32 v3, v13;
	v23 =	vld.idx.msk [tilespmem:v23+s4+$0x0], $0xffff;
	[tilespmem:s28+$0x90] =	vst v17  }
0x147: {  	[tilespmem:s25+$0xFFFFFFE0] =	vst v27;
	v17 =	vor.u32 v3, v12;
	v19 =	vld.idx.msk [tilespmem:v19+s4+$0x0], $0xffff  }
0x148: {  	v18 =	vor.u32 v3, v14;
	[tilespmem:s28+$0xFFFFFFA0] =	vst v20;
	v20 =	vld.idx.msk [tilespmem:v25+s4+$0x0], $0xffff  }
0x149: {  	v11 =	vld.idx.msk [tilespmem:v11+s4+$0x0], $0xffff;
	v25 =	vor.u32 v4, v9;
	[tilespmem:s28+$0x20] =	vst v16  }
0x14a: {  	v16 =	vld.idx.msk [tilespmem:v22+s4+$0x0], $0xffff;
	v22 =	vor.u32 v5, v8;
	[tilespmem:s25+$0x60] =	vst v21  }
0x14b: {  	v21 =	vld.idx.msk [tilespmem:v24+s4+$0x0], $0xffff;
	[tilespmem:s28+$0xFFFFFF20] =	vst v23;
	v23 =	vor.u32 v4, v15  }
0x14c: {  	v24 =	vor.u32 v4, v13;
	v17 =	vld.idx.msk [tilespmem:v17+s4+$0x0], $0xffff;
	[tilespmem:s28+$0xA0] =	vst v19  }
0x14d: {  	[tilespmem:s25+$0xFFFFFF40] =	vst v20;
	v19 =	vor.u32 v4, v12;
	v18 =	vld.idx.msk [tilespmem:v18+s4+$0x0], $0xffff  }
0x14e: {  	[tilespmem:s25+$0xFFFFFFF0] =	vst v11;
	v11 =	vld.idx.msk [tilespmem:v25+s4+$0x0], $0xffff;
	v20 =	vor.u32 v4, v14  }
0x14f: {  	v10 =	vor.u32 v7, v10;
	[tilespmem:s28+$0xFFFFFFB0] =	vst v16;
	v16 =	vld.idx.msk [tilespmem:v22+s4+$0x0], $0xffff  }
0x150: {  	[tilespmem:s28+$0x30] =	vst v21;
	v21 =	vor.u32 v5, v9;
	v22 =	vld.idx.msk [tilespmem:v23+s4+$0x0], $0xffff  }
0x151: {  	v23 =	vld.idx.msk [tilespmem:v24+s4+$0x0], $0xffff;
	[tilespmem:s28+$0xFFFFFF30] =	vst v17;
	v17 =	vor.u32 v5, v15  }
0x152: {  	v24 =	vor.u32 v5, v13;
	v19 =	vld.idx.msk [tilespmem:v19+s4+$0x0], $0xffff;
	[tilespmem:s28+$0xB0] =	vst v18  }
0x153: {  	[tilespmem:s25+$0xC0] =	vst v11;
	v11 =	vor.u32 v5, v12;
	v18 =	vld.idx.msk [tilespmem:v20+s4+$0x0], $0xffff  }
0x154: {  	v10 =	vld.idx.msk [tilespmem:v10+s4+$0x0], $0xffff;
	[tilespmem:s25+$0xFFFFFF50] =	vst v16;
	v16 =	vor.u32 v5, v14  }
0x155: {  	v21 =	vld.idx.msk [tilespmem:v21+s4+$0x0], $0xffff;
	v20 =	vor.u32 v6, v8;
	[tilespmem:s28+$0xFFFFFFC0] =	vst v22  }
0x156: {  	[tilespmem:s28+$0x40] =	vst v23;
	v22 =	vor.u32 v6, v9;
	v17 =	vld.idx.msk [tilespmem:v17+s4+$0x0], $0xffff  }
0x157: {  	v23 =	vld.idx.msk [tilespmem:v24+s4+$0x0], $0xffff;
	v24 =	vor.u32 v6, v15;
	[tilespmem:s28+$0xFFFFFF40] =	vst v19  }
0x158: {  	v19 =	vor.u32 v6, v13;
	v11 =	vld.idx.msk [tilespmem:v11+s4+$0x0], $0xffff;
	[tilespmem:s28+$0xC0] =	vst v18  }
0x159: {  	[tilespmem:s25+$0x70] =	vst v10;
	v10 =	vor.u32 v6, v12;
	v16 =	vld.idx.msk [tilespmem:v16+s4+$0x0], $0xffff  }
0x15a: {  	[tilespmem:s25+$0xD0] =	vst v21;
	v18 =	vld.idx.msk [tilespmem:v20+s4+$0x0], $0xffff;
	v20 =	vor.u32 v6, v14  }
0x15b: {  	v8 =	vor.u32 v7, v8;
	v21 =	vld.idx.msk [tilespmem:v22+s4+$0x0], $0xffff;
	[tilespmem:s28+$0xFFFFFFD0] =	vst v17  }
0x15c: {  	v9 =	vor.u32 v7, v9;
	[tilespmem:s28+$0x50] =	vst v23;
	v17 =	vld.idx.msk [tilespmem:v24+s4+$0x0], $0xffff  }
0x15d: {  	v15 =	vor.u32 v7, v15;
	v19 =	vld.idx.msk [tilespmem:v19+s4+$0x0], $0xffff;
	[tilespmem:s28+$0xFFFFFF50] =	vst v11  }
0x15e: {  	v11 =	vor.u32 v7, v13;
	v10 =	vld.idx.msk [tilespmem:v10+s4+$0x0], $0xffff;
	[tilespmem:s28+$0xD0] =	vst v16  }
0x15f: {  	v12 =	vor.u32 v7, v12;
	[tilespmem:s25+$0xFFFFFF60] =	vst v18;
	v13 =	vld.idx.msk [tilespmem:v20+s4+$0x0], $0xffff  }
0x160: {  	v14 =	vor.u32 v7, v14;
	v8 =	vld.idx.msk [tilespmem:v8+s4+$0x0], $0xffff;
	[tilespmem:s25+$0xE0] =	vst v21  }
0x161: {  	v9 =	vld.idx.msk [tilespmem:v9+s4+$0x0], $0xffff;
	[tilespmem:s28+$0xFFFFFFE0] =	vst v17  }
0x162: {  	[tilespmem:s28+$0x60] =	vst v19;
	v15 =	vld.idx.msk [tilespmem:v15+s4+$0x0], $0xffff  }
0x163: {  	v11 =	vld.idx.msk [tilespmem:v11+s4+$0x0], $0xffff;
	[tilespmem:s28+$0xFFFFFF60] =	vst v10  }
0x164: {  	v10 =	vld.idx.msk [tilespmem:v12+s4+$0x0], $0xffff;
	[tilespmem:s28+$0xE0] =	vst v13  }
0x165: {  	[tilespmem:s25+$0xFFFFFF70] =	vst v8;
	v8 =	vld.idx.msk [tilespmem:v14+s4+$0x0], $0xffff  }
0x166: {  	s0 =	sadd.s32 $0xFFFFFFFC, s22;
	[tilespmem:s25+$0xF0] =	vst v9  }
0x167: {  	s1 =	sshll.u32 s29, $0xE;
	s2 =	sadd.s32 $0x106, s0;
	[tilespmem:s28+$0xFFFFFFF0] =	vst v15  }
0x168: {  	s1 =	sadd.s32 s5, s1;
	s26 =	sadd.s32 $0x105, s0;
	v9 =	vmov s2;
	[tilespmem:s28+$0x70] =	vst v11  }
0x169: {  	s1 =	sshrl.u32 s1, $0x3;
	v9 =	vand.u32 $0xFFFFFFFE, v9;
	[tilespmem:s28+$0xFFFFFF70] =	vst v10;
	v10 =	vmov s26  }
0x16a: {  	s31 =	sadd.s32 $0x104, s0;
	s1 =	sadd.s32 s3, s1;
	v9 =	vbroadcast v9, $0x0;
	[tilespmem:s28+$0xF0] =	vst v8;
	v8 =	vand.u32 $0xFFFFFFFD, v10  }
0x16b: {  	v10 =	vmov s31;
	[hbm4b:s1+s4] =	stream.linear.scatter [tilespmem:s14], [sflag:$0x2], $0x4000, $0x38;
	v8 =	vbroadcast v8, $0x0;
	[tilespmem:$0x17D00] =	vst v63  }
0x16c: {  	s1 =	simm.s32 @!p0 $0x3;
	v10 =	vand.u32 $0xFFFFFFFC, v10  }
0x16d: {  	_ =	swait.ge @!p0 [sflag:s1], $0x4000;
	v10 =	vbroadcast v10, $0x0  }
0x16e: {  	[sflag:s1] =	ssyncset.done @!p0 $0x0  }
0x16f: {  	[sflag:s1] =	ssyncadd.s32 @!p0 $0xFFFFC000  }
0x170: {  	v9 =	vld.idx.msk [tilespmem:v9+s10+$0x0], $0xffff  }
0x171: {  	v8 =	vld.idx.msk [tilespmem:v8+s10+$0x0], $0xffff;
	_ =	sdelay $0x1  }
0x172: {  	v10 =	vld.idx.msk [tilespmem:v10+s10+$0x0], $0xffff;
	_ =	sdelay $0x1  }
0x173: {  	v12 =	vshll.u32 v9, $0x7  }
0x174: {  	v13 =	vshll.u32 v8, $0x7;
	v8 =	vor.u32 v0, v12  }
0x175: {  	s0 =	sadd.s32 $0x107, s0;
	v9 =	vor.u32 v0, v13  }
0x176: {  	v11 =	vmov s0;
	v14 =	vshll.u32 v10, $0x7  }
0x177: {  	v10 =	vor.u32 v0, v14;
	_ =	sdelay $0x1  }
0x178: {  	v8 =	vld.idx.msk [tilespmem:v8+s4+$0x0], $0xffff  }
0x179: {  	v15 =	vor.u32 v1, v12;
	v9 =	vld.idx.msk [tilespmem:v9+s4+$0x0], $0xffff  }
0x17a: {  	v11 =	vld.idx.msk [tilespmem:v11+s10+$0x0], $0xffff;
	v16 =	vor.u32 v1, v13  }
0x17b: {  	v10 =	vld.idx.msk [tilespmem:v10+s4+$0x0], $0xffff  }
0x17c: {  	s26 =	simm.s32 $0xFE00;
	v17 =	vor.u32 v1, v14  }
0x17d: {  	[tilespmem:s26+$0x0] =	vst v8  }
0x17e: {  	s0 =	sadd.s32 $0x0, s22;
	[tilespmem:s26+$0xFFFFFF80] =	vst v9;
	v8 =	vld.idx.msk [tilespmem:v15+s4+$0x0], $0xffff  }
0x17f: {  	s25 =	sadd.s32 $0x105, s0;
	v15 =	vor.u32 v2, v12;
	v9 =	vld.idx.msk [tilespmem:v16+s4+$0x0], $0xffff  }
0x180: {  	s31 =	sadd.s32 $0x106, s0;
	v16 =	vshll.u32 v11, $0x7;
	[tilespmem:s26+$0xFFFFFF00] =	vst v10;
	v10 =	vor.u32 v2, v13;
	v11 =	vmov s25  }
0x181: {  	v19 =	vmov s31;
	v18 =	vor.u32 v0, v16;
	v17 =	vld.idx.msk [tilespmem:v17+s4+$0x0], $0xffff;
	v11 =	vand.u32 $0xFFFFFFFD, v11  }
0x182: {  	v19 =	vand.u32 $0xFFFFFFFE, v19;
	v20 =	vor.u32 v2, v14;
	v11 =	vbroadcast v11, $0x0  }
0x183: {  	s25 =	sadd.s32 $0x104, s0;
	[tilespmem:s26+$0x10] =	vst v8;
	v8 =	vbroadcast v19, $0x0  }
0x184: {  	[tilespmem:s26+$0xFFFFFF90] =	vst v9;
	v9 =	vmov s25;
	v15 =	vld.idx.msk [tilespmem:v15+s4+$0x0], $0xffff  }
0x185: {  	v19 =	vor.u32 v3, v12;
	v10 =	vld.idx.msk [tilespmem:v10+s4+$0x0], $0xffff;
	v9 =	vand.u32 $0xFFFFFFFC, v9  }
0x186: {  	v21 =	vor.u32 v3, v13;
	v18 =	vld.idx.msk [tilespmem:v18+s4+$0x0], $0xffff;
	[tilespmem:s26+$0xFFFFFF10] =	vst v17;
	v9 =	vbroadcast v9, $0x0  }
0x187: {  	v17 =	vld.idx.msk [tilespmem:v20+s4+$0x0], $0xffff  }
0x188: {  	v11 =	vld.idx.msk [tilespmem:v11+s10+$0x0], $0xffff  }
0x189: {  	v20 =	vor.u32 v1, v16;
	[tilespmem:s26+$0x20] =	vst v15;
	v8 =	vld.idx.msk [tilespmem:v8+s10+$0x0], $0xffff  }
0x18a: {  	v15 =	vor.u32 v3, v14;
	[tilespmem:s26+$0xFFFFFFA0] =	vst v10;
	v19 =	vld.idx.msk [tilespmem:v19+s4+$0x0], $0xffff  }
0x18b: {  	v22 =	vor.u32 v4, v12;
	s0 =	sadd.s32 $0x107, s0;
	v21 =	vld.idx.msk [tilespmem:v21+s4+$0x0], $0xffff  }
0x18c: {  	v23 =	vmov s0;
	v9 =	vld.idx.msk [tilespmem:v9+s10+$0x0], $0xffff  }
0x18d: {  	[tilespmem:s26+$0x80] =	vst v18;
	v18 =	vor.u32 v4, v13;
	v11 =	vshll.u32 v11, $0x7  }
0x18e: {  	v20 =	vld.idx.msk [tilespmem:v20+s4+$0x0], $0xffff;
	[tilespmem:s26+$0xFFFFFF20] =	vst v17;
	v17 =	vor.u32 v0, v11;
	v10 =	vshll.u32 v8, $0x7  }
0x18f: {  	v15 =	vld.idx.msk [tilespmem:v15+s4+$0x0], $0xffff;
	[tilespmem:s26+$0x30] =	vst v19;
	v19 =	vor.u32 v0, v10  }
0x190: {  	v24 =	vor.u32 v2, v16;
	v22 =	vld.idx.msk [tilespmem:v22+s4+$0x0], $0xffff  }
0x191: {  	[tilespmem:s26+$0xFFFFFFB0] =	vst v21;
	v21 =	vor.u32 v5, v12;
	v8 =	vshll.u32 v9, $0x7;
	v9 =	vld.idx.msk [tilespmem:v23+s10+$0x0], $0xffff  }
0x192: {  	v18 =	vld.idx.msk [tilespmem:v18+s4+$0x0], $0xffff;
	v23 =	vor.u32 v0, v8  }
0x193: {  	v25 =	vor.u32 v5, v13;
	v17 =	vld.idx.msk [tilespmem:v17+s4+$0x0], $0xffff  }
0x194: {  	[tilespmem:s26+$0x90] =	vst v20;
	v20 =	vor.u32 v1, v11;
	v19 =	vld.idx.msk [tilespmem:v19+s4+$0x0], $0xffff  }
0x195: {  	v24 =	vld.idx.msk [tilespmem:v24+s4+$0x0], $0xffff;
	[tilespmem:s26+$0x40] =	vst v22;
	v22 =	vor.u32 v1, v10  }
0x196: {  	v26 =	vor.u32 v3, v16;
	v9 =	vshll.u32 v9, $0x7;
	v21 =	vld.idx.msk [tilespmem:v21+s4+$0x0], $0xffff  }
0x197: {  	s25 =	simm.s32 $0x10000;
	[tilespmem:s26+$0xFFFFFFC0] =	vst v18;
	v18 =	vld.idx.msk [tilespmem:v23+s4+$0x0], $0xffff;
	v23 =	vor.u32 v0, v9  }
0x198: {  	v27 =	vor.u32 v1, v8;
	v25 =	vld.idx.msk [tilespmem:v25+s4+$0x0], $0xffff;
	[tilespmem:s25+$0xFFFFFF80] =	vst v17  }
0x199: {  	v17 =	vld.idx.msk [tilespmem:v20+s4+$0x0], $0xffff;
	[tilespmem:s25+$0x0] =	vst v19;
	v19 =	vor.u32 v6, v13  }
0x19a: {  	[tilespmem:s26+$0xA0] =	vst v24;
	v20 =	vld.idx.msk [tilespmem:v22+s4+$0x0], $0xffff;
	v22 =	vor.u32 v2, v11  }
0x19b: {  	s0 =	sadd.s32 $0x4, s22;
	v24 =	vld.idx.msk [tilespmem:v26+s4+$0x0], $0xffff;
	v26 =	vor.u32 v6, v12;
	[tilespmem:s26+$0x50] =	vst v21  }
0x19c: {  	s31 =	sadd.s32 $0x104, s0;
	[tilespmem:s25+$0xFFFFFF00] =	vst v18;
	v18 =	vor.u32 v2, v10;
	v23 =	vld.idx.msk [tilespmem:v23+s4+$0x0], $0xffff  }
0x19d: {  	v28 =	vor.u32 v1, v9;
	v21 =	vmov s31;
	[tilespmem:s26+$0xFFFFFFD0] =	vst v25;
	v25 =	vld.idx.msk [tilespmem:v27+s4+$0x0], $0xffff  }
0x19e: {  	v21 =	vand.u32 $0xFFFFFFFC, v21;
	v27 =	vor.u32 v2, v8;
	[tilespmem:s25+$0xFFFFFF90] =	vst v17;
	v19 =	vld.idx.msk [tilespmem:v19+s4+$0x0], $0xffff  }
0x19f: {  	v17 =	vor.u32 v4, v14;
	v21 =	vbroadcast v21, $0x0;
	v22 =	vld.idx.msk [tilespmem:v22+s4+$0x0], $0xffff  }
0x1a0: {  	s2 =	sadd.s32 $0x105, s0;
	[tilespmem:s25+$0x10] =	vst v20;
	v20 =	vld.idx.msk [tilespmem:v26+s4+$0x0], $0xffff  }
0x1a1: {  	v13 =	vor.u32 v7, v13;
	s31 =	sadd.s32 $0x106, s0;
	v26 =	vmov s2;
	v18 =	vld.idx.msk [tilespmem:v18+s4+$0x0], $0xffff;
	[tilespmem:s25+$0x80] =	vst v23  }
0x1a2: {  	v29 =	vor.u32 v3, v11;
	v26 =	vand.u32 $0xFFFFFFFD, v26;
	v23 =	vmov s31;
	[tilespmem:s25+$0xFFFFFF10] =	vst v25;
	v25 =	vld.idx.msk [tilespmem:v28+s4+$0x0], $0xffff  }
0x1a3: {  	[tilespmem:s26+$0xFFFFFF30] =	vst v15;
	v15 =	vand.u32 $0xFFFFFFFE, v23;
	v23 =	vbroadcast v26, $0x0;
	v26 =	vld.idx.msk [tilespmem:v27+s4+$0x0], $0xffff;
	v27 =	vor.u32 v3, v10  }
0x1a4: {  	v17 =	vld.idx.msk [tilespmem:v17+s4+$0x0], $0xffff;
	v15 =	vbroadcast v15, $0x0  }
0x1a5: {  	[tilespmem:s26+$0xFFFFFFE0] =	vst v19;
	v21 =	vld.idx.msk [tilespmem:v21+s10+$0x0], $0xffff  }
0x1a6: {  	[tilespmem:s25+$0xFFFFFFA0] =	vst v22;
	v19 =	vld.idx.msk [tilespmem:v13+s4+$0x0], $0xffff;
	v22 =	vor.u32 v4, v16  }
0x1a7: {  	v28 =	vor.u32 v3, v8;
	v13 =	vld.idx.msk [tilespmem:v29+s4+$0x0], $0xffff;
	[tilespmem:s25+$0x20] =	vst v18  }
0x1a8: {  	s0 =	sadd.s32 $0x107, s0;
	v18 =	vor.u32 v5, v14;
	v27 =	vld.idx.msk [tilespmem:v27+s4+$0x0], $0xffff  }
0x1a9: {  	[tilespmem:s26+$0xFFFFFF40] =	vst v17;
	v17 =	vmov s0;
	v23 =	vld.idx.msk [tilespmem:v23+s10+$0x0], $0xffff  }
0x1aa: {  	[tilespmem:s26+$0xB0] =	vst v24;
	v29 =	vor.u32 v2, v9;
	v24 =	vld.idx.msk [tilespmem:v15+s10+$0x0], $0xffff  }
0x1ab: {  	v30 =	vor.u32 v4, v10;
	[tilespmem:s25+$0xFFFFFF20] =	vst v26;
	v22 =	vld.idx.msk [tilespmem:v22+s4+$0x0], $0xffff  }
0x1ac: {  	[tilespmem:s26+$0x60] =	vst v20;
	v26 =	vor.u32 v4, v11;
	v28 =	vld.idx.msk [tilespmem:v28+s4+$0x0], $0xffff  }
0x1ad: {  	v20 =	vor.u32 v5, v16;
	[tilespmem:s25+$0x90] =	vst v25;
	v18 =	vld.idx.msk [tilespmem:v18+s4+$0x0], $0xffff  }
0x1ae: {  	v25 =	vor.u32 v7, v12;
	[tilespmem:s26+$0xFFFFFFF0] =	vst v19;
	v17 =	vld.idx.msk [tilespmem:v17+s10+$0x0], $0xffff  }
0x1af: {  	v31 =	vor.u32 v6, v14;
	[tilespmem:s25+$0x30] =	vst v27;
	v27 =	vld.idx.msk [tilespmem:v29+s4+$0x0], $0xffff;
	v15 =	vshll.u32 v23, $0x7  }
0x1b0: {  	[tilespmem:s25+$0xFFFFFFB0] =	vst v13;
	v23 =	vld.idx.msk [tilespmem:v30+s4+$0x0], $0xffff;
	v29 =	vor.u32 v0, v15;
	v13 =	vshll.u32 v24, $0x7  }
0x1b1: {  	v24 =	vld.idx.msk [tilespmem:v26+s4+$0x0], $0xffff;
	[tilespmem:s26+$0xC0] =	vst v22;
	v19 =	vor.u32 v0, v13  }
0x1b2: {  	v12 =	vshll.u32 v21, $0x7;
	v21 =	vor.u32 v5, v10;
	v20 =	vld.idx.msk [tilespmem:v20+s4+$0x0], $0xffff  }
0x1b3: {  	v26 =	vor.u32 v5, v11;
	[tilespmem:s26+$0xFFFFFF50] =	vst v18;
	v18 =	vld.idx.msk [tilespmem:v25+s4+$0x0], $0xffff  }
0x1b4: {  	[tilespmem:s25+$0xFFFFFF30] =	vst v28;
	v25 =	vor.u32 v0, v12;
	v22 =	vld.idx.msk [tilespmem:v31+s4+$0x0], $0xffff  }
0x1b5: {  	v28 =	vor.u32 v7, v14;
	[tilespmem:s25+$0xA0] =	vst v27;
	v29 =	vld.idx.msk [tilespmem:v29+s4+$0x0], $0xffff  }
0x1b6: {  	[tilespmem:s25+$0x40] =	vst v23;
	v23 =	vor.u32 v6, v16;
	v19 =	vld.idx.msk [tilespmem:v19+s4+$0x0], $0xffff  }
0x1b7: {  	v27 =	vor.u32 v1, v15;
	[tilespmem:s25+$0xFFFFFFC0] =	vst v24;
	v21 =	vld.idx.msk [tilespmem:v21+s4+$0x0], $0xffff  }
0x1b8: {  	v62 =	vor.u32 v1, v13;
	v63 =	vld.idx.msk [tilespmem:v26+s4+$0x0], $0xffff;
	[tilespmem:s26+$0x70] =	vst v18  }
0x1b9: {  	v14 =	vshll.u32 v17, $0x7;
	v25 =	vld.idx.msk [tilespmem:v25+s4+$0x0], $0xffff;
	v18 =	vor.u32 v3, v9;
	[tilespmem:s26+$0xFFFFFF60] =	vst v22  }
0x1ba: {  	s28 =	simm.s32 $0x10200;
	[tilespmem:s26+$0xD0] =	vst v20;
	v22 =	vor.u32 v0, v14;
	v28 =	vld.idx.msk [tilespmem:v28+s4+$0x0], $0xffff  }
0x1bb: {  	v32 =	vor.u32 v1, v12;
	[tilespmem:s28+$0xFFFFFF80] =	vst v29;
	v24 =	vld.idx.msk [tilespmem:v23+s4+$0x0], $0xffff  }
0x1bc: {  	v20 =	vld.idx.msk [tilespmem:v27+s4+$0x0], $0xffff;
	[tilespmem:s28+$0x0] =	vst v19;
	v27 =	vor.u32 v6, v11  }
0x1bd: {  	v26 =	vor.u32 v7, v16;
	[tilespmem:s25+$0x50] =	vst v21;
	v19 =	vld.idx.msk [tilespmem:v62+s4+$0x0], $0xffff  }
0x1be: {  	[tilespmem:s28+$0xFFFFFF00] =	vst v25;
	v18 =	vld.idx.msk [tilespmem:v18+s4+$0x0], $0xffff;
	v25 =	vor.u32 v2, v15  }
0x1bf: {  	[tilespmem:s25+$0xFFFFFFD0] =	vst v63;
	v23 =	vld.idx.msk [tilespmem:v22+s4+$0x0], $0xffff;
	v22 =	vor.u32 v6, v10  }
0x1c0: {  	s29 =	sor.u32 $0x2, s24;
	s30 =	simm.s32 $0x8;
	v17 =	vor.u32 v1, v14;
	v16 =	vor.u32 v2, v13;
	v21 =	vld.idx.msk [tilespmem:v32+s4+$0x0], $0xffff;
	[tilespmem:s26+$0xFFFFFF70] =	vst v28  }
.LBB2_7:
0x1c1: {  	s0 =	sadd.s32 s30, s22;
	s30 =	sadd.s32 $0x4, s30;
	v28 =	vor.u32 v4, v8;
	v27 =	vld.idx.msk [tilespmem:v27+s4+$0x0], $0xffff;
	[tilespmem:s26+$0xE0] =	vst v24  }
0x1c2: {  	v24 =	vor.u32 v2, v12;
	s1 =	sadd.s32 $0x104, s0;
	s2 =	sadd.s32 $0x105, s0;
	s31 =	sadd.s32 $0x106, s0;
	[tilespmem:s28+$0xFFFFFF90] =	vst v20;
	v20 =	vor.u32 v7, v11;
	v26 =	vld.idx.msk [tilespmem:v26+s4+$0x0], $0xffff;
	v11 =	vmov v15  }
0x1c3: {  	s0 =	sadd.s32 $0x107, s0;
	p1 =	slt.u32 s30, $0x7C;
	v15 =	vmov s1;
	v29 =	vmov s2;
	v30 =	vmov s31;
	v25 =	vld.idx.msk [tilespmem:v25+s4+$0x0], $0xffff  }
0x1c4: {  	v15 =	vand.u32 $0xFFFFFFFC, v15;
	v29 =	vand.u32 $0xFFFFFFFD, v29;
	v30 =	vand.u32 $0xFFFFFFFE, v30;
	[tilespmem:s28+$0x10] =	vst v19;
	v19 =	vld.idx.msk [tilespmem:v22+s4+$0x0], $0xffff  }
0x1c5: {  	v22 =	vor.u32 v3, v11;
	v15 =	vbroadcast v15, $0x0;
	v16 =	vld.idx.msk [tilespmem:v16+s4+$0x0], $0xffff;
	[tilespmem:s28+$0x80] =	vst v23  }
0x1c6: {  	v23 =	vbroadcast v29, $0x0;
	[tilespmem:s28+$0xFFFFFF10] =	vst v21;
	v17 =	vld.idx.msk [tilespmem:v17+s4+$0x0], $0xffff  }
0x1c7: {  	v29 =	vor.u32 v3, v13;
	v21 =	vbroadcast v30, $0x0;
	v24 =	vld.idx.msk [tilespmem:v24+s4+$0x0], $0xffff;
	[tilespmem:s25+$0xFFFFFFE0] =	vst v27  }
0x1c8: {  	v27 =	vld.idx.msk [tilespmem:v28+s4+$0x0], $0xffff;
	[tilespmem:s26+$0xF0] =	vst v26;
	s26 =	smov.u32 s25;
	s25 =	smov.u32 s28  }
0x1c9: {  	[tilespmem:s28+$0xFFFFFFA0] =	vst v25;
	v20 =	vld.idx.msk [tilespmem:v20+s4+$0x0], $0xffff  }
0x1ca: {  	v22 =	vld.idx.msk [tilespmem:v22+s4+$0x0], $0xffff;
	[tilespmem:s26+$0xB0] =	vst v18;
	v18 =	vor.u32 v4, v9  }
0x1cb: {  	v15 =	vld.idx.msk [tilespmem:v15+s10+$0x0], $0xffff;
	[tilespmem:s28+$0x20] =	vst v16;
	v16 =	vor.u32 v5, v8  }
0x1cc: {  	v25 =	vor.u32 v3, v12;
	v26 =	vld.idx.msk [tilespmem:v29+s4+$0x0], $0xffff;
	[tilespmem:s26+$0x60] =	vst v19  }
0x1cd: {  	v19 =	vld.idx.msk [tilespmem:v23+s10+$0x0], $0xffff;
	[tilespmem:s28+$0xFFFFFF20] =	vst v24;
	v23 =	vor.u32 v2, v14  }
0x1ce: {  	v24 =	vor.u32 v4, v13;
	v21 =	vld.idx.msk [tilespmem:v21+s10+$0x0], $0xffff;
	[tilespmem:s26+$0xFFFFFF40] =	vst v27  }
0x1cf: {  	v27 =	vmov s0;
	[tilespmem:s26+$0xFFFFFFF0] =	vst v20;
	v18 =	vld.idx.msk [tilespmem:v18+s4+$0x0], $0xffff  }
0x1d0: {  	v20 =	vor.u32 v4, v11;
	[tilespmem:s28+$0xFFFFFFB0] =	vst v22;
	v16 =	vld.idx.msk [tilespmem:v16+s4+$0x0], $0xffff  }
0x1d1: {  	v28 =	vor.u32 v7, v10;
	v22 =	vshll.u32 v15, $0x7;
	v25 =	vld.idx.msk [tilespmem:v25+s4+$0x0], $0xffff;
	[tilespmem:s28+$0x90] =	vst v17;
	v17 =	vor.u32 v6, v8  }
0x1d2: {  	v10 =	vmov v13;
	v29 =	vor.u32 v0, v22;
	[tilespmem:s28+$0x30] =	vst v26;
	v23 =	vld.idx.msk [tilespmem:v23+s4+$0x0], $0xffff;
	v26 =	vor.u32 v5, v9  }
0x1d3: {  	v15 =	vshll.u32 v19, $0x7;
	v19 =	vld.idx.msk [tilespmem:v24+s4+$0x0], $0xffff  }
0x1d4: {  	v24 =	vor.u32 v0, v15;
	v13 =	vshll.u32 v21, $0x7;
	v21 =	vld.idx.msk [tilespmem:v27+s10+$0x0], $0xffff  }
0x1d5: {  	v27 =	vor.u32 v0, v13;
	v20 =	vld.idx.msk [tilespmem:v20+s4+$0x0], $0xffff;
	[tilespmem:s26+$0xC0] =	vst v18  }
0x1d6: {  	v18 =	vor.u32 v5, v10;
	[tilespmem:s26+$0xFFFFFF50] =	vst v16;
	v16 =	vld.idx.msk [tilespmem:v28+s4+$0x0], $0xffff  }
0x1d7: {  	[tilespmem:s28+$0xFFFFFF30] =	vst v25;
	v25 =	vld.idx.msk [tilespmem:v17+s4+$0x0], $0xffff  }
0x1d8: {  	v30 =	vor.u32 v7, v8;
	v8 =	vmovc v12;
	v12 =	vmov v22;
	v28 =	vor.u32 v5, v11;
	v26 =	vld.idx.msk [tilespmem:v26+s4+$0x0], $0xffff  }
0x1d9: {  	v31 =	vor.u32 v1, v12;
	v22 =	vld.idx.msk [tilespmem:v24+s4+$0x0], $0xffff;
	[tilespmem:s28+$0x40] =	vst v19;
	v19 =	vor.u32 v6, v9  }
0x1da: {  	v21 =	vshll.u32 v21, $0x7;
	v27 =	vld.idx.msk [tilespmem:v27+s4+$0x0], $0xffff;
	[tilespmem:s28+$0xA0] =	vst v23  }
0x1db: {  	v23 =	vor.u32 v1, v15;
	v17 =	vor.u32 v1, v21;
	[tilespmem:s28+$0xFFFFFFC0] =	vst v20;
	v18 =	vld.idx.msk [tilespmem:v18+s4+$0x0], $0xffff  }
0x1dc: {  	v32 =	vor.u32 v1, v13;
	s28 =	sadd.s32 $0x200, s28;
	v29 =	vld.idx.msk [tilespmem:v29+s4+$0x0], $0xffff;
	[tilespmem:s26+$0x70] =	vst v16  }
0x1dd: {  	v16 =	vor.u32 v3, v14;
	v28 =	vld.idx.msk [tilespmem:v28+s4+$0x0], $0xffff;
	[tilespmem:s26+$0xFFFFFF60] =	vst v25  }
0x1de: {  	v33 =	vor.u32 v0, v21;
	v30 =	vld.idx.msk [tilespmem:v30+s4+$0x0], $0xffff;
	[tilespmem:s26+$0xD0] =	vst v26  }
0x1df: {  	[tilespmem:s28+$0xFFFFFF80] =	vst v22;
	v24 =	vld.idx.msk [tilespmem:v19+s4+$0x0], $0xffff  }
.Ltmp2:
0x1e0: {  	v26 =	vor.u32 v7, v9;
	v9 =	vmov v14;
	v20 =	vld.idx.msk [tilespmem:v23+s4+$0x0], $0xffff;
	[tilespmem:s28+$0x0] =	vst v27;
	v27 =	vor.u32 v6, v11;
	(pc) =	sbr.rel @p1 .LBB2_7-.Ltmp2, $4  }
0x1e1: {  	v14 =	vmov v21;
	v19 =	vld.idx.msk [tilespmem:v32+s4+$0x0], $0xffff;
	[tilespmem:s25+$0x50] =	vst v18  }
0x1e2: {  	v25 =	vor.u32 v2, v15;
	[tilespmem:s28+$0xFFFFFF00] =	vst v29;
	v18 =	vld.idx.msk [tilespmem:v16+s4+$0x0], $0xffff  }
0x1e3: {  	v22 =	vor.u32 v6, v10;
	v16 =	vor.u32 v2, v13;
	v23 =	vld.idx.msk [tilespmem:v33+s4+$0x0], $0xffff;
	[tilespmem:s25+$0xFFFFFFD0] =	vst v28  }
0x1e4: {  	v21 =	vld.idx.msk [tilespmem:v31+s4+$0x0], $0xffff;
	[tilespmem:s26+$0xFFFFFF70] =	vst v30  }
0x1e5: {  	_ =	sdelay $0x2  }
0x1e6: {  	[tilespmem:s26+$0xE0] =	vst v24  }
0x1e7: {  	v24 =	vld.idx.msk [tilespmem:v26+s4+$0x0], $0xffff;
	[tilespmem:s28+$0x80] =	vst v23  }
0x1e8: {  	[tilespmem:s28+$0xFFFFFF90] =	vst v20;
	v23 =	vor.u32 v2, v12;
	v17 =	vld.idx.msk [tilespmem:v17+s4+$0x0], $0xffff  }
0x1e9: {  	v27 =	vld.idx.msk [tilespmem:v27+s4+$0x0], $0xffff;
	[tilespmem:s28+$0x10] =	vst v19;
	v19 =	vor.u32 v2, v14  }
0x1ea: {  	v20 =	vld.idx.msk [tilespmem:v25+s4+$0x0], $0xffff;
	v25 =	vor.u32 v4, v8;
	[tilespmem:s25+$0xB0] =	vst v18  }
0x1eb: {  	v11 =	vor.u32 v7, v11;
	v16 =	vld.idx.msk [tilespmem:v16+s4+$0x0], $0xffff;
	[tilespmem:s28+$0xFFFFFF10] =	vst v21  }
0x1ec: {  	v21 =	vld.idx.msk [tilespmem:v22+s4+$0x0], $0xffff;
	v22 =	vor.u32 v3, v15;
	[tilespmem:s26+$0xF0] =	vst v24  }
0x1ed: {  	v24 =	vor.u32 v3, v13;
	v23 =	vld.idx.msk [tilespmem:v23+s4+$0x0], $0xffff;
	[tilespmem:s28+$0x90] =	vst v17  }
0x1ee: {  	[tilespmem:s25+$0xFFFFFFE0] =	vst v27;
	v17 =	vor.u32 v3, v12;
	v19 =	vld.idx.msk [tilespmem:v19+s4+$0x0], $0xffff  }
0x1ef: {  	v18 =	vor.u32 v3, v14;
	[tilespmem:s28+$0xFFFFFFA0] =	vst v20;
	v20 =	vld.idx.msk [tilespmem:v25+s4+$0x0], $0xffff  }
0x1f0: {  	v11 =	vld.idx.msk [tilespmem:v11+s4+$0x0], $0xffff;
	v25 =	vor.u32 v4, v9;
	[tilespmem:s28+$0x20] =	vst v16  }
0x1f1: {  	v16 =	vld.idx.msk [tilespmem:v22+s4+$0x0], $0xffff;
	v22 =	vor.u32 v5, v8;
	[tilespmem:s25+$0x60] =	vst v21  }
0x1f2: {  	v21 =	vld.idx.msk [tilespmem:v24+s4+$0x0], $0xffff;
	[tilespmem:s28+$0xFFFFFF20] =	vst v23;
	v23 =	vor.u32 v4, v15  }
0x1f3: {  	v24 =	vor.u32 v4, v13;
	v17 =	vld.idx.msk [tilespmem:v17+s4+$0x0], $0xffff;
	[tilespmem:s28+$0xA0] =	vst v19  }
0x1f4: {  	[tilespmem:s25+$0xFFFFFF40] =	vst v20;
	v19 =	vor.u32 v4, v12;
	v18 =	vld.idx.msk [tilespmem:v18+s4+$0x0], $0xffff  }
0x1f5: {  	[tilespmem:s25+$0xFFFFFFF0] =	vst v11;
	v11 =	vld.idx.msk [tilespmem:v25+s4+$0x0], $0xffff;
	v20 =	vor.u32 v4, v14  }
0x1f6: {  	v10 =	vor.u32 v7, v10;
	[tilespmem:s28+$0xFFFFFFB0] =	vst v16;
	v16 =	vld.idx.msk [tilespmem:v22+s4+$0x0], $0xffff  }
0x1f7: {  	[tilespmem:s28+$0x30] =	vst v21;
	v21 =	vor.u32 v5, v9;
	v22 =	vld.idx.msk [tilespmem:v23+s4+$0x0], $0xffff  }
0x1f8: {  	v23 =	vld.idx.msk [tilespmem:v24+s4+$0x0], $0xffff;
	[tilespmem:s28+$0xFFFFFF30] =	vst v17;
	v17 =	vor.u32 v5, v15  }
0x1f9: {  	v24 =	vor.u32 v5, v13;
	v19 =	vld.idx.msk [tilespmem:v19+s4+$0x0], $0xffff;
	[tilespmem:s28+$0xB0] =	vst v18  }
0x1fa: {  	[tilespmem:s25+$0xC0] =	vst v11;
	v11 =	vor.u32 v5, v12;
	v18 =	vld.idx.msk [tilespmem:v20+s4+$0x0], $0xffff  }
0x1fb: {  	v10 =	vld.idx.msk [tilespmem:v10+s4+$0x0], $0xffff;
	[tilespmem:s25+$0xFFFFFF50] =	vst v16;
	v16 =	vor.u32 v5, v14  }
0x1fc: {  	v21 =	vld.idx.msk [tilespmem:v21+s4+$0x0], $0xffff;
	v20 =	vor.u32 v6, v8;
	[tilespmem:s28+$0xFFFFFFC0] =	vst v22  }
0x1fd: {  	[tilespmem:s28+$0x40] =	vst v23;
	v22 =	vor.u32 v6, v9;
	v17 =	vld.idx.msk [tilespmem:v17+s4+$0x0], $0xffff  }
0x1fe: {  	v23 =	vld.idx.msk [tilespmem:v24+s4+$0x0], $0xffff;
	v24 =	vor.u32 v6, v15;
	[tilespmem:s28+$0xFFFFFF40] =	vst v19  }
0x1ff: {  	v19 =	vor.u32 v6, v13;
	v11 =	vld.idx.msk [tilespmem:v11+s4+$0x0], $0xffff;
	[tilespmem:s28+$0xC0] =	vst v18  }
0x200: {  	[tilespmem:s25+$0x70] =	vst v10;
	v10 =	vor.u32 v6, v12;
	v16 =	vld.idx.msk [tilespmem:v16+s4+$0x0], $0xffff  }
0x201: {  	[tilespmem:s25+$0xD0] =	vst v21;
	v18 =	vld.idx.msk [tilespmem:v20+s4+$0x0], $0xffff;
	v20 =	vor.u32 v6, v14  }
0x202: {  	v8 =	vor.u32 v7, v8;
	v21 =	vld.idx.msk [tilespmem:v22+s4+$0x0], $0xffff;
	[tilespmem:s28+$0xFFFFFFD0] =	vst v17  }
0x203: {  	v9 =	vor.u32 v7, v9;
	[tilespmem:s28+$0x50] =	vst v23;
	v17 =	vld.idx.msk [tilespmem:v24+s4+$0x0], $0xffff  }
0x204: {  	v15 =	vor.u32 v7, v15;
	v19 =	vld.idx.msk [tilespmem:v19+s4+$0x0], $0xffff;
	[tilespmem:s28+$0xFFFFFF50] =	vst v11  }
0x205: {  	v11 =	vor.u32 v7, v13;
	v10 =	vld.idx.msk [tilespmem:v10+s4+$0x0], $0xffff;
	[tilespmem:s28+$0xD0] =	vst v16  }
0x206: {  	v12 =	vor.u32 v7, v12;
	[tilespmem:s25+$0xFFFFFF60] =	vst v18;
	v13 =	vld.idx.msk [tilespmem:v20+s4+$0x0], $0xffff  }
0x207: {  	v14 =	vor.u32 v7, v14;
	v8 =	vld.idx.msk [tilespmem:v8+s4+$0x0], $0xffff;
	[tilespmem:s25+$0xE0] =	vst v21  }
0x208: {  	v9 =	vld.idx.msk [tilespmem:v9+s4+$0x0], $0xffff;
	[tilespmem:s28+$0xFFFFFFE0] =	vst v17  }
0x209: {  	[tilespmem:s28+$0x60] =	vst v19;
	v15 =	vld.idx.msk [tilespmem:v15+s4+$0x0], $0xffff  }
0x20a: {  	v11 =	vld.idx.msk [tilespmem:v11+s4+$0x0], $0xffff;
	[tilespmem:s28+$0xFFFFFF60] =	vst v10  }
0x20b: {  	v10 =	vld.idx.msk [tilespmem:v12+s4+$0x0], $0xffff;
	[tilespmem:s28+$0xE0] =	vst v13  }
0x20c: {  	[tilespmem:s25+$0xFFFFFF70] =	vst v8;
	v8 =	vld.idx.msk [tilespmem:v14+s4+$0x0], $0xffff  }
0x20d: {  	s0 =	sadd.s32 $0xFFFFFFFC, s22;
	[tilespmem:s25+$0xF0] =	vst v9  }
0x20e: {  	s1 =	sshll.u32 s29, $0xE;
	s2 =	sadd.s32 $0x186, s0;
	[tilespmem:s28+$0xFFFFFFF0] =	vst v15  }
0x20f: {  	s1 =	sadd.s32 s5, s1;
	s30 =	sadd.s32 $0x185, s0;
	v9 =	vmov s2;
	[tilespmem:s28+$0x70] =	vst v11  }
0x210: {  	s1 =	sshrl.u32 s1, $0x3;
	v9 =	vand.u32 $0xFFFFFFFE, v9;
	[tilespmem:s28+$0xFFFFFF70] =	vst v10;
	v10 =	vmov s30  }
0x211: {  	s31 =	sadd.s32 $0x184, s0;
	s1 =	sadd.s32 s3, s1;
	v9 =	vbroadcast v9, $0x0;
	[tilespmem:s28+$0xF0] =	vst v8;
	v8 =	vand.u32 $0xFFFFFFFD, v10  }
0x212: {  	v10 =	vmov s31;
	[hbm4b:s1+s4] =	stream.linear.scatter [tilespmem:s15], [sflag:$0x3], $0x4000, $0x38;
	v8 =	vbroadcast v8, $0x0;
	[tilespmem:$0x17D00] =	vst v63  }
0x213: {  	s1 =	simm.s32 @!p0 $0x4;
	v10 =	vand.u32 $0xFFFFFFFC, v10  }
0x214: {  	_ =	swait.ge @!p0 [sflag:s1], $0x4000;
	v10 =	vbroadcast v10, $0x0  }
0x215: {  	[sflag:s1] =	ssyncset.done @!p0 $0x0  }
0x216: {  	[sflag:s1] =	ssyncadd.s32 @!p0 $0xFFFFC000  }
0x217: {  	v9 =	vld.idx.msk [tilespmem:v9+s10+$0x0], $0xffff  }
0x218: {  	v8 =	vld.idx.msk [tilespmem:v8+s10+$0x0], $0xffff;
	_ =	sdelay $0x1  }
0x219: {  	v10 =	vld.idx.msk [tilespmem:v10+s10+$0x0], $0xffff;
	_ =	sdelay $0x1  }
0x21a: {  	v12 =	vshll.u32 v9, $0x7  }
0x21b: {  	v13 =	vshll.u32 v8, $0x7;
	v8 =	vor.u32 v0, v12  }
0x21c: {  	s0 =	sadd.s32 $0x187, s0;
	v9 =	vor.u32 v0, v13  }
0x21d: {  	v11 =	vmov s0;
	v14 =	vshll.u32 v10, $0x7  }
0x21e: {  	v10 =	vor.u32 v0, v14;
	_ =	sdelay $0x1  }
0x21f: {  	v8 =	vld.idx.msk [tilespmem:v8+s4+$0x0], $0xffff  }
0x220: {  	v15 =	vor.u32 v1, v12;
	v9 =	vld.idx.msk [tilespmem:v9+s4+$0x0], $0xffff  }
0x221: {  	v11 =	vld.idx.msk [tilespmem:v11+s10+$0x0], $0xffff;
	v16 =	vor.u32 v1, v13  }
0x222: {  	v10 =	vld.idx.msk [tilespmem:v10+s4+$0x0], $0xffff  }
0x223: {  	s26 =	simm.s32 $0x13E00;
	v17 =	vor.u32 v1, v14  }
0x224: {  	[tilespmem:s26+$0x0] =	vst v8  }
0x225: {  	s0 =	sadd.s32 $0x0, s22;
	[tilespmem:s26+$0xFFFFFF80] =	vst v9;
	v8 =	vld.idx.msk [tilespmem:v15+s4+$0x0], $0xffff  }
0x226: {  	s25 =	sadd.s32 $0x185, s0;
	v15 =	vor.u32 v2, v12;
	v9 =	vld.idx.msk [tilespmem:v16+s4+$0x0], $0xffff  }
0x227: {  	s30 =	sadd.s32 $0x186, s0;
	v16 =	vshll.u32 v11, $0x7;
	[tilespmem:s26+$0xFFFFFF00] =	vst v10;
	v10 =	vor.u32 v2, v13;
	v11 =	vmov s25  }
0x228: {  	v19 =	vmov s30;
	v18 =	vor.u32 v0, v16;
	v17 =	vld.idx.msk [tilespmem:v17+s4+$0x0], $0xffff;
	v11 =	vand.u32 $0xFFFFFFFD, v11  }
0x229: {  	v19 =	vand.u32 $0xFFFFFFFE, v19;
	v20 =	vor.u32 v2, v14;
	v11 =	vbroadcast v11, $0x0  }
0x22a: {  	s31 =	sadd.s32 $0x184, s0;
	[tilespmem:s26+$0x10] =	vst v8;
	v8 =	vbroadcast v19, $0x0  }
0x22b: {  	[tilespmem:s26+$0xFFFFFF90] =	vst v9;
	v9 =	vmov s31;
	v15 =	vld.idx.msk [tilespmem:v15+s4+$0x0], $0xffff  }
0x22c: {  	v19 =	vor.u32 v3, v12;
	v10 =	vld.idx.msk [tilespmem:v10+s4+$0x0], $0xffff;
	v9 =	vand.u32 $0xFFFFFFFC, v9  }
0x22d: {  	v21 =	vor.u32 v3, v13;
	v18 =	vld.idx.msk [tilespmem:v18+s4+$0x0], $0xffff;
	[tilespmem:s26+$0xFFFFFF10] =	vst v17;
	v9 =	vbroadcast v9, $0x0  }
0x22e: {  	v17 =	vld.idx.msk [tilespmem:v20+s4+$0x0], $0xffff  }
0x22f: {  	v11 =	vld.idx.msk [tilespmem:v11+s10+$0x0], $0xffff  }
0x230: {  	v20 =	vor.u32 v1, v16;
	[tilespmem:s26+$0x20] =	vst v15;
	v8 =	vld.idx.msk [tilespmem:v8+s10+$0x0], $0xffff  }
0x231: {  	v15 =	vor.u32 v3, v14;
	[tilespmem:s26+$0xFFFFFFA0] =	vst v10;
	v19 =	vld.idx.msk [tilespmem:v19+s4+$0x0], $0xffff  }
0x232: {  	s0 =	sadd.s32 $0x187, s0;
	v22 =	vor.u32 v4, v12;
	v21 =	vld.idx.msk [tilespmem:v21+s4+$0x0], $0xffff  }
0x233: {  	v23 =	vmov s0;
	v9 =	vld.idx.msk [tilespmem:v9+s10+$0x0], $0xffff  }
0x234: {  	[tilespmem:s26+$0x80] =	vst v18;
	v18 =	vor.u32 v4, v13;
	v11 =	vshll.u32 v11, $0x7  }
0x235: {  	v20 =	vld.idx.msk [tilespmem:v20+s4+$0x0], $0xffff;
	[tilespmem:s26+$0xFFFFFF20] =	vst v17;
	v17 =	vor.u32 v0, v11;
	v10 =	vshll.u32 v8, $0x7  }
0x236: {  	v15 =	vld.idx.msk [tilespmem:v15+s4+$0x0], $0xffff;
	[tilespmem:s26+$0x30] =	vst v19;
	v19 =	vor.u32 v0, v10  }
0x237: {  	v24 =	vor.u32 v2, v16;
	v22 =	vld.idx.msk [tilespmem:v22+s4+$0x0], $0xffff  }
0x238: {  	[tilespmem:s26+$0xFFFFFFB0] =	vst v21;
	v21 =	vor.u32 v5, v12;
	v8 =	vshll.u32 v9, $0x7;
	v9 =	vld.idx.msk [tilespmem:v23+s10+$0x0], $0xffff  }
0x239: {  	v18 =	vld.idx.msk [tilespmem:v18+s4+$0x0], $0xffff;
	v23 =	vor.u32 v0, v8  }
0x23a: {  	v25 =	vor.u32 v5, v13;
	v17 =	vld.idx.msk [tilespmem:v17+s4+$0x0], $0xffff  }
0x23b: {  	[tilespmem:s26+$0x90] =	vst v20;
	v20 =	vor.u32 v1, v11;
	v19 =	vld.idx.msk [tilespmem:v19+s4+$0x0], $0xffff  }
0x23c: {  	v24 =	vld.idx.msk [tilespmem:v24+s4+$0x0], $0xffff;
	[tilespmem:s26+$0x40] =	vst v22;
	v22 =	vor.u32 v1, v10  }
0x23d: {  	v26 =	vor.u32 v3, v16;
	v9 =	vshll.u32 v9, $0x7;
	v21 =	vld.idx.msk [tilespmem:v21+s4+$0x0], $0xffff  }
0x23e: {  	s25 =	simm.s32 $0x14000;
	[tilespmem:s26+$0xFFFFFFC0] =	vst v18;
	v18 =	vld.idx.msk [tilespmem:v23+s4+$0x0], $0xffff;
	v23 =	vor.u32 v0, v9  }
0x23f: {  	v27 =	vor.u32 v1, v8;
	v25 =	vld.idx.msk [tilespmem:v25+s4+$0x0], $0xffff;
	[tilespmem:s25+$0xFFFFFF80] =	vst v17  }
0x240: {  	v17 =	vld.idx.msk [tilespmem:v20+s4+$0x0], $0xffff;
	[tilespmem:s25+$0x0] =	vst v19;
	v19 =	vor.u32 v6, v13  }
0x241: {  	[tilespmem:s26+$0xA0] =	vst v24;
	v20 =	vld.idx.msk [tilespmem:v22+s4+$0x0], $0xffff;
	v22 =	vor.u32 v2, v11  }
0x242: {  	s0 =	sadd.s32 $0x4, s22;
	v24 =	vld.idx.msk [tilespmem:v26+s4+$0x0], $0xffff;
	v26 =	vor.u32 v6, v12;
	[tilespmem:s26+$0x50] =	vst v21  }
0x243: {  	s2 =	sadd.s32 $0x184, s0;
	[tilespmem:s25+$0xFFFFFF00] =	vst v18;
	v18 =	vor.u32 v2, v10;
	v23 =	vld.idx.msk [tilespmem:v23+s4+$0x0], $0xffff  }
0x244: {  	v28 =	vor.u32 v1, v9;
	v21 =	vmov s2;
	[tilespmem:s26+$0xFFFFFFD0] =	vst v25;
	v25 =	vld.idx.msk [tilespmem:v27+s4+$0x0], $0xffff  }
0x245: {  	v21 =	vand.u32 $0xFFFFFFFC, v21;
	v27 =	vor.u32 v2, v8;
	[tilespmem:s25+$0xFFFFFF90] =	vst v17;
	v19 =	vld.idx.msk [tilespmem:v19+s4+$0x0], $0xffff  }
0x246: {  	v17 =	vor.u32 v4, v14;
	v21 =	vbroadcast v21, $0x0;
	v22 =	vld.idx.msk [tilespmem:v22+s4+$0x0], $0xffff  }
0x247: {  	s30 =	sadd.s32 $0x185, s0;
	[tilespmem:s25+$0x10] =	vst v20;
	v20 =	vld.idx.msk [tilespmem:v26+s4+$0x0], $0xffff  }
0x248: {  	s31 =	sadd.s32 $0x186, s0;
	v13 =	vor.u32 v7, v13;
	v26 =	vmov s30;
	v18 =	vld.idx.msk [tilespmem:v18+s4+$0x0], $0xffff;
	[tilespmem:s25+$0x80] =	vst v23  }
0x249: {  	v29 =	vor.u32 v3, v11;
	v26 =	vand.u32 $0xFFFFFFFD, v26;
	v23 =	vmov s31;
	[tilespmem:s25+$0xFFFFFF10] =	vst v25;
	v25 =	vld.idx.msk [tilespmem:v28+s4+$0x0], $0xffff  }
0x24a: {  	[tilespmem:s26+$0xFFFFFF30] =	vst v15;
	v15 =	vand.u32 $0xFFFFFFFE, v23;
	v23 =	vbroadcast v26, $0x0;
	v26 =	vld.idx.msk [tilespmem:v27+s4+$0x0], $0xffff;
	v27 =	vor.u32 v3, v10  }
0x24b: {  	v17 =	vld.idx.msk [tilespmem:v17+s4+$0x0], $0xffff;
	v15 =	vbroadcast v15, $0x0  }
0x24c: {  	[tilespmem:s26+$0xFFFFFFE0] =	vst v19;
	v21 =	vld.idx.msk [tilespmem:v21+s10+$0x0], $0xffff  }
0x24d: {  	[tilespmem:s25+$0xFFFFFFA0] =	vst v22;
	v19 =	vld.idx.msk [tilespmem:v13+s4+$0x0], $0xffff;
	v22 =	vor.u32 v4, v16  }
0x24e: {  	v28 =	vor.u32 v3, v8;
	v13 =	vld.idx.msk [tilespmem:v29+s4+$0x0], $0xffff;
	[tilespmem:s25+$0x20] =	vst v18  }
0x24f: {  	s0 =	sadd.s32 $0x187, s0;
	v18 =	vor.u32 v5, v14;
	v27 =	vld.idx.msk [tilespmem:v27+s4+$0x0], $0xffff  }
0x250: {  	[tilespmem:s26+$0xFFFFFF40] =	vst v17;
	v17 =	vmov s0;
	v23 =	vld.idx.msk [tilespmem:v23+s10+$0x0], $0xffff  }
0x251: {  	[tilespmem:s26+$0xB0] =	vst v24;
	v29 =	vor.u32 v2, v9;
	v24 =	vld.idx.msk [tilespmem:v15+s10+$0x0], $0xffff  }
0x252: {  	v30 =	vor.u32 v4, v10;
	[tilespmem:s25+$0xFFFFFF20] =	vst v26;
	v22 =	vld.idx.msk [tilespmem:v22+s4+$0x0], $0xffff  }
0x253: {  	[tilespmem:s26+$0x60] =	vst v20;
	v26 =	vor.u32 v4, v11;
	v28 =	vld.idx.msk [tilespmem:v28+s4+$0x0], $0xffff  }
0x254: {  	v20 =	vor.u32 v5, v16;
	[tilespmem:s25+$0x90] =	vst v25;
	v18 =	vld.idx.msk [tilespmem:v18+s4+$0x0], $0xffff  }
0x255: {  	v25 =	vor.u32 v7, v12;
	[tilespmem:s26+$0xFFFFFFF0] =	vst v19;
	v17 =	vld.idx.msk [tilespmem:v17+s10+$0x0], $0xffff  }
0x256: {  	v31 =	vor.u32 v6, v14;
	[tilespmem:s25+$0x30] =	vst v27;
	v27 =	vld.idx.msk [tilespmem:v29+s4+$0x0], $0xffff;
	v15 =	vshll.u32 v23, $0x7  }
0x257: {  	[tilespmem:s25+$0xFFFFFFB0] =	vst v13;
	v23 =	vld.idx.msk [tilespmem:v30+s4+$0x0], $0xffff;
	v29 =	vor.u32 v0, v15;
	v13 =	vshll.u32 v24, $0x7  }
0x258: {  	v24 =	vld.idx.msk [tilespmem:v26+s4+$0x0], $0xffff;
	[tilespmem:s26+$0xC0] =	vst v22;
	v19 =	vor.u32 v0, v13  }
0x259: {  	v12 =	vshll.u32 v21, $0x7;
	v21 =	vor.u32 v5, v10;
	v20 =	vld.idx.msk [tilespmem:v20+s4+$0x0], $0xffff  }
0x25a: {  	v26 =	vor.u32 v5, v11;
	[tilespmem:s26+$0xFFFFFF50] =	vst v18;
	v18 =	vld.idx.msk [tilespmem:v25+s4+$0x0], $0xffff  }
0x25b: {  	[tilespmem:s25+$0xFFFFFF30] =	vst v28;
	v25 =	vor.u32 v0, v12;
	v22 =	vld.idx.msk [tilespmem:v31+s4+$0x0], $0xffff  }
0x25c: {  	v28 =	vor.u32 v7, v14;
	[tilespmem:s25+$0xA0] =	vst v27;
	v29 =	vld.idx.msk [tilespmem:v29+s4+$0x0], $0xffff  }
0x25d: {  	[tilespmem:s25+$0x40] =	vst v23;
	v23 =	vor.u32 v6, v16;
	v19 =	vld.idx.msk [tilespmem:v19+s4+$0x0], $0xffff  }
0x25e: {  	v27 =	vor.u32 v1, v15;
	[tilespmem:s25+$0xFFFFFFC0] =	vst v24;
	v21 =	vld.idx.msk [tilespmem:v21+s4+$0x0], $0xffff  }
0x25f: {  	v62 =	vor.u32 v1, v13;
	v63 =	vld.idx.msk [tilespmem:v26+s4+$0x0], $0xffff;
	[tilespmem:s26+$0x70] =	vst v18  }
0x260: {  	v14 =	vshll.u32 v17, $0x7;
	v25 =	vld.idx.msk [tilespmem:v25+s4+$0x0], $0xffff;
	v18 =	vor.u32 v3, v9;
	[tilespmem:s26+$0xFFFFFF60] =	vst v22  }
0x261: {  	s28 =	simm.s32 $0x14200;
	[tilespmem:s26+$0xD0] =	vst v20;
	v22 =	vor.u32 v0, v14;
	v28 =	vld.idx.msk [tilespmem:v28+s4+$0x0], $0xffff  }
0x262: {  	v32 =	vor.u32 v1, v12;
	[tilespmem:s28+$0xFFFFFF80] =	vst v29;
	v24 =	vld.idx.msk [tilespmem:v23+s4+$0x0], $0xffff  }
0x263: {  	v20 =	vld.idx.msk [tilespmem:v27+s4+$0x0], $0xffff;
	[tilespmem:s28+$0x0] =	vst v19;
	v27 =	vor.u32 v6, v11  }
0x264: {  	v26 =	vor.u32 v7, v16;
	[tilespmem:s25+$0x50] =	vst v21;
	v19 =	vld.idx.msk [tilespmem:v62+s4+$0x0], $0xffff  }
0x265: {  	[tilespmem:s28+$0xFFFFFF00] =	vst v25;
	v18 =	vld.idx.msk [tilespmem:v18+s4+$0x0], $0xffff;
	v25 =	vor.u32 v2, v15  }
0x266: {  	[tilespmem:s25+$0xFFFFFFD0] =	vst v63;
	v23 =	vld.idx.msk [tilespmem:v22+s4+$0x0], $0xffff;
	v22 =	vor.u32 v6, v10  }
0x267: {  	s24 =	sor.u32 $0x3, s24;
	s29 =	simm.s32 $0x8;
	v17 =	vor.u32 v1, v14;
	v16 =	vor.u32 v2, v13;
	v21 =	vld.idx.msk [tilespmem:v32+s4+$0x0], $0xffff;
	[tilespmem:s26+$0xFFFFFF70] =	vst v28  }
.LBB2_9:
0x268: {  	s0 =	sadd.s32 s29, s22;
	s29 =	sadd.s32 $0x4, s29;
	v28 =	vor.u32 v4, v8;
	v27 =	vld.idx.msk [tilespmem:v27+s4+$0x0], $0xffff;
	[tilespmem:s26+$0xE0] =	vst v24  }
0x269: {  	v24 =	vor.u32 v2, v12;
	s1 =	sadd.s32 $0x184, s0;
	s2 =	sadd.s32 $0x185, s0;
	s30 =	sadd.s32 $0x186, s0;
	[tilespmem:s28+$0xFFFFFF90] =	vst v20;
	v20 =	vor.u32 v7, v11;
	v26 =	vld.idx.msk [tilespmem:v26+s4+$0x0], $0xffff;
	v11 =	vmov v15  }
0x26a: {  	s0 =	sadd.s32 $0x187, s0;
	p0 =	slt.u32 s29, $0x7C;
	v15 =	vmov s1;
	v29 =	vmov s2;
	v30 =	vmov s30;
	v25 =	vld.idx.msk [tilespmem:v25+s4+$0x0], $0xffff  }
0x26b: {  	v15 =	vand.u32 $0xFFFFFFFC, v15;
	v29 =	vand.u32 $0xFFFFFFFD, v29;
	v30 =	vand.u32 $0xFFFFFFFE, v30;
	[tilespmem:s28+$0x10] =	vst v19;
	v19 =	vld.idx.msk [tilespmem:v22+s4+$0x0], $0xffff  }
0x26c: {  	v22 =	vor.u32 v3, v11;
	v15 =	vbroadcast v15, $0x0;
	v16 =	vld.idx.msk [tilespmem:v16+s4+$0x0], $0xffff;
	[tilespmem:s28+$0x80] =	vst v23  }
0x26d: {  	v23 =	vbroadcast v29, $0x0;
	[tilespmem:s28+$0xFFFFFF10] =	vst v21;
	v17 =	vld.idx.msk [tilespmem:v17+s4+$0x0], $0xffff  }
0x26e: {  	v29 =	vor.u32 v3, v13;
	v21 =	vbroadcast v30, $0x0;
	v24 =	vld.idx.msk [tilespmem:v24+s4+$0x0], $0xffff;
	[tilespmem:s25+$0xFFFFFFE0] =	vst v27  }
0x26f: {  	v27 =	vld.idx.msk [tilespmem:v28+s4+$0x0], $0xffff;
	[tilespmem:s26+$0xF0] =	vst v26;
	s26 =	smov.u32 s25;
	s25 =	smov.u32 s28  }
0x270: {  	[tilespmem:s28+$0xFFFFFFA0] =	vst v25;
	v20 =	vld.idx.msk [tilespmem:v20+s4+$0x0], $0xffff  }
0x271: {  	v22 =	vld.idx.msk [tilespmem:v22+s4+$0x0], $0xffff;
	[tilespmem:s26+$0xB0] =	vst v18;
	v18 =	vor.u32 v4, v9  }
0x272: {  	v15 =	vld.idx.msk [tilespmem:v15+s10+$0x0], $0xffff;
	[tilespmem:s28+$0x20] =	vst v16;
	v16 =	vor.u32 v5, v8  }
0x273: {  	v25 =	vor.u32 v3, v12;
	v26 =	vld.idx.msk [tilespmem:v29+s4+$0x0], $0xffff;
	[tilespmem:s26+$0x60] =	vst v19  }
0x274: {  	v19 =	vld.idx.msk [tilespmem:v23+s10+$0x0], $0xffff;
	[tilespmem:s28+$0xFFFFFF20] =	vst v24;
	v23 =	vor.u32 v2, v14  }
0x275: {  	v24 =	vor.u32 v4, v13;
	v21 =	vld.idx.msk [tilespmem:v21+s10+$0x0], $0xffff;
	[tilespmem:s26+$0xFFFFFF40] =	vst v27  }
0x276: {  	v27 =	vmov s0;
	[tilespmem:s26+$0xFFFFFFF0] =	vst v20;
	v18 =	vld.idx.msk [tilespmem:v18+s4+$0x0], $0xffff  }
0x277: {  	v20 =	vor.u32 v4, v11;
	[tilespmem:s28+$0xFFFFFFB0] =	vst v22;
	v16 =	vld.idx.msk [tilespmem:v16+s4+$0x0], $0xffff  }
0x278: {  	v28 =	vor.u32 v7, v10;
	v22 =	vshll.u32 v15, $0x7;
	v25 =	vld.idx.msk [tilespmem:v25+s4+$0x0], $0xffff;
	[tilespmem:s28+$0x90] =	vst v17;
	v17 =	vor.u32 v6, v8  }
0x279: {  	v10 =	vmov v13;
	v29 =	vor.u32 v0, v22;
	[tilespmem:s28+$0x30] =	vst v26;
	v23 =	vld.idx.msk [tilespmem:v23+s4+$0x0], $0xffff;
	v26 =	vor.u32 v5, v9  }
0x27a: {  	v15 =	vshll.u32 v19, $0x7;
	v19 =	vld.idx.msk [tilespmem:v24+s4+$0x0], $0xffff  }
0x27b: {  	v24 =	vor.u32 v0, v15;
	v13 =	vshll.u32 v21, $0x7;
	v21 =	vld.idx.msk [tilespmem:v27+s10+$0x0], $0xffff  }
0x27c: {  	v27 =	vor.u32 v0, v13;
	v20 =	vld.idx.msk [tilespmem:v20+s4+$0x0], $0xffff;
	[tilespmem:s26+$0xC0] =	vst v18  }
0x27d: {  	v18 =	vor.u32 v5, v10;
	[tilespmem:s26+$0xFFFFFF50] =	vst v16;
	v16 =	vld.idx.msk [tilespmem:v28+s4+$0x0], $0xffff  }
0x27e: {  	[tilespmem:s28+$0xFFFFFF30] =	vst v25;
	v25 =	vld.idx.msk [tilespmem:v17+s4+$0x0], $0xffff  }
0x27f: {  	v30 =	vor.u32 v7, v8;
	v8 =	vmovc v12;
	v12 =	vmov v22;
	v28 =	vor.u32 v5, v11;
	v26 =	vld.idx.msk [tilespmem:v26+s4+$0x0], $0xffff  }
0x280: {  	v31 =	vor.u32 v1, v12;
	v22 =	vld.idx.msk [tilespmem:v24+s4+$0x0], $0xffff;
	[tilespmem:s28+$0x40] =	vst v19;
	v19 =	vor.u32 v6, v9  }
0x281: {  	v21 =	vshll.u32 v21, $0x7;
	v27 =	vld.idx.msk [tilespmem:v27+s4+$0x0], $0xffff;
	[tilespmem:s28+$0xA0] =	vst v23  }
0x282: {  	v23 =	vor.u32 v1, v15;
	v17 =	vor.u32 v1, v21;
	[tilespmem:s28+$0xFFFFFFC0] =	vst v20;
	v18 =	vld.idx.msk [tilespmem:v18+s4+$0x0], $0xffff  }
0x283: {  	v32 =	vor.u32 v1, v13;
	s28 =	sadd.s32 $0x200, s28;
	v29 =	vld.idx.msk [tilespmem:v29+s4+$0x0], $0xffff;
	[tilespmem:s26+$0x70] =	vst v16  }
0x284: {  	v16 =	vor.u32 v3, v14;
	v28 =	vld.idx.msk [tilespmem:v28+s4+$0x0], $0xffff;
	[tilespmem:s26+$0xFFFFFF60] =	vst v25  }
0x285: {  	v33 =	vor.u32 v0, v21;
	v30 =	vld.idx.msk [tilespmem:v30+s4+$0x0], $0xffff;
	[tilespmem:s26+$0xD0] =	vst v26  }
0x286: {  	[tilespmem:s28+$0xFFFFFF80] =	vst v22;
	v24 =	vld.idx.msk [tilespmem:v19+s4+$0x0], $0xffff  }
.Ltmp3:
0x287: {  	v26 =	vor.u32 v7, v9;
	v9 =	vmov v14;
	v20 =	vld.idx.msk [tilespmem:v23+s4+$0x0], $0xffff;
	[tilespmem:s28+$0x0] =	vst v27;
	v27 =	vor.u32 v6, v11;
	(pc) =	sbr.rel @p0 .LBB2_9-.Ltmp3, $4  }
0x288: {  	v14 =	vmov v21;
	v19 =	vld.idx.msk [tilespmem:v32+s4+$0x0], $0xffff;
	[tilespmem:s25+$0x50] =	vst v18  }
0x289: {  	v25 =	vor.u32 v2, v15;
	[tilespmem:s28+$0xFFFFFF00] =	vst v29;
	v18 =	vld.idx.msk [tilespmem:v16+s4+$0x0], $0xffff  }
0x28a: {  	v22 =	vor.u32 v6, v10;
	v16 =	vor.u32 v2, v13;
	v23 =	vld.idx.msk [tilespmem:v33+s4+$0x0], $0xffff;
	[tilespmem:s25+$0xFFFFFFD0] =	vst v28  }
0x28b: {  	v21 =	vld.idx.msk [tilespmem:v31+s4+$0x0], $0xffff;
	[tilespmem:s26+$0xFFFFFF70] =	vst v30  }
0x28c: {  	_ =	sdelay $0x2  }
0x28d: {  	[tilespmem:s26+$0xE0] =	vst v24  }
0x28e: {  	v27 =	vld.idx.msk [tilespmem:v27+s4+$0x0], $0xffff;
	[tilespmem:s28+$0x80] =	vst v23  }
0x28f: {  	v61 =	vor.u32 v2, v12;
	[tilespmem:s28+$0xFFFFFF90] =	vst v20;
	v17 =	vld.idx.msk [tilespmem:v17+s4+$0x0], $0xffff  }
0x290: {  	v62 =	vor.u32 v2, v14;
	v28 =	vld.idx.msk [tilespmem:v22+s4+$0x0], $0xffff;
	[tilespmem:s28+$0x10] =	vst v19  }
0x291: {  	v63 =	vor.u32 v4, v8;
	v24 =	vld.idx.msk [tilespmem:v26+s4+$0x0], $0xffff;
	[tilespmem:s25+$0xB0] =	vst v18  }
0x292: {  	v34 =	vor.u32 v4, v9;
	v20 =	vld.idx.msk [tilespmem:v25+s4+$0x0], $0xffff;
	[tilespmem:s28+$0xFFFFFF10] =	vst v21  }
0x293: {  	v29 =	vor.u32 v3, v15;
	v16 =	vld.idx.msk [tilespmem:v16+s4+$0x0], $0xffff;
	[tilespmem:s25+$0xFFFFFFE0] =	vst v27  }
0x294: {  	v30 =	vor.u32 v3, v13;
	v23 =	vld.idx.msk [tilespmem:v61+s4+$0x0], $0xffff;
	[tilespmem:s28+$0x90] =	vst v17  }
0x295: {  	v31 =	vor.u32 v3, v12;
	[tilespmem:s25+$0x60] =	vst v28;
	v19 =	vld.idx.msk [tilespmem:v62+s4+$0x0], $0xffff  }
0x296: {  	v33 =	vor.u32 v3, v14;
	v32 =	vld.idx.msk [tilespmem:v63+s4+$0x0], $0xffff;
	[tilespmem:s26+$0xF0] =	vst v24  }
0x297: {  	v11 =	vor.u32 v7, v11;
	v41 =	vld.idx.msk [tilespmem:v34+s4+$0x0], $0xffff;
	[tilespmem:s28+$0xFFFFFFA0] =	vst v20  }
0x298: {  	v10 =	vor.u32 v7, v10;
	[tilespmem:s28+$0x20] =	vst v16;
	v35 =	vld.idx.msk [tilespmem:v29+s4+$0x0], $0xffff  }
0x299: {  	v38 =	vor.u32 v4, v15;
	v37 =	vld.idx.msk [tilespmem:v30+s4+$0x0], $0xffff;
	[tilespmem:s28+$0xFFFFFF20] =	vst v23  }
0x29a: {  	v39 =	vor.u32 v4, v13;
	v17 =	vld.idx.msk [tilespmem:v31+s4+$0x0], $0xffff;
	[tilespmem:s28+$0xA0] =	vst v19  }
0x29b: {  	v40 =	vor.u32 v4, v12;
	[tilespmem:s25+$0xFFFFFF40] =	vst v32;
	v18 =	vld.idx.msk [tilespmem:v33+s4+$0x0], $0xffff  }
0x29c: {  	v42 =	vor.u32 v4, v14;
	v11 =	vld.idx.msk [tilespmem:v11+s4+$0x0], $0xffff;
	[tilespmem:s25+$0xC0] =	vst v41  }
0x29d: {  	v36 =	vor.u32 v5, v8;
	v10 =	vld.idx.msk [tilespmem:v10+s4+$0x0], $0xffff;
	[tilespmem:s28+$0xFFFFFFB0] =	vst v35  }
0x29e: {  	v44 =	vor.u32 v5, v9;
	[tilespmem:s28+$0x30] =	vst v37;
	v45 =	vld.idx.msk [tilespmem:v38+s4+$0x0], $0xffff  }
0x29f: {  	v47 =	vor.u32 v5, v15;
	v46 =	vld.idx.msk [tilespmem:v39+s4+$0x0], $0xffff;
	[tilespmem:s28+$0xFFFFFF30] =	vst v17  }
0x2a0: {  	v48 =	vor.u32 v5, v13;
	v19 =	vld.idx.msk [tilespmem:v40+s4+$0x0], $0xffff;
	[tilespmem:s28+$0xB0] =	vst v18  }
0x2a1: {  	v49 =	vor.u32 v5, v12;
	[tilespmem:s25+$0xFFFFFFF0] =	vst v11;
	v18 =	vld.idx.msk [tilespmem:v42+s4+$0x0], $0xffff  }
0x2a2: {  	v50 =	vor.u32 v5, v14;
	v43 =	vld.idx.msk [tilespmem:v36+s4+$0x0], $0xffff;
	[tilespmem:s25+$0x70] =	vst v10  }
0x2a3: {  	v51 =	vor.u32 v6, v8;
	v21 =	vld.idx.msk [tilespmem:v44+s4+$0x0], $0xffff;
	[tilespmem:s28+$0xFFFFFFC0] =	vst v45  }
0x2a4: {  	v52 =	vor.u32 v6, v9;
	[tilespmem:s28+$0x40] =	vst v46;
	v17 =	vld.idx.msk [tilespmem:v47+s4+$0x0], $0xffff  }
0x2a5: {  	v53 =	vor.u32 v6, v15;
	v23 =	vld.idx.msk [tilespmem:v48+s4+$0x0], $0xffff;
	[tilespmem:s28+$0xFFFFFF40] =	vst v19  }
0x2a6: {  	v54 =	vor.u32 v6, v13;
	v11 =	vld.idx.msk [tilespmem:v49+s4+$0x0], $0xffff;
	[tilespmem:s28+$0xC0] =	vst v18  }
0x2a7: {  	v55 =	vor.u32 v6, v12;
	[tilespmem:s25+$0xFFFFFF50] =	vst v43;
	v16 =	vld.idx.msk [tilespmem:v50+s4+$0x0], $0xffff  }
0x2a8: {  	v57 =	vor.u32 v6, v14;
	[tilespmem:s25+$0xD0] =	vst v21;
	v56 =	vld.idx.msk [tilespmem:v51+s4+$0x0], $0xffff  }
0x2a9: {  	v8 =	vor.u32 v7, v8;
	v21 =	vld.idx.msk [tilespmem:v52+s4+$0x0], $0xffff;
	[tilespmem:s28+$0xFFFFFFD0] =	vst v17  }
0x2aa: {  	v58 =	vor.u32 v7, v9;
	[tilespmem:s28+$0x50] =	vst v23;
	v17 =	vld.idx.msk [tilespmem:v53+s4+$0x0], $0xffff  }
0x2ab: {  	v59 =	vor.u32 v7, v15;
	v19 =	vld.idx.msk [tilespmem:v54+s4+$0x0], $0xffff;
	[tilespmem:s28+$0xFFFFFF50] =	vst v11  }
0x2ac: {  	v60 =	vor.u32 v7, v13;
	v10 =	vld.idx.msk [tilespmem:v55+s4+$0x0], $0xffff;
	[tilespmem:s28+$0xD0] =	vst v16  }
0x2ad: {  	v61 =	vor.u32 v7, v12;
	[tilespmem:s25+$0xFFFFFF60] =	vst v56;
	v62 =	vld.idx.msk [tilespmem:v57+s4+$0x0], $0xffff  }
0x2ae: {  	v63 =	vor.u32 v7, v14;
	[tilespmem:s25+$0xE0] =	vst v21;
	v8 =	vld.idx.msk [tilespmem:v8+s4+$0x0], $0xffff  }
0x2af: {  	v9 =	vld.idx.msk [tilespmem:v58+s4+$0x0], $0xffff;
	[tilespmem:s28+$0xFFFFFFE0] =	vst v17  }
0x2b0: {  	v15 =	vld.idx.msk [tilespmem:v59+s4+$0x0], $0xffff;
	[tilespmem:s28+$0x60] =	vst v19  }
0x2b1: {  	v11 =	vld.idx.msk [tilespmem:v60+s4+$0x0], $0xffff;
	[tilespmem:s28+$0xFFFFFF60] =	vst v10  }
0x2b2: {  	v10 =	vld.idx.msk [tilespmem:v61+s4+$0x0], $0xffff;
	[tilespmem:s28+$0xE0] =	vst v62  }
0x2b3: {  	s23 =	sadd.s32 $0x1, s23;
	[tilespmem:s25+$0xFFFFFF70] =	vst v8;
	v8 =	vld.idx.msk [tilespmem:v63+s4+$0x0], $0xffff  }
0x2b4: {  	p0 =	sne.s32 s23, $0xC;
	[tilespmem:s25+$0xF0] =	vst v9  }
.Ltmp4:
0x2b5: {  	s0 =	sshll.u32 s24, $0xE;
	[tilespmem:s28+$0xFFFFFFF0] =	vst v15;
	(pc) =	sbr.rel @p0 .LBB2_2-.Ltmp4, $4  }
0x2b6: {  	s0 =	sadd.s32 s5, s0;
	[tilespmem:s28+$0x70] =	vst v11  }
0x2b7: {  	s0 =	sshrl.u32 s0, $0x3;
	[tilespmem:s28+$0xFFFFFF70] =	vst v10  }
0x2b8: {  	s22 =	sadd.s32 $0x200, s22;
	s0 =	sadd.s32 s3, s0;
	[tilespmem:s28+$0xF0] =	vst v8  }
0x2b9: {  	[hbm4b:s0+s4] =	stream.linear.scatter [tilespmem:s16], [sflag:$0x4], $0x4000, $0x38;
	[tilespmem:$0x17D00] =	vst v63  }
0x2ba: {  	s0 =	simm.s32 $0x1802  }
0x2bb: {  	s1 =	simm.s32 $0x1800;
	v8 =	vmov s0  }
0x2bc: {  	v9 =	vmov s1;
	s1 =	simm.s32 $0x1801;
	v8 =	vand.u32 $0xFFFFFFFE, v8  }
0x2bd: {  	v9 =	vand.u32 $0xFFFFFFFC, v9;
	v10 =	vmov s1;
	v8 =	vbroadcast v8, $0x0  }
0x2be: {  	v9 =	vbroadcast v9, $0x0;
	v10 =	vand.u32 $0xFFFFFFFD, v10  }
0x2bf: {  	v10 =	vbroadcast v10, $0x0  }
0x2c0: {  	_ =	swait.ge [sflag:s17], $0x4000;
	s2 =	simm.s32 $0x1803  }
0x2c1: {  	[sflag:s17] =	ssyncset.done $0x0;
	v11 =	vmov s2  }
0x2c2: {  	[sflag:s17] =	ssyncadd.s32 $0xFFFFC000  }
0x2c3: {  	v8 =	vld.idx.msk [tilespmem:v8+s10+$0x0], $0xffff  }
0x2c4: {  	v9 =	vld.idx.msk [tilespmem:v9+s10+$0x0], $0xffff  }
0x2c5: {  	v10 =	vld.idx.msk [tilespmem:v10+s10+$0x0], $0xffff  }
0x2c6: {  	v11 =	vld.idx.msk [tilespmem:v11+s10+$0x0], $0xffff;
	_ =	sdelay $0x1  }
0x2c7: {  	v15 =	vshll.u32 v8, $0x7  }
0x2c8: {  	v14 =	vshll.u32 v9, $0x7;
	v8 =	vor.u32 v0, v15  }
0x2c9: {  	v9 =	vor.u32 v0, v14;
	v13 =	vshll.u32 v10, $0x7  }
0x2ca: {  	v12 =	vshll.u32 v11, $0x7;
	v10 =	vor.u32 v0, v13  }
0x2cb: {  	v11 =	vor.u32 v0, v12;
	_ =	sdelay $0x1  }
0x2cc: {  	v8 =	vld.idx.msk [tilespmem:v8+s4+$0x0], $0xffff  }
0x2cd: {  	v16 =	vor.u32 v1, v15;
	v9 =	vld.idx.msk [tilespmem:v9+s4+$0x0], $0xffff  }
0x2ce: {  	v17 =	vor.u32 v1, v14;
	v10 =	vld.idx.msk [tilespmem:v10+s4+$0x0], $0xffff  }
0x2cf: {  	v18 =	vor.u32 v1, v13;
	v11 =	vld.idx.msk [tilespmem:v11+s4+$0x0], $0xffff  }
0x2d0: {  	s23 =	simm.s32 $0x7E00;
	s29 =	simm.s32 $0x180B;
	v19 =	vor.u32 v1, v12  }
0x2d1: {  	s22 =	simm.s32 $0x1807;
	v28 =	vmov s29;
	[tilespmem:s23+$0x0] =	vst v8  }
0x2d2: {  	v8 =	vmov s22;
	[tilespmem:s23+$0xFFFFFF00] =	vst v9;
	v9 =	vld.idx.msk [tilespmem:v16+s4+$0x0], $0xffff  }
0x2d3: {  	s24 =	simm.s32 $0x1804;
	v17 =	vld.idx.msk [tilespmem:v17+s4+$0x0], $0xffff;
	[tilespmem:s23+$0xFFFFFF80] =	vst v10;
	v10 =	vor.u32 v2, v15  }
0x2d4: {  	s25 =	simm.s32 $0x1805;
	v20 =	vor.u32 v2, v14;
	[tilespmem:s23+$0x80] =	vst v11;
	v16 =	vmov s24;
	v18 =	vld.idx.msk [tilespmem:v18+s4+$0x0], $0xffff  }
0x2d5: {  	v21 =	vmov s25;
	v11 =	vor.u32 v2, v13;
	v19 =	vld.idx.msk [tilespmem:v19+s4+$0x0], $0xffff;
	v16 =	vand.u32 $0xFFFFFFFC, v16  }
0x2d6: {  	v21 =	vand.u32 $0xFFFFFFFD, v21;
	v28 =	vld.idx.msk [tilespmem:v28+s10+$0x0], $0xffff;
	v22 =	vor.u32 v2, v12;
	v16 =	vbroadcast v16, $0x0  }
0x2d7: {  	v8 =	vld.idx.msk [tilespmem:v8+s10+$0x0], $0xffff;
	[tilespmem:s23+$0x10] =	vst v9;
	v9 =	vbroadcast v21, $0x0  }
0x2d8: {  	s26 =	simm.s32 $0x1806;
	[tilespmem:s23+$0xFFFFFF10] =	vst v17;
	v10 =	vld.idx.msk [tilespmem:v10+s4+$0x0], $0xffff  }
0x2d9: {  	v17 =	vld.idx.msk [tilespmem:v20+s4+$0x0], $0xffff;
	[tilespmem:s23+$0xFFFFFF90] =	vst v18;
	v18 =	vmov s26;
	v20 =	vor.u32 v3, v15  }
0x2da: {  	s28 =	simm.s32 $0x1808;
	[tilespmem:s23+$0x90] =	vst v19;
	v21 =	vor.u32 v3, v14;
	v11 =	vld.idx.msk [tilespmem:v11+s4+$0x0], $0xffff;
	v18 =	vand.u32 $0xFFFFFFFE, v18  }
0x2db: {  	v26 =	vmov s28;
	v19 =	vor.u32 v3, v13;
	v22 =	vld.idx.msk [tilespmem:v22+s4+$0x0], $0xffff;
	v18 =	vbroadcast v18, $0x0  }
0x2dc: {  	v26 =	vand.u32 $0xFFFFFFFC, v26;
	v16 =	vld.idx.msk [tilespmem:v16+s10+$0x0], $0xffff  }
0x2dd: {  	v26 =	vbroadcast v26, $0x0;
	v9 =	vld.idx.msk [tilespmem:v9+s10+$0x0], $0xffff;
	[tilespmem:s23+$0x20] =	vst v10;
	v10 =	vor.u32 v3, v12  }
0x2de: {  	v8 =	vshll.u32 v8, $0x7;
	[tilespmem:s23+$0xFFFFFF20] =	vst v17;
	v17 =	vld.idx.msk [tilespmem:v20+s4+$0x0], $0xffff  }
0x2df: {  	v24 =	vor.u32 v0, v8;
	v20 =	vld.idx.msk [tilespmem:v21+s4+$0x0], $0xffff;
	[tilespmem:s23+$0xFFFFFFA0] =	vst v11  }
0x2e0: {  	v11 =	vor.u32 v4, v15;
	v19 =	vld.idx.msk [tilespmem:v19+s4+$0x0], $0xffff  }
0x2e1: {  	[tilespmem:s23+$0xA0] =	vst v22;
	v21 =	vor.u32 v4, v14;
	v18 =	vld.idx.msk [tilespmem:v18+s10+$0x0], $0xffff  }
0x2e2: {  	v22 =	vor.u32 v4, v13;
	v23 =	vld.idx.msk [tilespmem:v10+s4+$0x0], $0xffff  }
0x2e3: {  	v26 =	vld.idx.msk [tilespmem:v26+s10+$0x0], $0xffff;
	v10 =	vshll.u32 v16, $0x7;
	v16 =	vor.u32 v4, v12  }
0x2e4: {  	v24 =	vld.idx.msk [tilespmem:v24+s4+$0x0], $0xffff;
	v9 =	vshll.u32 v9, $0x7;
	[tilespmem:s23+$0x30] =	vst v17;
	v17 =	vor.u32 v0, v10  }
0x2e5: {  	[tilespmem:s23+$0xFFFFFF30] =	vst v20;
	v25 =	vor.u32 v0, v9;
	v20 =	vld.idx.msk [tilespmem:v11+s4+$0x0], $0xffff  }
0x2e6: {  	v21 =	vld.idx.msk [tilespmem:v21+s4+$0x0], $0xffff;
	[tilespmem:s23+$0xFFFFFFB0] =	vst v19;
	v19 =	vor.u32 v5, v15;
	v11 =	vshll.u32 v18, $0x7  }
0x2e7: {  	v18 =	vld.idx.msk [tilespmem:v22+s4+$0x0], $0xffff;
	v22 =	vor.u32 v0, v11;
	[tilespmem:s23+$0xB0] =	vst v23  }
0x2e8: {  	v23 =	vor.u32 v5, v14;
	v16 =	vld.idx.msk [tilespmem:v16+s4+$0x0], $0xffff  }
0x2e9: {  	v30 =	vor.u32 v1, v8;
	v17 =	vld.idx.msk [tilespmem:v17+s4+$0x0], $0xffff  }
0x2ea: {  	v27 =	vor.u32 v5, v13;
	s22 =	simm.s32 $0x8000;
	v25 =	vld.idx.msk [tilespmem:v25+s4+$0x0], $0xffff;
	[tilespmem:s23+$0x40] =	vst v20  }
0x2eb: {  	[tilespmem:s22+$0x80] =	vst v24;
	v20 =	vor.u32 v5, v12;
	v19 =	vld.idx.msk [tilespmem:v19+s4+$0x0], $0xffff  }
0x2ec: {  	[tilespmem:s23+$0xFFFFFF40] =	vst v21;
	v21 =	vld.idx.msk [tilespmem:v22+s4+$0x0], $0xffff;
	v22 =	vor.u32 v6, v15  }
0x2ed: {  	[tilespmem:s23+$0xFFFFFFC0] =	vst v18;
	v18 =	vld.idx.msk [tilespmem:v23+s4+$0x0], $0xffff;
	v23 =	vor.u32 v1, v11  }
0x2ee: {  	v29 =	vor.u32 v1, v9;
	v60 =	vld.idx.msk [tilespmem:v30+s4+$0x0], $0xffff;
	[tilespmem:s23+$0xC0] =	vst v16  }
0x2ef: {  	v27 =	vld.idx.msk [tilespmem:v27+s4+$0x0], $0xffff;
	v16 =	vor.u32 v1, v10;
	[tilespmem:s22+$0xFFFFFF00] =	vst v17  }
0x2f0: {  	v61 =	vor.u32 v2, v8;
	v20 =	vld.idx.msk [tilespmem:v20+s4+$0x0], $0xffff;
	[tilespmem:s23+$0x50] =	vst v19  }
0x2f1: {  	v19 =	vor.u32 v6, v14;
	[tilespmem:s22+$0x0] =	vst v21;
	v21 =	vld.idx.msk [tilespmem:v22+s4+$0x0], $0xffff  }
0x2f2: {  	[tilespmem:s22+$0xFFFFFF80] =	vst v25;
	v22 =	vor.u32 v6, v13;
	v17 =	vld.idx.msk [tilespmem:v23+s4+$0x0], $0xffff  }
0x2f3: {  	v15 =	vor.u32 v7, v15;
	[tilespmem:s22+$0x90] =	vst v60;
	v23 =	vld.idx.msk [tilespmem:v29+s4+$0x0], $0xffff  }
0x2f4: {  	v25 =	vor.u32 v2, v11;
	[tilespmem:s23+$0xFFFFFFD0] =	vst v27;
	v16 =	vld.idx.msk [tilespmem:v16+s4+$0x0], $0xffff  }
0x2f5: {  	s30 =	simm.s32 $0x1809;
	[tilespmem:s23+$0xFFFFFF50] =	vst v18;
	v18 =	vor.u32 v2, v9;
	v29 =	vld.idx.msk [tilespmem:v61+s4+$0x0], $0xffff  }
0x2f6: {  	v24 =	vor.u32 v2, v10;
	v27 =	vmov s30;
	v19 =	vld.idx.msk [tilespmem:v19+s4+$0x0], $0xffff;
	[tilespmem:s23+$0x60] =	vst v21  }
0x2f7: {  	v14 =	vor.u32 v7, v14;
	v22 =	vld.idx.msk [tilespmem:v22+s4+$0x0], $0xffff;
	v21 =	vand.u32 $0xFFFFFFFD, v27;
	[tilespmem:s22+$0x10] =	vst v17  }
0x2f8: {  	s31 =	simm.s32 $0x180A;
	v15 =	vld.idx.msk [tilespmem:v15+s4+$0x0], $0xffff;
	v17 =	vor.u32 v6, v12;
	v21 =	vbroadcast v21, $0x0;
	[tilespmem:s22+$0xFFFFFF90] =	vst v23  }
0x2f9: {  	v23 =	vmov s31;
	[tilespmem:s22+$0xFFFFFF10] =	vst v16;
	v16 =	vld.idx.msk [tilespmem:v25+s4+$0x0], $0xffff  }
0x2fa: {  	[tilespmem:s23+$0xD0] =	vst v20;
	v18 =	vld.idx.msk [tilespmem:v18+s4+$0x0], $0xffff;
	v25 =	vor.u32 v3, v11;
	v23 =	vand.u32 $0xFFFFFFFE, v23  }
0x2fb: {  	v24 =	vld.idx.msk [tilespmem:v24+s4+$0x0], $0xffff;
	v20 =	vbroadcast v23, $0x0;
	v23 =	vor.u32 v3, v9;
	[tilespmem:s23+$0xFFFFFF60] =	vst v19  }
0x2fc: {  	v13 =	vor.u32 v7, v13;
	v62 =	vld.idx.msk [tilespmem:v14+s4+$0x0], $0xffff  }
0x2fd: {  	v27 =	vor.u32 v3, v10;
	[tilespmem:s23+$0xFFFFFFE0] =	vst v22;
	v17 =	vld.idx.msk [tilespmem:v17+s4+$0x0], $0xffff  }
0x2fe: {  	v31 =	vld.idx.msk [tilespmem:v21+s10+$0x0], $0xffff;
	[tilespmem:s22+$0x20] =	vst v16  }
0x2ff: {  	v14 =	vor.u32 v3, v8;
	[tilespmem:s22+$0xFFFFFFA0] =	vst v18;
	v16 =	vld.idx.msk [tilespmem:v25+s4+$0x0], $0xffff  }
0x300: {  	[tilespmem:s23+$0x70] =	vst v15;
	v18 =	vor.u32 v7, v12;
	v12 =	vshll.u32 v28, $0x7;
	v15 =	vld.idx.msk [tilespmem:v23+s4+$0x0], $0xffff  }
0x301: {  	[tilespmem:s22+$0xFFFFFF20] =	vst v24;
	v32 =	vor.u32 v0, v12;
	v23 =	vld.idx.msk [tilespmem:v13+s4+$0x0], $0xffff  }
0x302: {  	v24 =	vor.u32 v4, v11;
	v19 =	vld.idx.msk [tilespmem:v27+s4+$0x0], $0xffff  }
0x303: {  	[tilespmem:s22+$0xA0] =	vst v29;
	v27 =	vld.idx.msk [tilespmem:v20+s10+$0x0], $0xffff;
	v20 =	vor.u32 v4, v10  }
0x304: {  	v63 =	vor.u32 v4, v9;
	v29 =	vld.idx.msk [tilespmem:v14+s4+$0x0], $0xffff;
	[tilespmem:s23+$0xE0] =	vst v17  }
0x305: {  	v22 =	vor.u32 v4, v8;
	v14 =	vshll.u32 v26, $0x7;
	[tilespmem:s23+$0xFFFFFF70] =	vst v62;
	v21 =	vld.idx.msk [tilespmem:v18+s4+$0x0], $0xffff  }
0x306: {  	v25 =	vor.u32 v0, v14;
	v13 =	vshll.u32 v31, $0x7;
	[tilespmem:s22+$0x30] =	vst v16;
	v16 =	vld.idx.msk [tilespmem:v32+s4+$0x0], $0xffff  }
0x307: {  	[tilespmem:s22+$0xFFFFFF30] =	vst v19;
	v19 =	vld.idx.msk [tilespmem:v24+s4+$0x0], $0xffff;
	v24 =	vor.u32 v0, v13  }
0x308: {  	v18 =	vor.u32 v5, v11;
	[tilespmem:s22+$0xFFFFFFB0] =	vst v15;
	v15 =	vshll.u32 v27, $0x7;
	v20 =	vld.idx.msk [tilespmem:v20+s4+$0x0], $0xffff  }
0x309: {  	s24 =	simm.s32 $0x8;
	v17 =	vld.idx.msk [tilespmem:v63+s4+$0x0], $0xffff;
	v26 =	vor.u32 v0, v15;
	[tilespmem:s22+$0xB0] =	vst v29  }
.LBB2_12:
0x30a: {  	s0 =	sadd.s32 $0x1804, s24;
	v27 =	vor.u32 v5, v10;
	v22 =	vld.idx.msk [tilespmem:v22+s4+$0x0], $0xffff;
	[tilespmem:s23+$0xFFFFFFF0] =	vst v23  }
0x30b: {  	v28 =	vor.u32 v5, v9;
	v23 =	vmov s0;
	v25 =	vld.idx.msk [tilespmem:v25+s4+$0x0], $0xffff;
	[tilespmem:s23+$0xF0] =	vst v21;
	s23 =	smov.u32 s22  }
0x30c: {  	s0 =	sadd.s32 $0x1807, s24;
	v21 =	vand.u32 $0xFFFFFFFC, v23;
	v23 =	vld.idx.msk [tilespmem:v24+s4+$0x0], $0xffff;
	[tilespmem:s22+$0x40] =	vst v19;
	v19 =	vor.u32 v5, v8  }
0x30d: {  	v24 =	vmov s0;
	v21 =	vbroadcast v21, $0x0;
	[tilespmem:s22+$0xFFFFFF40] =	vst v20;
	v18 =	vld.idx.msk [tilespmem:v18+s4+$0x0], $0xffff  }
0x30e: {  	v20 =	vld.idx.msk [tilespmem:v26+s4+$0x0], $0xffff;
	[tilespmem:s22+$0xFFFFFFC0] =	vst v17  }
0x30f: {  	v26 =	vor.u32 v6, v11;
	v17 =	vld.idx.msk [tilespmem:v27+s4+$0x0], $0xffff  }
0x310: {  	v27 =	vor.u32 v1, v15;
	v28 =	vld.idx.msk [tilespmem:v28+s4+$0x0], $0xffff;
	[tilespmem:s22+$0xC0] =	vst v22  }
0x311: {  	v22 =	vor.u32 v1, v14;
	v19 =	vld.idx.msk [tilespmem:v19+s4+$0x0], $0xffff  }
0x312: {  	v29 =	vor.u32 v1, v13;
	v24 =	vld.idx.msk [tilespmem:v24+s10+$0x0], $0xffff  }
0x313: {  	v30 =	vor.u32 v1, v12;
	s22 =	sadd.s32 $0x200, s22;
	v21 =	vld.idx.msk [tilespmem:v21+s10+$0x0], $0xffff;
	[tilespmem:s23+$0x50] =	vst v18  }
0x314: {  	v18 =	vor.u32 v6, v10;
	[tilespmem:s22+$0x0] =	vst v20;
	v20 =	vld.idx.msk [tilespmem:v26+s4+$0x0], $0xffff  }
0x315: {  	v26 =	vor.u32 v6, v9;
	[tilespmem:s22+$0xFFFFFF00] =	vst v25;
	v25 =	vld.idx.msk [tilespmem:v27+s4+$0x0], $0xffff  }
0x316: {  	v22 =	vld.idx.msk [tilespmem:v22+s4+$0x0], $0xffff;
	[tilespmem:s22+$0xFFFFFF80] =	vst v23;
	v23 =	vor.u32 v7, v11;
	v11 =	vmov v15  }
0x317: {  	v15 =	vld.idx.msk [tilespmem:v29+s4+$0x0], $0xffff;
	v27 =	vor.u32 v2, v11;
	[tilespmem:s22+$0x80] =	vst v16  }
0x318: {  	v16 =	vor.u32 v2, v14;
	v29 =	vld.idx.msk [tilespmem:v30+s4+$0x0], $0xffff;
	[tilespmem:s23+$0xFFFFFF50] =	vst v17  }
0x319: {  	s0 =	sadd.s32 $0x1805, s24;
	v17 =	vor.u32 v2, v13;
	v18 =	vld.idx.msk [tilespmem:v18+s4+$0x0], $0xffff;
	[tilespmem:s23+$0xFFFFFFD0] =	vst v28  }
0x31a: {  	v30 =	vor.u32 v2, v12;
	v28 =	vmov s0;
	v26 =	vld.idx.msk [tilespmem:v26+s4+$0x0], $0xffff;
	[tilespmem:s23+$0x60] =	vst v20  }
0x31b: {  	v20 =	vand.u32 $0xFFFFFFFD, v28;
	[tilespmem:s22+$0x10] =	vst v25;
	v23 =	vld.idx.msk [tilespmem:v23+s4+$0x0], $0xffff;
	v25 =	vor.u32 v6, v8  }
0x31c: {  	v20 =	vbroadcast v20, $0x0;
	[tilespmem:s22+$0xFFFFFF10] =	vst v22;
	v22 =	vld.idx.msk [tilespmem:v27+s4+$0x0], $0xffff;
	v27 =	vor.u32 v7, v10;
	v10 =	vmov v14  }
0x31d: {  	s0 =	sadd.s32 $0x1806, s24;
	s24 =	sadd.s32 $0x4, s24;
	v14 =	vld.idx.msk [tilespmem:v16+s4+$0x0], $0xffff;
	[tilespmem:s22+$0xFFFFFF90] =	vst v15  }
0x31e: {  	p0 =	slt.u32 s24, $0x7C;
	v15 =	vmov s0;
	v16 =	vld.idx.msk [tilespmem:v17+s4+$0x0], $0xffff;
	v17 =	vor.u32 v3, v11;
	[tilespmem:s22+$0x90] =	vst v29  }
0x31f: {  	v28 =	vor.u32 v3, v10;
	v15 =	vand.u32 $0xFFFFFFFE, v15;
	v29 =	vld.idx.msk [tilespmem:v30+s4+$0x0], $0xffff;
	[tilespmem:s23+$0xD0] =	vst v19  }
0x320: {  	v15 =	vbroadcast v15, $0x0;
	v19 =	vor.u32 v3, v13;
	[tilespmem:s23+$0xFFFFFF60] =	vst v18;
	v18 =	vld.idx.msk [tilespmem:v25+s4+$0x0], $0xffff  }
0x321: {  	v25 =	vld.idx.msk [tilespmem:v27+s4+$0x0], $0xffff;
	[tilespmem:s23+$0x70] =	vst v23  }
0x322: {  	v20 =	vld.idx.msk [tilespmem:v20+s10+$0x0], $0xffff;
	[tilespmem:s22+$0x20] =	vst v22;
	v22 =	vor.u32 v3, v12  }
0x323: {  	[tilespmem:s22+$0xFFFFFF20] =	vst v14;
	v17 =	vld.idx.msk [tilespmem:v17+s4+$0x0], $0xffff;
	v14 =	vor.u32 v7, v9;
	v9 =	vmov v13  }
0x324: {  	v13 =	vor.u32 v7, v8;
	v8 =	vmov v12;
	v27 =	vld.idx.msk [tilespmem:v28+s4+$0x0], $0xffff;
	[tilespmem:s22+$0xFFFFFFA0] =	vst v16  }
0x325: {  	v16 =	vld.idx.msk [tilespmem:v19+s4+$0x0], $0xffff;
	v19 =	vor.u32 v4, v11;
	[tilespmem:s22+$0xA0] =	vst v29  }
0x326: {  	v28 =	vor.u32 v4, v10;
	v15 =	vld.idx.msk [tilespmem:v15+s10+$0x0], $0xffff;
	[tilespmem:s23+$0xFFFFFFE0] =	vst v26  }
0x327: {  	v12 =	vshll.u32 v24, $0x7;
	v26 =	vor.u32 v4, v9;
	v29 =	vld.idx.msk [tilespmem:v22+s4+$0x0], $0xffff;
	[tilespmem:s23+$0xE0] =	vst v18  }
0x328: {  	v30 =	vor.u32 v0, v12;
	[tilespmem:s23+$0xFFFFFF70] =	vst v25;
	v23 =	vld.idx.msk [tilespmem:v14+s4+$0x0], $0xffff  }
.Ltmp5:
0x329: {  	v22 =	vor.u32 v4, v8;
	v14 =	vshll.u32 v21, $0x7;
	[tilespmem:s22+$0x30] =	vst v17;
	v21 =	vld.idx.msk [tilespmem:v13+s4+$0x0], $0xffff;
	(pc) =	sbr.rel @p0 .LBB2_12-.Ltmp5, $4  }
0x32a: {  	v25 =	vor.u32 v0, v14;
	v13 =	vshll.u32 v20, $0x7;
	[tilespmem:s22+$0xFFFFFF30] =	vst v27;
	v19 =	vld.idx.msk [tilespmem:v19+s4+$0x0], $0xffff  }
0x32b: {  	v24 =	vor.u32 v0, v13;
	v20 =	vld.idx.msk [tilespmem:v28+s4+$0x0], $0xffff;
	[tilespmem:s22+$0xFFFFFFB0] =	vst v16  }
0x32c: {  	v18 =	vor.u32 v5, v11;
	v15 =	vshll.u32 v15, $0x7;
	v17 =	vld.idx.msk [tilespmem:v26+s4+$0x0], $0xffff  }
0x32d: {  	v26 =	vor.u32 v0, v15;
	v16 =	vld.idx.msk [tilespmem:v30+s4+$0x0], $0xffff;
	[tilespmem:s22+$0xB0] =	vst v29  }
0x32e: {  	_ =	sdelay $0x3  }
0x32f: {  	v26 =	vld.idx.msk [tilespmem:v26+s4+$0x0], $0xffff  }
0x330: {  	[tilespmem:s23+$0xFFFFFFF0] =	vst v23;
	v23 =	vld.idx.msk [tilespmem:v25+s4+$0x0], $0xffff;
	v25 =	vor.u32 v1, v15  }
0x331: {  	[tilespmem:s23+$0xF0] =	vst v21;
	v21 =	vld.idx.msk [tilespmem:v24+s4+$0x0], $0xffff;
	v24 =	vor.u32 v1, v14  }
0x332: {  	[tilespmem:s22+$0x40] =	vst v19;
	v19 =	vor.u32 v1, v13  }
0x333: {  	s31 =	sadd.s32 $0x200, s22;
	[tilespmem:s22+$0xFFFFFF40] =	vst v20;
	v20 =	vor.u32 v1, v12  }
0x334: {  	v22 =	vld.idx.msk [tilespmem:v22+s4+$0x0], $0xffff;
	[tilespmem:s31+$0x0] =	vst v26  }
0x335: {  	v26 =	vor.u32 v5, v10;
	[tilespmem:s31+$0xFFFFFF00] =	vst v23;
	v23 =	vld.idx.msk [tilespmem:v25+s4+$0x0], $0xffff  }
0x336: {  	[tilespmem:s31+$0xFFFFFF80] =	vst v21;
	v21 =	vor.u32 v2, v15;
	v24 =	vld.idx.msk [tilespmem:v24+s4+$0x0], $0xffff  }
0x337: {  	[tilespmem:s31+$0x80] =	vst v16;
	v16 =	vor.u32 v2, v14;
	v19 =	vld.idx.msk [tilespmem:v19+s4+$0x0], $0xffff  }
0x338: {  	[tilespmem:s22+$0xFFFFFFC0] =	vst v17;
	v17 =	vld.idx.msk [tilespmem:v20+s4+$0x0], $0xffff;
	v20 =	vor.u32 v2, v13  }
0x339: {  	v18 =	vld.idx.msk [tilespmem:v18+s4+$0x0], $0xffff;
	[tilespmem:s22+$0xC0] =	vst v22;
	v22 =	vor.u32 v2, v12  }
0x33a: {  	v25 =	vor.u32 v5, v9;
	v26 =	vld.idx.msk [tilespmem:v26+s4+$0x0], $0xffff;
	[tilespmem:s31+$0x10] =	vst v23  }
0x33b: {  	v23 =	vor.u32 v6, v11;
	[tilespmem:s31+$0xFFFFFF10] =	vst v24;
	v21 =	vld.idx.msk [tilespmem:v21+s4+$0x0], $0xffff  }
0x33c: {  	[tilespmem:s31+$0xFFFFFF90] =	vst v19;
	v19 =	vor.u32 v3, v15;
	v16 =	vld.idx.msk [tilespmem:v16+s4+$0x0], $0xffff  }
0x33d: {  	v20 =	vld.idx.msk [tilespmem:v20+s4+$0x0], $0xffff;
	[tilespmem:s31+$0x90] =	vst v17;
	v17 =	vor.u32 v3, v14  }
0x33e: {  	[tilespmem:s22+$0x50] =	vst v18;
	v18 =	vld.idx.msk [tilespmem:v22+s4+$0x0], $0xffff;
	v22 =	vor.u32 v3, v13  }
0x33f: {  	v24 =	vld.idx.msk [tilespmem:v25+s4+$0x0], $0xffff;
	v25 =	vor.u32 v3, v12;
	[tilespmem:s22+$0xFFFFFF50] =	vst v26  }
0x340: {  	v26 =	vor.u32 v5, v8;
	v23 =	vld.idx.msk [tilespmem:v23+s4+$0x0], $0xffff;
	[tilespmem:s31+$0x20] =	vst v21  }
0x341: {  	v21 =	vor.u32 v6, v10;
	[tilespmem:s31+$0xFFFFFF20] =	vst v16;
	v16 =	vld.idx.msk [tilespmem:v19+s4+$0x0], $0xffff  }
0x342: {  	[tilespmem:s31+$0xFFFFFFA0] =	vst v20;
	v17 =	vld.idx.msk [tilespmem:v17+s4+$0x0], $0xffff;
	v19 =	vor.u32 v4, v15  }
0x343: {  	v20 =	vld.idx.msk [tilespmem:v22+s4+$0x0], $0xffff;
	[tilespmem:s31+$0xA0] =	vst v18;
	v18 =	vor.u32 v4, v14  }
0x344: {  	[tilespmem:s22+$0xFFFFFFD0] =	vst v24;
	v22 =	vor.u32 v4, v13;
	v24 =	vld.idx.msk [tilespmem:v25+s4+$0x0], $0xffff  }
0x345: {  	v25 =	vld.idx.msk [tilespmem:v26+s4+$0x0], $0xffff;
	[tilespmem:s22+$0x60] =	vst v23;
	v23 =	vor.u32 v4, v12  }
0x346: {  	v11 =	vor.u32 v7, v11;
	v21 =	vld.idx.msk [tilespmem:v21+s4+$0x0], $0xffff;
	[tilespmem:s31+$0x30] =	vst v16  }
0x347: {  	v16 =	vor.u32 v6, v9;
	[tilespmem:s31+$0xFFFFFF30] =	vst v17;
	v17 =	vld.idx.msk [tilespmem:v19+s4+$0x0], $0xffff  }
0x348: {  	[tilespmem:s31+$0xFFFFFFB0] =	vst v20;
	v18 =	vld.idx.msk [tilespmem:v18+s4+$0x0], $0xffff;
	v19 =	vor.u32 v5, v15  }
0x349: {  	v20 =	vld.idx.msk [tilespmem:v22+s4+$0x0], $0xffff;
	[tilespmem:s31+$0xB0] =	vst v24;
	v22 =	vor.u32 v5, v14  }
0x34a: {  	v24 =	vor.u32 v5, v13;
	[tilespmem:s22+$0xD0] =	vst v25;
	v23 =	vld.idx.msk [tilespmem:v23+s4+$0x0], $0xffff  }
0x34b: {  	v11 =	vld.idx.msk [tilespmem:v11+s4+$0x0], $0xffff;
	[tilespmem:s22+$0xFFFFFF60] =	vst v21;
	v21 =	vor.u32 v5, v12  }
0x34c: {  	v10 =	vor.u32 v7, v10;
	v16 =	vld.idx.msk [tilespmem:v16+s4+$0x0], $0xffff;
	[tilespmem:s31+$0x40] =	vst v17  }
0x34d: {  	v25 =	vor.u32 v6, v8;
	[tilespmem:s31+$0xFFFFFF40] =	vst v18;
	v17 =	vld.idx.msk [tilespmem:v19+s4+$0x0], $0xffff  }
0x34e: {  	[tilespmem:s31+$0xFFFFFFC0] =	vst v20;
	v18 =	vld.idx.msk [tilespmem:v22+s4+$0x0], $0xffff;
	v19 =	vor.u32 v6, v15  }
0x34f: {  	v20 =	vld.idx.msk [tilespmem:v24+s4+$0x0], $0xffff;
	v22 =	vor.u32 v6, v14;
	[tilespmem:s31+$0xC0] =	vst v23  }
0x350: {  	[tilespmem:s22+$0x70] =	vst v11;
	v11 =	vld.idx.msk [tilespmem:v21+s4+$0x0], $0xffff;
	v21 =	vor.u32 v6, v13  }
0x351: {  	v10 =	vld.idx.msk [tilespmem:v10+s4+$0x0], $0xffff;
	[tilespmem:s22+$0xFFFFFFE0] =	vst v16;
	v16 =	vor.u32 v6, v12  }
0x352: {  	v9 =	vor.u32 v7, v9;
	v23 =	vld.idx.msk [tilespmem:v25+s4+$0x0], $0xffff;
	[tilespmem:s31+$0x50] =	vst v17  }
0x353: {  	v8 =	vor.u32 v7, v8;
	[tilespmem:s31+$0xFFFFFF50] =	vst v18;
	v17 =	vld.idx.msk [tilespmem:v19+s4+$0x0], $0xffff  }
0x354: {  	v15 =	vor.u32 v7, v15;
	[tilespmem:s31+$0xFFFFFFD0] =	vst v20;
	v18 =	vld.idx.msk [tilespmem:v22+s4+$0x0], $0xffff  }
0x355: {  	v14 =	vor.u32 v7, v14;
	v19 =	vld.idx.msk [tilespmem:v21+s4+$0x0], $0xffff;
	[tilespmem:s31+$0xD0] =	vst v11  }
0x356: {  	v13 =	vor.u32 v7, v13;
	[tilespmem:s22+$0xFFFFFF70] =	vst v10;
	v11 =	vld.idx.msk [tilespmem:v16+s4+$0x0], $0xffff  }
0x357: {  	v10 =	vor.u32 v7, v12;
	v9 =	vld.idx.msk [tilespmem:v9+s4+$0x0], $0xffff;
	[tilespmem:s22+$0xE0] =	vst v23  }
0x358: {  	v8 =	vld.idx.msk [tilespmem:v8+s4+$0x0], $0xffff;
	[tilespmem:s31+$0x60] =	vst v17  }
0x359: {  	[tilespmem:s31+$0xFFFFFF60] =	vst v18;
	v12 =	vld.idx.msk [tilespmem:v15+s4+$0x0], $0xffff  }
0x35a: {  	v14 =	vld.idx.msk [tilespmem:v14+s4+$0x0], $0xffff;
	[tilespmem:s31+$0xFFFFFFE0] =	vst v19  }
0x35b: {  	[tilespmem:s31+$0xE0] =	vst v11;
	v11 =	vld.idx.msk [tilespmem:v13+s4+$0x0], $0xffff  }
0x35c: {  	[tilespmem:s22+$0xFFFFFFF0] =	vst v9;
	v9 =	vld.idx.msk [tilespmem:v10+s4+$0x0], $0xffff  }
0x35d: {  	s0 =	simm.s32 $0x1882;
	[tilespmem:s22+$0xF0] =	vst v8  }
0x35e: {  	s1 =	simm.s32 $0x1880;
	v8 =	vmov s0;
	[tilespmem:s31+$0x70] =	vst v12  }
0x35f: {  	v8 =	vand.u32 $0xFFFFFFFE, v8;
	v10 =	vmov s1;
	s1 =	simm.s32 $0x1881;
	[tilespmem:s31+$0xFFFFFF70] =	vst v14  }
0x360: {  	v8 =	vbroadcast v8, $0x0;
	v10 =	vand.u32 $0xFFFFFFFC, v10;
	[tilespmem:s31+$0xFFFFFFF0] =	vst v11;
	v11 =	vmov s1  }
0x361: {  	[tilespmem:s31+$0xF0] =	vst v9;
	v9 =	vbroadcast v10, $0x0;
	v10 =	vand.u32 $0xFFFFFFFD, v11  }
0x362: {  	[hbm4b:s7+s4] =	stream.linear.scatter [tilespmem:s13], [sflag:$0x1], $0x4000, $0x38;
	v10 =	vbroadcast v10, $0x0;
	[tilespmem:$0x17D00] =	vst v63  }
0x363: {  	s2 =	simm.s32 $0x1883;
	_ =	swait.ge [sflag:s18], $0x4000  }
0x364: {  	v11 =	vmov s2;
	[sflag:s18] =	ssyncset.done $0x0  }
0x365: {  	[sflag:s18] =	ssyncadd.s32 $0xFFFFC000  }
0x366: {  	v8 =	vld.idx.msk [tilespmem:v8+s10+$0x0], $0xffff  }
0x367: {  	v9 =	vld.idx.msk [tilespmem:v9+s10+$0x0], $0xffff  }
0x368: {  	v10 =	vld.idx.msk [tilespmem:v10+s10+$0x0], $0xffff  }
0x369: {  	v11 =	vld.idx.msk [tilespmem:v11+s10+$0x0], $0xffff;
	_ =	sdelay $0x1  }
0x36a: {  	v15 =	vshll.u32 v8, $0x7  }
0x36b: {  	v14 =	vshll.u32 v9, $0x7;
	v8 =	vor.u32 v0, v15  }
0x36c: {  	v9 =	vor.u32 v0, v14;
	v13 =	vshll.u32 v10, $0x7  }
0x36d: {  	v12 =	vshll.u32 v11, $0x7;
	v10 =	vor.u32 v0, v13  }
0x36e: {  	v11 =	vor.u32 v0, v12;
	_ =	sdelay $0x1  }
0x36f: {  	v8 =	vld.idx.msk [tilespmem:v8+s4+$0x0], $0xffff  }
0x370: {  	v16 =	vor.u32 v1, v15;
	v9 =	vld.idx.msk [tilespmem:v9+s4+$0x0], $0xffff  }
0x371: {  	v17 =	vor.u32 v1, v14;
	v10 =	vld.idx.msk [tilespmem:v10+s4+$0x0], $0xffff  }
0x372: {  	v18 =	vor.u32 v1, v13;
	v11 =	vld.idx.msk [tilespmem:v11+s4+$0x0], $0xffff  }
0x373: {  	s23 =	simm.s32 $0xBE00;
	s29 =	simm.s32 $0x188B;
	v19 =	vor.u32 v1, v12  }
0x374: {  	v28 =	vmov s29;
	s22 =	simm.s32 $0x1887;
	[tilespmem:s23+$0x0] =	vst v8  }
0x375: {  	v8 =	vmov s22;
	[tilespmem:s23+$0xFFFFFF00] =	vst v9;
	v9 =	vld.idx.msk [tilespmem:v16+s4+$0x0], $0xffff  }
0x376: {  	s24 =	simm.s32 $0x1884;
	v17 =	vld.idx.msk [tilespmem:v17+s4+$0x0], $0xffff;
	[tilespmem:s23+$0xFFFFFF80] =	vst v10;
	v10 =	vor.u32 v2, v15  }
0x377: {  	s25 =	simm.s32 $0x1885;
	v20 =	vor.u32 v2, v14;
	[tilespmem:s23+$0x80] =	vst v11;
	v16 =	vmov s24;
	v18 =	vld.idx.msk [tilespmem:v18+s4+$0x0], $0xffff  }
0x378: {  	v21 =	vmov s25;
	v11 =	vor.u32 v2, v13;
	v19 =	vld.idx.msk [tilespmem:v19+s4+$0x0], $0xffff;
	v16 =	vand.u32 $0xFFFFFFFC, v16  }
0x379: {  	v21 =	vand.u32 $0xFFFFFFFD, v21;
	v28 =	vld.idx.msk [tilespmem:v28+s10+$0x0], $0xffff;
	v22 =	vor.u32 v2, v12;
	v16 =	vbroadcast v16, $0x0  }
0x37a: {  	v8 =	vld.idx.msk [tilespmem:v8+s10+$0x0], $0xffff;
	[tilespmem:s23+$0x10] =	vst v9;
	v9 =	vbroadcast v21, $0x0  }
0x37b: {  	s26 =	simm.s32 $0x1886;
	[tilespmem:s23+$0xFFFFFF10] =	vst v17;
	v10 =	vld.idx.msk [tilespmem:v10+s4+$0x0], $0xffff  }
0x37c: {  	v17 =	vld.idx.msk [tilespmem:v20+s4+$0x0], $0xffff;
	[tilespmem:s23+$0xFFFFFF90] =	vst v18;
	v18 =	vmov s26;
	v20 =	vor.u32 v3, v15  }
0x37d: {  	v21 =	vor.u32 v3, v14;
	[tilespmem:s23+$0x90] =	vst v19;
	v11 =	vld.idx.msk [tilespmem:v11+s4+$0x0], $0xffff;
	v18 =	vand.u32 $0xFFFFFFFE, v18  }
0x37e: {  	s28 =	simm.s32 $0x1888;
	v19 =	vor.u32 v3, v13;
	v22 =	vld.idx.msk [tilespmem:v22+s4+$0x0], $0xffff;
	v18 =	vbroadcast v18, $0x0  }
0x37f: {  	v26 =	vmov s28;
	v16 =	vld.idx.msk [tilespmem:v16+s10+$0x0], $0xffff;
	v8 =	vshll.u32 v8, $0x7  }
0x380: {  	v26 =	vand.u32 $0xFFFFFFFC, v26;
	v24 =	vor.u32 v0, v8;
	v9 =	vld.idx.msk [tilespmem:v9+s10+$0x0], $0xffff;
	[tilespmem:s23+$0x20] =	vst v10  }
0x381: {  	v26 =	vbroadcast v26, $0x0;
	v10 =	vor.u32 v3, v12;
	[tilespmem:s23+$0xFFFFFF20] =	vst v17;
	v17 =	vld.idx.msk [tilespmem:v20+s4+$0x0], $0xffff  }
0x382: {  	v20 =	vld.idx.msk [tilespmem:v21+s4+$0x0], $0xffff;
	[tilespmem:s23+$0xFFFFFFA0] =	vst v11  }
0x383: {  	v11 =	vor.u32 v4, v15;
	v19 =	vld.idx.msk [tilespmem:v19+s4+$0x0], $0xffff  }
0x384: {  	v21 =	vor.u32 v4, v14;
	v18 =	vld.idx.msk [tilespmem:v18+s10+$0x0], $0xffff  }
0x385: {  	[tilespmem:s23+$0xA0] =	vst v22;
	v22 =	vor.u32 v4, v13;
	v24 =	vld.idx.msk [tilespmem:v24+s4+$0x0], $0xffff  }
0x386: {  	v30 =	vor.u32 v1, v8;
	v23 =	vld.idx.msk [tilespmem:v10+s4+$0x0], $0xffff  }
0x387: {  	v26 =	vld.idx.msk [tilespmem:v26+s10+$0x0], $0xffff;
	v10 =	vshll.u32 v16, $0x7;
	v16 =	vor.u32 v4, v12;
	[tilespmem:s23+$0x30] =	vst v17  }
0x388: {  	v17 =	vor.u32 v0, v10;
	[tilespmem:s23+$0xFFFFFF30] =	vst v20;
	v20 =	vld.idx.msk [tilespmem:v11+s4+$0x0], $0xffff  }
0x389: {  	s22 =	simm.s32 $0xC000;
	v21 =	vld.idx.msk [tilespmem:v21+s4+$0x0], $0xffff;
	[tilespmem:s23+$0xFFFFFFB0] =	vst v19;
	v19 =	vor.u32 v5, v15;
	v11 =	vshll.u32 v18, $0x7  }
0x38a: {  	v18 =	vld.idx.msk [tilespmem:v22+s4+$0x0], $0xffff;
	[tilespmem:s22+$0x80] =	vst v24;
	v22 =	vor.u32 v0, v11  }
0x38b: {  	v9 =	vshll.u32 v9, $0x7;
	[tilespmem:s23+$0xB0] =	vst v23;
	v23 =	vor.u32 v5, v14;
	v60 =	vld.idx.msk [tilespmem:v30+s4+$0x0], $0xffff  }
0x38c: {  	v25 =	vor.u32 v0, v9;
	v16 =	vld.idx.msk [tilespmem:v16+s4+$0x0], $0xffff  }
0x38d: {  	v27 =	vor.u32 v5, v13;
	v17 =	vld.idx.msk [tilespmem:v17+s4+$0x0], $0xffff;
	[tilespmem:s23+$0x40] =	vst v20  }
0x38e: {  	v20 =	vor.u32 v5, v12;
	v19 =	vld.idx.msk [tilespmem:v19+s4+$0x0], $0xffff  }
0x38f: {  	[tilespmem:s23+$0xFFFFFF40] =	vst v21;
	v21 =	vld.idx.msk [tilespmem:v22+s4+$0x0], $0xffff;
	v22 =	vor.u32 v6, v15  }
0x390: {  	[tilespmem:s23+$0xFFFFFFC0] =	vst v18;
	v18 =	vld.idx.msk [tilespmem:v23+s4+$0x0], $0xffff;
	v23 =	vor.u32 v1, v11  }
0x391: {  	v25 =	vld.idx.msk [tilespmem:v25+s4+$0x0], $0xffff;
	[tilespmem:s23+$0xC0] =	vst v16;
	v16 =	vor.u32 v1, v10  }
0x392: {  	v29 =	vor.u32 v1, v9;
	v27 =	vld.idx.msk [tilespmem:v27+s4+$0x0], $0xffff  }
0x393: {  	v61 =	vor.u32 v2, v8;
	v20 =	vld.idx.msk [tilespmem:v20+s4+$0x0], $0xffff;
	[tilespmem:s23+$0x50] =	vst v19  }
0x394: {  	v19 =	vor.u32 v6, v14;
	[tilespmem:s22+$0x0] =	vst v21;
	v21 =	vld.idx.msk [tilespmem:v22+s4+$0x0], $0xffff  }
0x395: {  	[tilespmem:s22+$0xFFFFFF00] =	vst v17;
	v22 =	vor.u32 v6, v13;
	v17 =	vld.idx.msk [tilespmem:v23+s4+$0x0], $0xffff  }
0x396: {  	v15 =	vor.u32 v7, v15;
	[tilespmem:s22+$0xFFFFFF80] =	vst v25;
	v16 =	vld.idx.msk [tilespmem:v16+s4+$0x0], $0xffff  }
0x397: {  	[tilespmem:s22+$0x90] =	vst v60;
	v25 =	vor.u32 v2, v11;
	v23 =	vld.idx.msk [tilespmem:v29+s4+$0x0], $0xffff  }
0x398: {  	s30 =	simm.s32 $0x1889;
	v24 =	vor.u32 v2, v10;
	[tilespmem:s23+$0xFFFFFF50] =	vst v18;
	v29 =	vld.idx.msk [tilespmem:v61+s4+$0x0], $0xffff  }
0x399: {  	v18 =	vor.u32 v2, v9;
	[tilespmem:s23+$0xFFFFFFD0] =	vst v27;
	v27 =	vmov s30;
	v19 =	vld.idx.msk [tilespmem:v19+s4+$0x0], $0xffff  }
0x39a: {  	v14 =	vor.u32 v7, v14;
	v22 =	vld.idx.msk [tilespmem:v22+s4+$0x0], $0xffff;
	[tilespmem:s23+$0x60] =	vst v21;
	v21 =	vand.u32 $0xFFFFFFFD, v27  }
0x39b: {  	[tilespmem:s22+$0x10] =	vst v17;
	v15 =	vld.idx.msk [tilespmem:v15+s4+$0x0], $0xffff;
	v17 =	vor.u32 v6, v12;
	v21 =	vbroadcast v21, $0x0  }
0x39c: {  	s31 =	simm.s32 $0x188A;
	[tilespmem:s22+$0xFFFFFF10] =	vst v16;
	v16 =	vld.idx.msk [tilespmem:v25+s4+$0x0], $0xffff  }
0x39d: {  	[tilespmem:s22+$0xFFFFFF90] =	vst v23;
	v23 =	vmov s31;
	v24 =	vld.idx.msk [tilespmem:v24+s4+$0x0], $0xffff;
	v25 =	vor.u32 v3, v11  }
0x39e: {  	v27 =	vor.u32 v3, v10;
	v18 =	vld.idx.msk [tilespmem:v18+s4+$0x0], $0xffff;
	v23 =	vand.u32 $0xFFFFFFFE, v23;
	[tilespmem:s23+$0xFFFFFF60] =	vst v19  }
0x39f: {  	[tilespmem:s23+$0xD0] =	vst v20;
	v20 =	vbroadcast v23, $0x0;
	v23 =	vor.u32 v3, v9;
	v62 =	vld.idx.msk [tilespmem:v14+s4+$0x0], $0xffff  }
0x3a0: {  	v13 =	vor.u32 v7, v13;
	[tilespmem:s23+$0xFFFFFFE0] =	vst v22;
	v17 =	vld.idx.msk [tilespmem:v17+s4+$0x0], $0xffff  }
0x3a1: {  	v31 =	vld.idx.msk [tilespmem:v21+s10+$0x0], $0xffff;
	[tilespmem:s22+$0x20] =	vst v16  }
0x3a2: {  	v14 =	vor.u32 v3, v8;
	[tilespmem:s22+$0xFFFFFF20] =	vst v24;
	v16 =	vld.idx.msk [tilespmem:v25+s4+$0x0], $0xffff  }
0x3a3: {  	[tilespmem:s22+$0xFFFFFFA0] =	vst v18;
	v18 =	vor.u32 v7, v12;
	v12 =	vshll.u32 v28, $0x7;
	v19 =	vld.idx.msk [tilespmem:v27+s4+$0x0], $0xffff  }
0x3a4: {  	[tilespmem:s23+$0x70] =	vst v15;
	v15 =	vld.idx.msk [tilespmem:v23+s4+$0x0], $0xffff;
	v32 =	vor.u32 v0, v12  }
0x3a5: {  	v24 =	vor.u32 v4, v11;
	v23 =	vld.idx.msk [tilespmem:v13+s4+$0x0], $0xffff  }
0x3a6: {  	[tilespmem:s22+$0xA0] =	vst v29;
	v27 =	vld.idx.msk [tilespmem:v20+s10+$0x0], $0xffff;
	v20 =	vor.u32 v4, v10  }
0x3a7: {  	v63 =	vor.u32 v4, v9;
	v29 =	vld.idx.msk [tilespmem:v14+s4+$0x0], $0xffff;
	[tilespmem:s23+$0xE0] =	vst v17  }
0x3a8: {  	v22 =	vor.u32 v4, v8;
	v14 =	vshll.u32 v26, $0x7;
	[tilespmem:s23+$0xFFFFFF70] =	vst v62;
	v21 =	vld.idx.msk [tilespmem:v18+s4+$0x0], $0xffff  }
0x3a9: {  	v25 =	vor.u32 v0, v14;
	v13 =	vshll.u32 v31, $0x7;
	[tilespmem:s22+$0x30] =	vst v16;
	v16 =	vld.idx.msk [tilespmem:v32+s4+$0x0], $0xffff  }
0x3aa: {  	[tilespmem:s22+$0xFFFFFF30] =	vst v19;
	v19 =	vld.idx.msk [tilespmem:v24+s4+$0x0], $0xffff;
	v24 =	vor.u32 v0, v13  }
0x3ab: {  	v18 =	vor.u32 v5, v11;
	[tilespmem:s22+$0xFFFFFFB0] =	vst v15;
	v20 =	vld.idx.msk [tilespmem:v20+s4+$0x0], $0xffff;
	v15 =	vshll.u32 v27, $0x7  }
0x3ac: {  	s24 =	simm.s32 $0x8;
	v17 =	vld.idx.msk [tilespmem:v63+s4+$0x0], $0xffff;
	[tilespmem:s22+$0xB0] =	vst v29;
	v26 =	vor.u32 v0, v15  }
.LBB2_14:
0x3ad: {  	s0 =	sadd.s32 $0x1884, s24;
	v27 =	vor.u32 v5, v10;
	v22 =	vld.idx.msk [tilespmem:v22+s4+$0x0], $0xffff;
	[tilespmem:s23+$0xFFFFFFF0] =	vst v23  }
0x3ae: {  	v28 =	vor.u32 v5, v9;
	v23 =	vmov s0;
	v25 =	vld.idx.msk [tilespmem:v25+s4+$0x0], $0xffff;
	[tilespmem:s23+$0xF0] =	vst v21;
	s23 =	smov.u32 s22  }
0x3af: {  	s0 =	sadd.s32 $0x1887, s24;
	v21 =	vand.u32 $0xFFFFFFFC, v23;
	v23 =	vld.idx.msk [tilespmem:v24+s4+$0x0], $0xffff;
	[tilespmem:s22+$0x40] =	vst v19;
	v19 =	vor.u32 v5, v8  }
0x3b0: {  	v24 =	vmov s0;
	v21 =	vbroadcast v21, $0x0;
	[tilespmem:s22+$0xFFFFFF40] =	vst v20;
	v18 =	vld.idx.msk [tilespmem:v18+s4+$0x0], $0xffff  }
0x3b1: {  	v20 =	vld.idx.msk [tilespmem:v26+s4+$0x0], $0xffff;
	[tilespmem:s22+$0xFFFFFFC0] =	vst v17  }
0x3b2: {  	v26 =	vor.u32 v6, v11;
	v17 =	vld.idx.msk [tilespmem:v27+s4+$0x0], $0xffff  }
0x3b3: {  	v27 =	vor.u32 v1, v15;
	v28 =	vld.idx.msk [tilespmem:v28+s4+$0x0], $0xffff;
	[tilespmem:s22+$0xC0] =	vst v22  }
0x3b4: {  	v22 =	vor.u32 v1, v14;
	v19 =	vld.idx.msk [tilespmem:v19+s4+$0x0], $0xffff  }
0x3b5: {  	v29 =	vor.u32 v1, v13;
	v24 =	vld.idx.msk [tilespmem:v24+s10+$0x0], $0xffff  }
0x3b6: {  	v30 =	vor.u32 v1, v12;
	s22 =	sadd.s32 $0x200, s22;
	v21 =	vld.idx.msk [tilespmem:v21+s10+$0x0], $0xffff;
	[tilespmem:s23+$0x50] =	vst v18  }
0x3b7: {  	v18 =	vor.u32 v6, v10;
	[tilespmem:s22+$0x0] =	vst v20;
	v20 =	vld.idx.msk [tilespmem:v26+s4+$0x0], $0xffff  }
0x3b8: {  	v26 =	vor.u32 v6, v9;
	[tilespmem:s22+$0xFFFFFF00] =	vst v25;
	v25 =	vld.idx.msk [tilespmem:v27+s4+$0x0], $0xffff  }
0x3b9: {  	v22 =	vld.idx.msk [tilespmem:v22+s4+$0x0], $0xffff;
	[tilespmem:s22+$0xFFFFFF80] =	vst v23;
	v23 =	vor.u32 v7, v11;
	v11 =	vmov v15  }
0x3ba: {  	v15 =	vld.idx.msk [tilespmem:v29+s4+$0x0], $0xffff;
	v27 =	vor.u32 v2, v11;
	[tilespmem:s22+$0x80] =	vst v16  }
0x3bb: {  	v16 =	vor.u32 v2, v14;
	v29 =	vld.idx.msk [tilespmem:v30+s4+$0x0], $0xffff;
	[tilespmem:s23+$0xFFFFFF50] =	vst v17  }
0x3bc: {  	s0 =	sadd.s32 $0x1885, s24;
	v17 =	vor.u32 v2, v13;
	v18 =	vld.idx.msk [tilespmem:v18+s4+$0x0], $0xffff;
	[tilespmem:s23+$0xFFFFFFD0] =	vst v28  }
0x3bd: {  	v30 =	vor.u32 v2, v12;
	v28 =	vmov s0;
	v26 =	vld.idx.msk [tilespmem:v26+s4+$0x0], $0xffff;
	[tilespmem:s23+$0x60] =	vst v20  }
0x3be: {  	v20 =	vand.u32 $0xFFFFFFFD, v28;
	[tilespmem:s22+$0x10] =	vst v25;
	v23 =	vld.idx.msk [tilespmem:v23+s4+$0x0], $0xffff;
	v25 =	vor.u32 v6, v8  }
0x3bf: {  	v20 =	vbroadcast v20, $0x0;
	[tilespmem:s22+$0xFFFFFF10] =	vst v22;
	v22 =	vld.idx.msk [tilespmem:v27+s4+$0x0], $0xffff;
	v27 =	vor.u32 v7, v10;
	v10 =	vmov v14  }
0x3c0: {  	s0 =	sadd.s32 $0x1886, s24;
	s24 =	sadd.s32 $0x4, s24;
	v14 =	vld.idx.msk [tilespmem:v16+s4+$0x0], $0xffff;
	[tilespmem:s22+$0xFFFFFF90] =	vst v15  }
0x3c1: {  	p0 =	slt.u32 s24, $0x7C;
	v15 =	vmov s0;
	v16 =	vld.idx.msk [tilespmem:v17+s4+$0x0], $0xffff;
	v17 =	vor.u32 v3, v11;
	[tilespmem:s22+$0x90] =	vst v29  }
0x3c2: {  	v28 =	vor.u32 v3, v10;
	v15 =	vand.u32 $0xFFFFFFFE, v15;
	v29 =	vld.idx.msk [tilespmem:v30+s4+$0x0], $0xffff;
	[tilespmem:s23+$0xD0] =	vst v19  }
0x3c3: {  	v15 =	vbroadcast v15, $0x0;
	v19 =	vor.u32 v3, v13;
	[tilespmem:s23+$0xFFFFFF60] =	vst v18;
	v18 =	vld.idx.msk [tilespmem:v25+s4+$0x0], $0xffff  }
0x3c4: {  	v25 =	vld.idx.msk [tilespmem:v27+s4+$0x0], $0xffff;
	[tilespmem:s23+$0x70] =	vst v23  }
0x3c5: {  	v20 =	vld.idx.msk [tilespmem:v20+s10+$0x0], $0xffff;
	[tilespmem:s22+$0x20] =	vst v22;
	v22 =	vor.u32 v3, v12  }
0x3c6: {  	[tilespmem:s22+$0xFFFFFF20] =	vst v14;
	v17 =	vld.idx.msk [tilespmem:v17+s4+$0x0], $0xffff;
	v14 =	vor.u32 v7, v9;
	v9 =	vmov v13  }
0x3c7: {  	v13 =	vor.u32 v7, v8;
	v8 =	vmov v12;
	v27 =	vld.idx.msk [tilespmem:v28+s4+$0x0], $0xffff;
	[tilespmem:s22+$0xFFFFFFA0] =	vst v16  }
0x3c8: {  	v16 =	vld.idx.msk [tilespmem:v19+s4+$0x0], $0xffff;
	v19 =	vor.u32 v4, v11;
	[tilespmem:s22+$0xA0] =	vst v29  }
0x3c9: {  	v28 =	vor.u32 v4, v10;
	v15 =	vld.idx.msk [tilespmem:v15+s10+$0x0], $0xffff;
	[tilespmem:s23+$0xFFFFFFE0] =	vst v26  }
0x3ca: {  	v12 =	vshll.u32 v24, $0x7;
	v26 =	vor.u32 v4, v9;
	v29 =	vld.idx.msk [tilespmem:v22+s4+$0x0], $0xffff;
	[tilespmem:s23+$0xE0] =	vst v18  }
0x3cb: {  	v30 =	vor.u32 v0, v12;
	[tilespmem:s23+$0xFFFFFF70] =	vst v25;
	v23 =	vld.idx.msk [tilespmem:v14+s4+$0x0], $0xffff  }
.Ltmp6:
0x3cc: {  	v22 =	vor.u32 v4, v8;
	v14 =	vshll.u32 v21, $0x7;
	[tilespmem:s22+$0x30] =	vst v17;
	v21 =	vld.idx.msk [tilespmem:v13+s4+$0x0], $0xffff;
	(pc) =	sbr.rel @p0 .LBB2_14-.Ltmp6, $4  }
0x3cd: {  	v25 =	vor.u32 v0, v14;
	v13 =	vshll.u32 v20, $0x7;
	[tilespmem:s22+$0xFFFFFF30] =	vst v27;
	v19 =	vld.idx.msk [tilespmem:v19+s4+$0x0], $0xffff  }
0x3ce: {  	v24 =	vor.u32 v0, v13;
	v20 =	vld.idx.msk [tilespmem:v28+s4+$0x0], $0xffff;
	[tilespmem:s22+$0xFFFFFFB0] =	vst v16  }
0x3cf: {  	v18 =	vor.u32 v5, v11;
	v15 =	vshll.u32 v15, $0x7;
	v17 =	vld.idx.msk [tilespmem:v26+s4+$0x0], $0xffff  }
0x3d0: {  	v26 =	vor.u32 v0, v15;
	v16 =	vld.idx.msk [tilespmem:v30+s4+$0x0], $0xffff;
	[tilespmem:s22+$0xB0] =	vst v29  }
0x3d1: {  	_ =	sdelay $0x3  }
0x3d2: {  	v26 =	vld.idx.msk [tilespmem:v26+s4+$0x0], $0xffff;
	[tilespmem:s23+$0xFFFFFFF0] =	vst v23;
	v51 =	vor.u32 v1, v12  }
0x3d3: {  	v46 =	vld.idx.msk [tilespmem:v25+s4+$0x0], $0xffff;
	v47 =	vor.u32 v1, v15;
	[tilespmem:s23+$0xF0] =	vst v21  }
0x3d4: {  	v48 =	vld.idx.msk [tilespmem:v24+s4+$0x0], $0xffff;
	v49 =	vor.u32 v1, v14;
	[tilespmem:s22+$0x40] =	vst v19  }
0x3d5: {  	v50 =	vor.u32 v1, v13;
	s31 =	sadd.s32 $0x200, s22;
	[tilespmem:s22+$0xFFFFFF40] =	vst v20  }
0x3d6: {  	v22 =	vld.idx.msk [tilespmem:v22+s4+$0x0], $0xffff;
	[tilespmem:s31+$0x80] =	vst v16  }
0x3d7: {  	v52 =	vor.u32 v5, v10;
	[tilespmem:s31+$0x0] =	vst v26;
	v56 =	vld.idx.msk [tilespmem:v51+s4+$0x0], $0xffff  }
0x3d8: {  	v58 =	vor.u32 v2, v12;
	[tilespmem:s31+$0xFFFFFF00] =	vst v46;
	v53 =	vld.idx.msk [tilespmem:v47+s4+$0x0], $0xffff  }
0x3d9: {  	v54 =	vor.u32 v2, v15;
	[tilespmem:s31+$0xFFFFFF80] =	vst v48;
	v24 =	vld.idx.msk [tilespmem:v49+s4+$0x0], $0xffff  }
0x3da: {  	v55 =	vor.u32 v2, v14;
	[tilespmem:s22+$0xFFFFFFC0] =	vst v17;
	v19 =	vld.idx.msk [tilespmem:v50+s4+$0x0], $0xffff  }
0x3db: {  	v57 =	vor.u32 v2, v13;
	v18 =	vld.idx.msk [tilespmem:v18+s4+$0x0], $0xffff;
	[tilespmem:s22+$0xC0] =	vst v22  }
0x3dc: {  	v31 =	vor.u32 v5, v8;
	v26 =	vld.idx.msk [tilespmem:v52+s4+$0x0], $0xffff;
	[tilespmem:s31+$0x90] =	vst v56  }
0x3dd: {  	v60 =	vor.u32 v6, v11;
	[tilespmem:s31+$0x10] =	vst v53;
	v63 =	vld.idx.msk [tilespmem:v58+s4+$0x0], $0xffff  }
0x3de: {  	v30 =	vor.u32 v3, v12;
	[tilespmem:s31+$0xFFFFFF10] =	vst v24;
	v21 =	vld.idx.msk [tilespmem:v54+s4+$0x0], $0xffff  }
0x3df: {  	v61 =	vor.u32 v3, v15;
	[tilespmem:s31+$0xFFFFFF90] =	vst v19;
	v16 =	vld.idx.msk [tilespmem:v55+s4+$0x0], $0xffff  }
0x3e0: {  	v62 =	vor.u32 v3, v14;
	[tilespmem:s22+$0x50] =	vst v18;
	v20 =	vld.idx.msk [tilespmem:v57+s4+$0x0], $0xffff  }
0x3e1: {  	v28 =	vor.u32 v3, v13;
	v38 =	vld.idx.msk [tilespmem:v31+s4+$0x0], $0xffff;
	[tilespmem:s22+$0xFFFFFF50] =	vst v26  }
0x3e2: {  	v59 =	vor.u32 v5, v9;
	v23 =	vld.idx.msk [tilespmem:v60+s4+$0x0], $0xffff;
	[tilespmem:s31+$0xA0] =	vst v63  }
0x3e3: {  	v47 =	vor.u32 v6, v8;
	[tilespmem:s31+$0x20] =	vst v21;
	v37 =	vld.idx.msk [tilespmem:v30+s4+$0x0], $0xffff  }
0x3e4: {  	v39 =	vor.u32 v4, v12;
	[tilespmem:s31+$0xFFFFFF20] =	vst v16;
	v33 =	vld.idx.msk [tilespmem:v61+s4+$0x0], $0xffff  }
0x3e5: {  	v34 =	vor.u32 v4, v15;
	[tilespmem:s31+$0xFFFFFFA0] =	vst v20;
	v17 =	vld.idx.msk [tilespmem:v62+s4+$0x0], $0xffff  }
0x3e6: {  	v35 =	vor.u32 v4, v14;
	[tilespmem:s22+$0xD0] =	vst v38;
	v20 =	vld.idx.msk [tilespmem:v28+s4+$0x0], $0xffff  }
0x3e7: {  	v36 =	vor.u32 v4, v13;
	v29 =	vld.idx.msk [tilespmem:v59+s4+$0x0], $0xffff;
	[tilespmem:s22+$0x60] =	vst v23  }
0x3e8: {  	v40 =	vor.u32 v7, v11;
	v53 =	vld.idx.msk [tilespmem:v47+s4+$0x0], $0xffff;
	[tilespmem:s31+$0xB0] =	vst v37  }
0x3e9: {  	v32 =	vor.u32 v6, v10;
	[tilespmem:s31+$0x30] =	vst v33;
	v23 =	vld.idx.msk [tilespmem:v39+s4+$0x0], $0xffff  }
0x3ea: {  	v46 =	vor.u32 v5, v12;
	[tilespmem:s31+$0xFFFFFF30] =	vst v17;
	v42 =	vld.idx.msk [tilespmem:v34+s4+$0x0], $0xffff  }
0x3eb: {  	v43 =	vor.u32 v5, v15;
	[tilespmem:s31+$0xFFFFFFB0] =	vst v20;
	v18 =	vld.idx.msk [tilespmem:v35+s4+$0x0], $0xffff  }
0x3ec: {  	v44 =	vor.u32 v5, v14;
	[tilespmem:s22+$0xFFFFFFD0] =	vst v29;
	v20 =	vld.idx.msk [tilespmem:v36+s4+$0x0], $0xffff  }
0x3ed: {  	v45 =	vor.u32 v5, v13;
	v11 =	vld.idx.msk [tilespmem:v40+s4+$0x0], $0xffff;
	[tilespmem:s22+$0xE0] =	vst v53  }
0x3ee: {  	v41 =	vor.u32 v6, v9;
	v21 =	vld.idx.msk [tilespmem:v32+s4+$0x0], $0xffff;
	[tilespmem:s31+$0xC0] =	vst v23  }
0x3ef: {  	v8 =	vor.u32 v7, v8;
	[tilespmem:s31+$0x40] =	vst v42;
	v51 =	vld.idx.msk [tilespmem:v46+s4+$0x0], $0xffff  }
0x3f0: {  	v54 =	vor.u32 v6, v12;
	[tilespmem:s31+$0xFFFFFF40] =	vst v18;
	v17 =	vld.idx.msk [tilespmem:v43+s4+$0x0], $0xffff  }
0x3f1: {  	v49 =	vor.u32 v6, v15;
	[tilespmem:s31+$0xFFFFFFC0] =	vst v20;
	v18 =	vld.idx.msk [tilespmem:v44+s4+$0x0], $0xffff  }
0x3f2: {  	v50 =	vor.u32 v6, v14;
	[tilespmem:s22+$0x70] =	vst v11;
	v20 =	vld.idx.msk [tilespmem:v45+s4+$0x0], $0xffff  }
0x3f3: {  	v52 =	vor.u32 v6, v13;
	v16 =	vld.idx.msk [tilespmem:v41+s4+$0x0], $0xffff;
	[tilespmem:s22+$0xFFFFFF60] =	vst v21  }
0x3f4: {  	v48 =	vor.u32 v7, v10;
	v8 =	vld.idx.msk [tilespmem:v8+s4+$0x0], $0xffff;
	[tilespmem:s31+$0xD0] =	vst v51  }
0x3f5: {  	v55 =	vor.u32 v7, v9;
	[tilespmem:s31+$0x50] =	vst v17;
	v11 =	vld.idx.msk [tilespmem:v54+s4+$0x0], $0xffff  }
0x3f6: {  	v60 =	vor.u32 v7, v12;
	[tilespmem:s31+$0xFFFFFF50] =	vst v18;
	v17 =	vld.idx.msk [tilespmem:v49+s4+$0x0], $0xffff  }
0x3f7: {  	v56 =	vor.u32 v7, v15;
	[tilespmem:s31+$0xFFFFFFD0] =	vst v20;
	v18 =	vld.idx.msk [tilespmem:v50+s4+$0x0], $0xffff  }
0x3f8: {  	v58 =	vor.u32 v7, v14;
	[tilespmem:s22+$0xFFFFFFE0] =	vst v16;
	v57 =	vld.idx.msk [tilespmem:v52+s4+$0x0], $0xffff  }
0x3f9: {  	v59 =	vor.u32 v7, v13;
	v10 =	vld.idx.msk [tilespmem:v48+s4+$0x0], $0xffff;
	[tilespmem:s22+$0xF0] =	vst v8  }
0x3fa: {  	v9 =	vld.idx.msk [tilespmem:v55+s4+$0x0], $0xffff;
	[tilespmem:s31+$0xE0] =	vst v11  }
0x3fb: {  	[tilespmem:s31+$0x60] =	vst v17;
	v63 =	vld.idx.msk [tilespmem:v60+s4+$0x0], $0xffff  }
0x3fc: {  	[tilespmem:s31+$0xFFFFFF60] =	vst v18;
	v61 =	vld.idx.msk [tilespmem:v56+s4+$0x0], $0xffff  }
0x3fd: {  	[tilespmem:s31+$0xFFFFFFE0] =	vst v57;
	v14 =	vld.idx.msk [tilespmem:v58+s4+$0x0], $0xffff  }
0x3fe: {  	[tilespmem:s22+$0xFFFFFF70] =	vst v10;
	v62 =	vld.idx.msk [tilespmem:v59+s4+$0x0], $0xffff  }
0x3ff: {  	[tilespmem:s22+$0xFFFFFFF0] =	vst v9  }
0x400: {  	[tilespmem:s31+$0xF0] =	vst v63  }
0x401: {  	[tilespmem:s31+$0x70] =	vst v61  }
0x402: {  	[tilespmem:s31+$0xFFFFFF70] =	vst v14  }
0x403: {  	[tilespmem:s31+$0xFFFFFFF0] =	vst v62  }
0x404: {  	[hbm4b:s8+s4] =	stream.linear.scatter [tilespmem:s14], [sflag:$0x2], $0x4000, $0x38;
	[tilespmem:$0x17D00] =	vst v63  }
0x405: {  	_ =	swait.ge [sflag:s19], $0x4000  }
0x406: {  	[sflag:s19] =	ssyncset.done $0x0  }
0x407: {  	[sflag:s19] =	ssyncadd.s32 $0xFFFFC000  }
0x408: {  	_ =	swait.ge [sflag:s20], $0x4000  }
0x409: {  	[sflag:s20] =	ssyncset.done $0x0  }
0x40a: {  	s21 =	sadd.s32 $0x1, s21;
	[sflag:s20] =	ssyncadd.s32 $0xFFFFC000  }
0x40b: {  	p0 =	sne.s32 s21, s9;
	_ =	swait.ge [sflag:s17], $0x4000  }
.Ltmp7:
0x40c: {  	[sflag:s17] =	ssyncset.done $0x0;
	(pc) =	sbr.rel @p0 .LBB2_1-.Ltmp7, $4  }
0x40d: {  	[sflag:s17] =	ssyncadd.s32 $0xFFFFC000  }
0x40e: {  	_ =	swait.ge [sflag:s18], $0x4000  }
0x40f: {  	[sflag:s18] =	ssyncset.done $0x0  }
0x410: {  	[sflag:s18] =	ssyncadd.s32 $0xFFFFC000  }
0x411: {  	_ =	sfence.sel $0x180000  }
0x412: {  	[bflag:$0x0] =	sbarrier.arrive $0xFFFF  }
0x413: {  	_ =	strace $0x90000047  }
0x414: {  	s0 =	stileid.u32;
	[bflag:$0x2] =	sbarrier.arrive $0xFFFF  }
0x415: {  	p0 =	sne.s32 s0, $0x0;
	s0 =	rddreg [dreg:$0x3]  }
0x416: {  	s0 =	sadd.s32 @!p0 $0x100000, s0  }
0x417: {  	[sflag:s0] =	ssyncadd.tile.s32 @!p0 $0x1;
	_ =	shalt  }
.Lfunc_end2:
_tile_overlayer_lowered:
.L_overlay_start_2:
0x418: {  	(tag) =	ssettag $0x2  }
0x419: {  	s0 =	rddreg [dreg:$0x0];
	s2 =	stileid.u32  }
0x41a: {  	s1 =	rddreg [dreg:$0x1];
	p0 =	sne.s32 s2, $0x0  }
0x41b: {  	s3 =	rddreg [dreg:$0x2];
	[bflag:$0x3] =	sbarrier.arrive $0xFFFF;
	s2 =	simm.s32 @!p0 $0x1C07  }
0x41c: {  	[timem:s3], [sflag:s2] =	dma.local @!p0 [hbm:s0], s1  }
0x41d: {  	s0 =	simm.s32 @!p0 $0x7  }
0x41e: {  	_ =	swait.ge @!p0 [sflag:s0], s1  }
0x41f: {  	s1 =	ssub.s32 @!p0 $0x0, s1;
	[sflag:s0] =	ssyncset.done @!p0 $0x0  }
0x420: {  	[sflag:s0] =	ssyncadd.s32 @!p0 s1  }
0x421: {  	[bflag:$0x3] =	sbarrier.arrive $0xFFFF  }
0x422: {  	_ =	shalt  }

</sc_bundles>
